<compile_context>
chip_gen: v7x
topology: tpu7x:2x2x1
jax: 0.10.2.dev20260603
libtpu: 0.0.44.dev20260713+nightly
codegen_flags: <defaults>
</compile_context>

<pallas_src>
import functools

import jax
import jax.numpy as jnp
import numpy as np
from jax import lax
from jax.experimental import pallas as pl
from jax.experimental.pallas import tpu as pltpu
from jax.experimental.pallas import tpu_sc as plsc

_K = 8
_NEG_INF = np.float32(-np.inf)

_ERFC_P = [
    2.326819970068386e-2, -1.387039388740657e-1, 3.687424674597105e-1,
    -5.824733027278666e-1, 6.210004621745983e-1, -4.944515323274145e-1,
    3.404879937665872e-1, -2.741127028184656e-1, 5.638259427386472e-1,
]
_ERFC_R = [
    -1.047766399936249e+1, 1.297719955372516e+1, -7.495518717768503e+0,
    2.921019019210786e+0, -1.015265279202700e+0, 4.218463358204948e-1,
    -2.820767439740514e-1, 5.641895067754075e-1,
]
_ERF_T = [
    7.853861353153693e-5, -8.010193625184903e-4, 5.188327685732524e-3,
    -2.685381193529856e-2, 1.128358514861418e-1, -3.761262582423300e-1,
    1.128379165726710e+0,
]
_MAXLOG = np.float32(88.72283905206835)


def _poly(x, coeffs):
    p = jnp.zeros_like(x)
    for c in coeffs:
        p = p * x + np.float32(c)
    return p


def _erfc(x):
    abs_x = jnp.abs(x)
    z = jnp.exp(-x * x)
    q = np.float32(1.0) / abs_x
    yq = q * q
    p = jnp.where(abs_x < np.float32(2.0), _poly(yq, _ERFC_P), _poly(yq, _ERFC_R))
    yv = z * q * p
    y_clamp = jnp.where(-x * x < -_MAXLOG, np.float32(0.0), yv)
    erfc_big = jnp.where(x < np.float32(0.0), np.float32(2.0) - y_clamp, y_clamp)
    erf_small = x * _poly(x * x, _ERF_T)
    return jnp.where(abs_x > np.float32(1.0), erfc_big, np.float32(1.0) - erf_small)


def _gelu(x):
    return np.float32(0.5) * x * _erfc(-x * np.float32(np.sqrt(0.5)))


def _conv_body(x_ref, wq_ref, w2_ref, cb_ref, y_ref):
    xb = x_ref[...]
    bt, c, d = xb.shape
    cp = c // 2
    z = jnp.zeros((bt, 1, d), jnp.float32)
    xm1 = jnp.concatenate([z, xb[:, :-1, :]], axis=1)
    PA = jnp.dot(xb.reshape(bt * cp, 2 * d), wq_ref[...],
                 preferred_element_type=jnp.float32).reshape(bt, cp, 2)
    PB = jnp.dot(xm1.reshape(bt * cp, 2 * d), wq_ref[...],
                 preferred_element_type=jnp.float32).reshape(bt, cp, 2)
    pe = jnp.dot(xb[:, c - 1, :], w2_ref[...],
                 preferred_element_type=jnp.float32)
    z1 = jnp.zeros((bt, 1), jnp.float32)
    cb = cb_ref[0, 0]
    y_odd = (PA[:, :, 0] + jnp.concatenate([PA[:, 1:, 1], z1], axis=1)) + cb
    y_even = (PB[:, :, 0] + jnp.concatenate([PB[:, 1:, 1], pe], axis=1)) + cb
    y_ref[...] = jnp.stack([y_even, y_odd], axis=2).reshape(bt, c)


def _mlp_body(y_ref, w1_ref, b1_ref, w2_ref, b2_ref, logit_ref):
    ni = pl.program_id(1)
    nn = pl.num_programs(1)
    y = y_ref[...]
    h = jnp.dot(y, w1_ref[...], preferred_element_type=jnp.float32)
    h = h + b1_ref[0, :][None, :]
    g = _gelu(h)
    partial = jnp.dot(g, w2_ref[...], preferred_element_type=jnp.float32)

    @pl.when(ni == 0)
    def _():
        logit_ref[...] = partial

    @pl.when(ni != 0)
    def _():
        logit_ref[...] = logit_ref[...] + partial

    @pl.when(ni == nn - 1)
    def _():
        logit_ref[...] = logit_ref[...] + b2_ref[0, :][None, :]


_GATHER_DN = lax.GatherDimensionNumbers(
    offset_dims=(), collapsed_slice_dims=(0,), start_index_map=(0,))


def _gather16(v, idx):
    return lax.gather(v, idx.reshape(16, 1), _GATHER_DN, slice_sizes=(1,),
                      mode=lax.GatherScatterMode.PROMISE_IN_BOUNDS)


def _topk_sc_body(logit_hbm, val_hbm, idx_hbm, lv, rv, ri):
    nc = 2
    wid = lax.axis_index("s") * nc + lax.axis_index("c")
    rows = 64
    base = wid * rows
    pltpu.sync_copy(logit_hbm.at[pl.ds(base, rows)], lv)
    lane = lax.iota(jnp.int32, 16)

    def _splat_max(v):
        for s in (8, 4, 2, 1):
            v = jnp.maximum(v, _gather16(v, jnp.bitwise_xor(lane, s)))
        return v

    def _splat_min_i32(v):
        for s in (8, 4, 2, 1):
            v = jnp.minimum(v, _gather16(v, jnp.bitwise_xor(lane, s)))
        return v

    def _halfsum(v):
        for s in (4, 2, 1):
            v = v + _gather16(v, jnp.bitwise_xor(lane, s))
        return v

    def pair_body(pr, carry):
        res_v = jnp.zeros((16,), jnp.float32)
        res_i = jnp.zeros((16,), jnp.int32)
        for half in range(2):
            r = 2 * pr + half
            vs = [lv[r, pl.ds(16 * t, 16)] for t in range(4)]
            idxs = [lane + 16 * t for t in range(4)]
            offs = 8 * half
            for k in range(_K):
                m01 = jnp.maximum(vs[0], vs[1])
                m23 = jnp.maximum(vs[2], vs[3])
                mvec = _splat_max(jnp.maximum(m01, m23))
                cands = [jnp.where(vs[t] == mvec, idxs[t], 64) for t in range(4)]
                cmin = jnp.minimum(jnp.minimum(cands[0], cands[1]),
                                   jnp.minimum(cands[2], cands[3]))
                amvec = _splat_min_i32(cmin)
                sel = lane == (offs + k)
                res_v = jnp.where(sel, mvec, res_v)
                res_i = jnp.where(sel, amvec, res_i)
                vs = [jnp.where(idxs[t] == amvec, _NEG_INF, vs[t])
                      for t in range(4)]
        low = lane < 8
        mxv = _gather16(res_v, jnp.where(low, 0, 8))
        ev = jnp.exp(res_v - mxv)
        sv = _halfsum(ev)
        rv[pl.ds(pr * 16, 16)] = ev / sv
        ri[pl.ds(pr * 16, 16)] = res_i
        return carry

    lax.fori_loop(0, rows // 2, pair_body, 0)
    pltpu.sync_copy(rv, val_hbm.at[pl.ds(base * _K, rows * _K)])
    pltpu.sync_copy(ri, idx_hbm.at[pl.ds(base * _K, rows * _K)])


def kernel(x, conv_w, conv_b, W1, b1, W2, b2):
    B, C, D = x.shape
    E = W2.shape[1]
    w0 = conv_w[0, :, 0]
    w1c = conv_w[0, :, 1]
    w2 = conv_w[0, :, 2]
    zz = jnp.zeros((D,), jnp.float32)
    wq = jnp.stack([jnp.concatenate([w0, w1c]), jnp.concatenate([w2, zz])], axis=1)
    w2r = w2.reshape(D, 1)
    cb = conv_b.reshape(1, 1)
    b1r = b1.reshape(1, -1)
    b2r = b2.reshape(1, -1)

    bt_a = 16
    y = pl.pallas_call(
        _conv_body,
        grid=(B // bt_a,),
        in_specs=[
            pl.BlockSpec((bt_a, C, D), lambda bi: (bi, 0, 0)),
            pl.BlockSpec((2 * D, 2), lambda bi: (0, 0)),
            pl.BlockSpec((D, 1), lambda bi: (0, 0)),
            pl.BlockSpec((1, 1), lambda bi: (0, 0)),
        ],
        out_specs=pl.BlockSpec((bt_a, C), lambda bi: (bi, 0)),
        out_shape=jax.ShapeDtypeStruct((B, C), jnp.float32),
    )(x, wq, w2r, cb)

    bt_b = min(256, B)
    n1 = W1.shape[1]
    nchunk = 4 if n1 % 4 == 0 else 1
    nt = n1 // nchunk
    logits = pl.pallas_call(
        _mlp_body,
        grid=(B // bt_b, nchunk),
        in_specs=[
            pl.BlockSpec((bt_b, C), lambda bi, ni: (bi, 0)),
            pl.BlockSpec((C, nt), lambda bi, ni: (0, ni)),
            pl.BlockSpec((1, nt), lambda bi, ni: (0, ni)),
            pl.BlockSpec((nt, E), lambda bi, ni: (ni, 0)),
            pl.BlockSpec((1, E), lambda bi, ni: (0, 0)),
        ],
        out_specs=pl.BlockSpec((bt_b, E), lambda bi, ni: (bi, 0)),
        out_shape=jax.ShapeDtypeStruct((B, E), jnp.float32),
    )(y, W1, b1r, W2, b2r)

    mesh = plsc.VectorSubcoreMesh(core_axis_name="c", subcore_axis_name="s")
    topk = functools.partial(
        pl.kernel,
        mesh=mesh,
        out_type=[
            jax.ShapeDtypeStruct((B * _K,), jnp.float32),
            jax.ShapeDtypeStruct((B * _K,), jnp.int32),
        ],
        scratch_types=[
            pltpu.VMEM((64, E), jnp.float32),
            pltpu.VMEM((64 * _K,), jnp.float32),
            pltpu.VMEM((64 * _K,), jnp.int32),
        ],
    )(_topk_sc_body)
    val_flat, idx_flat = topk(logits)
    return (val_flat.reshape(B, _K), idx_flat.reshape(B, _K))

# --- scband reference (transcript-rebuilt; emitter-appended) ---
"""Pipeline reference for scband-router-49211735277798 (READ-ONLY COPY).

The authoritative reference and input builder live on the scoring server;
editing this copy changes nothing except your own understanding.
"""

import jax, jax.numpy as jnp
import numpy as np

B, C, D, E, K = 2048, 1024, 128, 64, 8


def setup_inputs(seed: int = 0) -> dict:
    key = jax.random.key(seed)
    ks = jax.random.split(key, 5)
    x = jax.random.normal(ks[0], (B, C, D), dtype=jnp.float32)
    conv_w = jax.random.normal(ks[1], (1, D, 3), dtype=jnp.float32) * np.float32(1.0 / np.sqrt(D * 3))
    conv_b = jnp.zeros((1,), dtype=jnp.float32)
    W1 = jax.random.normal(ks[2], (C, 4 * C), dtype=jnp.float32) * np.float32(1.0 / np.sqrt(C))
    b1 = jnp.zeros((4 * C,), dtype=jnp.float32)
    W2 = jax.random.normal(ks[3], (4 * C, E), dtype=jnp.float32) * np.float32(1.0 / np.sqrt(4 * C))
    b2 = jnp.zeros((E,), dtype=jnp.float32)
    return {"x": x, "conv_w": conv_w, "conv_b": conv_b, "W1": W1, "b1": b1, "W2": W2, "b2": b2}


def reference(x, conv_w, conv_b, W1, b1, W2, b2):
    # x: [B, C, D]; torch does time_conv(x.transpose(1,2)) -> Conv1d(D -> 1, k=3, pad=1) over length C
    xt = jnp.transpose(x, (0, 2, 1))  # [B, D, C]
    y = jax.lax.conv_general_dilated(
        xt, conv_w,
        window_strides=(1,),
        padding=((1, 1),),
        dimension_numbers=("NCW", "OIW", "NCW"),
    )  # [B, 1, C]
    y = y + conv_b[None, :, None]
    y = jnp.squeeze(y, axis=1)  # [B, C]
    h = jax.nn.gelu(y @ W1 + b1, approximate=False)  # torch nn.GELU default = exact
    logits = h @ W2 + b2  # [B, E]
    probs = jax.nn.softmax(logits, axis=1)
    router_logit, top_k_idx = jax.lax.top_k(probs, K)  # [B, K]
    router_logit = router_logit / jnp.sum(router_logit, axis=1, keepdims=True)
    return (router_logit, top_k_idx)

if __name__ == "__main__":
    import jax
    _d = setup_inputs()
    print(jax.jit(kernel)(*tuple(_d.values())))

</pallas_src>

<mosaic_0001>
#map = affine_map<(d0, d1) -> (0, 0)>
#map1 = affine_map<(d0, d1) -> (0)>
module attributes {stable_mosaic.version = 14 : i64} {
  func.func @_topk_sc_body(%arg0: i32, %arg1: i32, %arg2: memref<2048x64xf32, #tpu.memory_space<hbm>>, %arg3: memref<16384xf32, #tpu.memory_space<hbm>>, %arg4: memref<16384xi32, #tpu.memory_space<hbm>>, %arg5: memref<64x64xf32, #tpu.memory_space<vmem>>, %arg6: memref<512xf32, #tpu.memory_space<vmem>>, %arg7: memref<512xi32, #tpu.memory_space<vmem>>) attributes {dimension_semantics = [#tpu.dimension_semantics<core_parallel>, #tpu.dimension_semantics<subcore_parallel>], iteration_bounds = array<i64: 2, 16>, scalar_prefetch = 0 : i64, scratch_operands = 3 : i64, tpu.core_type = #tpu.core_type<sc_vector_subcore>, window_params = [{transform_indices = #map}, {transform_indices = #map1}, {transform_indices = #map1}]} {
    %mul3A = arith.constant 2 : i32
    %mul3A_0 = arith.muli %arg1, %mul3A : i32
    %add3A = arith.addi %mul3A_0, %arg0 : i32
    %mul3A_1 = arith.constant 64 : i32
    %mul3A_2 = arith.muli %add3A, %mul3A_1 : i32
    "tpu.region"() ({
      %run_scoped3A = tpu.sem_alloc : memref<!tpu.dma_semaphore, #tpu.memory_space<semaphore_mem>>
      %dma_start3A = arith.constant 0 : i32
      %dma_start3A_12 = tpu.memref_slice %arg2[%mul3A_2, %dma_start3A] : memref<2048x64xf32, #tpu.memory_space<hbm>> -> memref<64x64xf32, #tpu.memory_space<hbm>>
      %dma_start3A_13 = arith.constant 0 : i32
      %dma_start3A_14 = tpu.memref_slice %arg2[%mul3A_2, %dma_start3A_13] : memref<2048x64xf32, #tpu.memory_space<hbm>> -> memref<64x64xf32, #tpu.memory_space<hbm>>
      tpu.enqueue_dma source(%dma_start3A_14 : memref<64x64xf32, #tpu.memory_space<hbm>>) target(%arg5 : memref<64x64xf32, #tpu.memory_space<vmem>>) target_semaphore(%run_scoped3A : memref<!tpu.dma_semaphore, #tpu.memory_space<semaphore_mem>>)
      %dma_wait3A = arith.constant 0 : i32
      %dma_wait3A_15 = tpu.memref_slice %arg2[%mul3A_2, %dma_wait3A] : memref<2048x64xf32, #tpu.memory_space<hbm>> -> memref<64x64xf32, #tpu.memory_space<hbm>>
      %dma_wait3A_16 = arith.constant 0 : i32
      %dma_wait3A_17 = tpu.memref_slice %arg2[%mul3A_2, %dma_wait3A_16] : memref<2048x64xf32, #tpu.memory_space<hbm>> -> memref<64x64xf32, #tpu.memory_space<hbm>>
      tpu.wait_dma2 semaphore(%run_scoped3A : memref<!tpu.dma_semaphore, #tpu.memory_space<semaphore_mem>>) src(%dma_wait3A_17 : memref<64x64xf32, #tpu.memory_space<hbm>>) dst(%arg5 : memref<64x64xf32, #tpu.memory_space<vmem>>)
      tpu.yield
    }) : () -> ()
    %iota3A = tpu.iota {dimensions = array<i32: 0>} : vector<16xi32>
    %scan3A = arith.constant 0 : i32
    %scan3A_3 = arith.constant 0 : i32
    %scan3A_4 = arith.constant 32 : i32
    %scan3A_5 = arith.addi %scan3A_3, %scan3A_4 : i32
    %scan3A_6 = arith.constant 1 : i32
    scf.for %scan3A_12 = %scan3A_3 to %scan3A_5 step %scan3A_6  : i32 {
      %broadcast_in_dim3A = arith.constant 0.000000e+00 : f32
      %broadcast_in_dim3A_13 = vector.broadcast %broadcast_in_dim3A : f32 to vector<16xf32>
      %broadcast_in_dim3A_14 = arith.constant 0 : i32
      %broadcast_in_dim3A_15 = vector.broadcast %broadcast_in_dim3A_14 : i32 to vector<16xi32>
      %mul3A_16 = arith.constant 2 : i32
      %mul3A_17 = arith.muli %mul3A_16, %scan3A_12 : i32
      %add3A_18 = arith.constant 0 : i32
      %add3A_19 = arith.addi %mul3A_17, %add3A_18 : i32
      %get3A = arith.index_cast %add3A_19 : i32 to index
      %get3A_20 = arith.constant 0 : index
      %get3A_21 = tpu.vector_load %arg5[%get3A, %get3A_20] {strides = array<i32>} : memref<64x64xf32, #tpu.memory_space<vmem>>, vector<1x16xf32>,
      %get3A_22 = vector.shape_cast %get3A_21 : vector<1x16xf32> to vector<16xf32>
      %get3A_23 = arith.index_cast %add3A_19 : i32 to index
      %get3A_24 = arith.constant 16 : index
      %get3A_25 = tpu.vector_load %arg5[%get3A_23, %get3A_24] {strides = array<i32>} : memref<64x64xf32, #tpu.memory_space<vmem>>, vector<1x16xf32>,
      %get3A_26 = vector.shape_cast %get3A_25 : vector<1x16xf32> to vector<16xf32>
      %get3A_27 = arith.index_cast %add3A_19 : i32 to index
      %get3A_28 = arith.constant 32 : index
      %get3A_29 = tpu.vector_load %arg5[%get3A_27, %get3A_28] {strides = array<i32>} : memref<64x64xf32, #tpu.memory_space<vmem>>, vector<1x16xf32>,
      %get3A_30 = vector.shape_cast %get3A_29 : vector<1x16xf32> to vector<16xf32>
      %get3A_31 = arith.index_cast %add3A_19 : i32 to index
      %get3A_32 = arith.constant 48 : index
      %get3A_33 = tpu.vector_load %arg5[%get3A_31, %get3A_32] {strides = array<i32>} : memref<64x64xf32, #tpu.memory_space<vmem>>, vector<1x16xf32>,
      %get3A_34 = vector.shape_cast %get3A_33 : vector<1x16xf32> to vector<16xf32>
      %add3A_35 = arith.constant 0 : i32
      %add3A_36 = vector.broadcast %add3A_35 : i32 to vector<16xi32>
      %add3A_37 = arith.addi %iota3A, %add3A_36 : vector<16xi32>
      %add3A_38 = arith.constant 16 : i32
      %add3A_39 = vector.broadcast %add3A_38 : i32 to vector<16xi32>
      %add3A_40 = arith.addi %iota3A, %add3A_39 : vector<16xi32>
      %add3A_41 = arith.constant 32 : i32
      %add3A_42 = vector.broadcast %add3A_41 : i32 to vector<16xi32>
      %add3A_43 = arith.addi %iota3A, %add3A_42 : vector<16xi32>
      %add3A_44 = arith.constant 48 : i32
      %add3A_45 = vector.broadcast %add3A_44 : i32 to vector<16xi32>
      %add3A_46 = arith.addi %iota3A, %add3A_45 : vector<16xi32>
      %max3A = arith.maximumf %get3A_22, %get3A_26 : vector<16xf32>
      %max3A_47 = arith.maximumf %get3A_30, %get3A_34 : vector<16xf32>
      %max3A_48 = arith.maximumf %max3A, %max3A_47 : vector<16xf32>
      %xor3A = arith.constant 8 : i32
      %xor3A_49 = vector.broadcast %xor3A : i32 to vector<16xi32>
      %xor3A_50 = arith.xori %iota3A, %xor3A_49 : vector<16xi32>
      %reshape3A = vector.shape_cast %xor3A_50 : vector<16xi32> to vector<16x1xi32>
      %gather3A = vector.shape_cast %reshape3A : vector<16x1xi32> to vector<16xi32>
      %gather3A_51 = tpu.dynamic_gather %max3A_48[%gather3A] in [0] : vector<16xf32>, vector<16xi32> -> vector<16xf32>
      %max3A_52 = arith.maximumf %max3A_48, %gather3A_51 : vector<16xf32>
      %xor3A_53 = arith.constant 4 : i32
      %xor3A_54 = vector.broadcast %xor3A_53 : i32 to vector<16xi32>
      %xor3A_55 = arith.xori %iota3A, %xor3A_54 : vector<16xi32>
      %reshape3A_56 = vector.shape_cast %xor3A_55 : vector<16xi32> to vector<16x1xi32>
      %gather3A_57 = vector.shape_cast %reshape3A_56 : vector<16x1xi32> to vector<16xi32>
      %gather3A_58 = tpu.dynamic_gather %max3A_52[%gather3A_57] in [0] : vector<16xf32>, vector<16xi32> -> vector<16xf32>
      %max3A_59 = arith.maximumf %max3A_52, %gather3A_58 : vector<16xf32>
      %xor3A_60 = arith.constant 2 : i32
      %xor3A_61 = vector.broadcast %xor3A_60 : i32 to vector<16xi32>
      %xor3A_62 = arith.xori %iota3A, %xor3A_61 : vector<16xi32>
      %reshape3A_63 = vector.shape_cast %xor3A_62 : vector<16xi32> to vector<16x1xi32>
      %gather3A_64 = vector.shape_cast %reshape3A_63 : vector<16x1xi32> to vector<16xi32>
      %gather3A_65 = tpu.dynamic_gather %max3A_59[%gather3A_64] in [0] : vector<16xf32>, vector<16xi32> -> vector<16xf32>
      %max3A_66 = arith.maximumf %max3A_59, %gather3A_65 : vector<16xf32>
      %xor3A_67 = arith.constant 1 : i32
      %xor3A_68 = vector.broadcast %xor3A_67 : i32 to vector<16xi32>
      %xor3A_69 = arith.xori %iota3A, %xor3A_68 : vector<16xi32>
      %reshape3A_70 = vector.shape_cast %xor3A_69 : vector<16xi32> to vector<16x1xi32>
      %gather3A_71 = vector.shape_cast %reshape3A_70 : vector<16x1xi32> to vector<16xi32>
      %gather3A_72 = tpu.dynamic_gather %max3A_66[%gather3A_71] in [0] : vector<16xf32>, vector<16xi32> -> vector<16xf32>
      %max3A_73 = arith.maximumf %max3A_66, %gather3A_72 : vector<16xf32>
      %eq3A = arith.cmpf oeq, %get3A_22, %max3A_73 : vector<16xf32>
      %jit3A = arith.constant 64 : i32
      %broadcast_in_dim3A_74 = vector.broadcast %jit3A : i32 to vector<16xi32>
      %select_n3A = arith.select %eq3A, %add3A_37, %broadcast_in_dim3A_74 : vector<16xi1>, vector<16xi32>
      %eq3A_75 = arith.cmpf oeq, %get3A_26, %max3A_73 : vector<16xf32>
      %jit3A_76 = arith.constant 64 : i32
      %broadcast_in_dim3A_77 = vector.broadcast %jit3A_76 : i32 to vector<16xi32>
      %select_n3A_78 = arith.select %eq3A_75, %add3A_40, %broadcast_in_dim3A_77 : vector<16xi1>, vector<16xi32>
      %eq3A_79 = arith.cmpf oeq, %get3A_30, %max3A_73 : vector<16xf32>
      %jit3A_80 = arith.constant 64 : i32
      %broadcast_in_dim3A_81 = vector.broadcast %jit3A_80 : i32 to vector<16xi32>
      %select_n3A_82 = arith.select %eq3A_79, %add3A_43, %broadcast_in_dim3A_81 : vector<16xi1>, vector<16xi32>
      %eq3A_83 = arith.cmpf oeq, %get3A_34, %max3A_73 : vector<16xf32>
      %jit3A_84 = arith.constant 64 : i32
      %broadcast_in_dim3A_85 = vector.broadcast %jit3A_84 : i32 to vector<16xi32>
      %select_n3A_86 = arith.select %eq3A_83, %add3A_46, %broadcast_in_dim3A_85 : vector<16xi1>, vector<16xi32>
      %min3A = arith.minsi %select_n3A, %select_n3A_78 : vector<16xi32>
      %min3A_87 = arith.minsi %select_n3A_82, %select_n3A_86 : vector<16xi32>
      %min3A_88 = arith.minsi %min3A, %min3A_87 : vector<16xi32>
      %xor3A_89 = arith.constant 8 : i32
      %xor3A_90 = vector.broadcast %xor3A_89 : i32 to vector<16xi32>
      %xor3A_91 = arith.xori %iota3A, %xor3A_90 : vector<16xi32>
      %reshape3A_92 = vector.shape_cast %xor3A_91 : vector<16xi32> to vector<16x1xi32>
      %gather3A_93 = vector.shape_cast %reshape3A_92 : vector<16x1xi32> to vector<16xi32>
      %gather3A_94 = tpu.dynamic_gather %min3A_88[%gather3A_93] in [0] : vector<16xi32>, vector<16xi32> -> vector<16xi32>
      %min3A_95 = arith.minsi %min3A_88, %gather3A_94 : vector<16xi32>
      %xor3A_96 = arith.constant 4 : i32
      %xor3A_97 = vector.broadcast %xor3A_96 : i32 to vector<16xi32>
      %xor3A_98 = arith.xori %iota3A, %xor3A_97 : vector<16xi32>
      %reshape3A_99 = vector.shape_cast %xor3A_98 : vector<16xi32> to vector<16x1xi32>
      %gather3A_100 = vector.shape_cast %reshape3A_99 : vector<16x1xi32> to vector<16xi32>
      %gather3A_101 = tpu.dynamic_gather %min3A_95[%gather3A_100] in [0] : vector<16xi32>, vector<16xi32> -> vector<16xi32>
      %min3A_102 = arith.minsi %min3A_95, %gather3A_101 : vector<16xi32>
      %xor3A_103 = arith.constant 2 : i32
      %xor3A_104 = vector.broadcast %xor3A_103 : i32 to vector<16xi32>
      %xor3A_105 = arith.xori %iota3A, %xor3A_104 : vector<16xi32>
      %reshape3A_106 = vector.shape_cast %xor3A_105 : vector<16xi32> to vector<16x1xi32>
      %gather3A_107 = vector.shape_cast %reshape3A_106 : vector<16x1xi32> to vector<16xi32>
      %gather3A_108 = tpu.dynamic_gather %min3A_102[%gather3A_107] in [0] : vector<16xi32>, vector<16xi32> -> vector<16xi32>
      %min3A_109 = arith.minsi %min3A_102, %gather3A_108 : vector<16xi32>
      %xor3A_110 = arith.constant 1 : i32
      %xor3A_111 = vector.broadcast %xor3A_110 : i32 to vector<16xi32>
      %xor3A_112 = arith.xori %iota3A, %xor3A_111 : vector<16xi32>
      %reshape3A_113 = vector.shape_cast %xor3A_112 : vector<16xi32> to vector<16x1xi32>
      %gather3A_114 = vector.shape_cast %reshape3A_113 : vector<16x1xi32> to vector<16xi32>
      %gather3A_115 = tpu.dynamic_gather %min3A_109[%gather3A_114] in [0] : vector<16xi32>, vector<16xi32> -> vector<16xi32>
      %min3A_116 = arith.minsi %min3A_109, %gather3A_115 : vector<16xi32>
      %eq3A_117 = arith.constant 0 : i32
      %eq3A_118 = vector.broadcast %eq3A_117 : i32 to vector<16xi32>
      %eq3A_119 = arith.cmpi eq, %iota3A, %eq3A_118 : vector<16xi32>
      %select_n3A_120 = arith.select %eq3A_119, %max3A_73, %broadcast_in_dim3A_13 : vector<16xi1>, vector<16xf32>
      %select_n3A_121 = arith.select %eq3A_119, %min3A_116, %broadcast_in_dim3A_15 : vector<16xi1>, vector<16xi32>
      %eq3A_122 = arith.cmpi eq, %add3A_37, %min3A_116 : vector<16xi32>
      %jit3A_123 = arith.constant 0xFF800000 : f32
      %broadcast_in_dim3A_124 = vector.broadcast %jit3A_123 : f32 to vector<16xf32>
      %select_n3A_125 = arith.select %eq3A_122, %broadcast_in_dim3A_124, %get3A_22 : vector<16xi1>, vector<16xf32>
      %eq3A_126 = arith.cmpi eq, %add3A_40, %min3A_116 : vector<16xi32>
      %jit3A_127 = arith.constant 0xFF800000 : f32
      %broadcast_in_dim3A_128 = vector.broadcast %jit3A_127 : f32 to vector<16xf32>
      %select_n3A_129 = arith.select %eq3A_126, %broadcast_in_dim3A_128, %get3A_26 : vector<16xi1>, vector<16xf32>
      %eq3A_130 = arith.cmpi eq, %add3A_43, %min3A_116 : vector<16xi32>
      %jit3A_131 = arith.constant 0xFF800000 : f32
      %broadcast_in_dim3A_132 = vector.broadcast %jit3A_131 : f32 to vector<16xf32>
      %select_n3A_133 = arith.select %eq3A_130, %broadcast_in_dim3A_132, %get3A_30 : vector<16xi1>, vector<16xf32>
      %eq3A_134 = arith.cmpi eq, %add3A_46, %min3A_116 : vector<16xi32>
      %jit3A_135 = arith.constant 0xFF800000 : f32
      %broadcast_in_dim3A_136 = vector.broadcast %jit3A_135 : f32 to vector<16xf32>
      %select_n3A_137 = arith.select %eq3A_134, %broadcast_in_dim3A_136, %get3A_34 : vector<16xi1>, vector<16xf32>
      %max3A_138 = arith.maximumf %select_n3A_125, %select_n3A_129 : vector<16xf32>
      %max3A_139 = arith.maximumf %select_n3A_133, %select_n3A_137 : vector<16xf32>
      %max3A_140 = arith.maximumf %max3A_138, %max3A_139 : vector<16xf32>
      %xor3A_141 = arith.constant 8 : i32
      %xor3A_142 = vector.broadcast %xor3A_141 : i32 to vector<16xi32>
      %xor3A_143 = arith.xori %iota3A, %xor3A_142 : vector<16xi32>
      %reshape3A_144 = vector.shape_cast %xor3A_143 : vector<16xi32> to vector<16x1xi32>
      %gather3A_145 = vector.shape_cast %reshape3A_144 : vector<16x1xi32> to vector<16xi32>
      %gather3A_146 = tpu.dynamic_gather %max3A_140[%gather3A_145] in [0] : vector<16xf32>, vector<16xi32> -> vector<16xf32>
      %max3A_147 = arith.maximumf %max3A_140, %gather3A_146 : vector<16xf32>
      %xor3A_148 = arith.constant 4 : i32
      %xor3A_149 = vector.broadcast %xor3A_148 : i32 to vector<16xi32>
      %xor3A_150 = arith.xori %iota3A, %xor3A_149 : vector<16xi32>
      %reshape3A_151 = vector.shape_cast %xor3A_150 : vector<16xi32> to vector<16x1xi32>
      %gather3A_152 = vector.shape_cast %reshape3A_151 : vector<16x1xi32> to vector<16xi32>
      %gather3A_153 = tpu.dynamic_gather %max3A_147[%gather3A_152] in [0] : vector<16xf32>, vector<16xi32> -> vector<16xf32>
      %max3A_154 = arith.maximumf %max3A_147, %gather3A_153 : vector<16xf32>
      %xor3A_155 = arith.constant 2 : i32
      %xor3A_156 = vector.broadcast %xor3A_155 : i32 to vector<16xi32>
      %xor3A_157 = arith.xori %iota3A, %xor3A_156 : vector<16xi32>
      %reshape3A_158 = vector.shape_cast %xor3A_157 : vector<16xi32> to vector<16x1xi32>
      %gather3A_159 = vector.shape_cast %reshape3A_158 : vector<16x1xi32> to vector<16xi32>
      %gather3A_160 = tpu.dynamic_gather %max3A_154[%gather3A_159] in [0] : vector<16xf32>, vector<16xi32> -> vector<16xf32>
      %max3A_161 = arith.maximumf %max3A_154, %gather3A_160 : vector<16xf32>
      %xor3A_162 = arith.constant 1 : i32
      %xor3A_163 = vector.broadcast %xor3A_162 : i32 to vector<16xi32>
      %xor3A_164 = arith.xori %iota3A, %xor3A_163 : vector<16xi32>
      %reshape3A_165 = vector.shape_cast %xor3A_164 : vector<16xi32> to vector<16x1xi32>
      %gather3A_166 = vector.shape_cast %reshape3A_165 : vector<16x1xi32> to vector<16xi32>
      %gather3A_167 = tpu.dynamic_gather %max3A_161[%gather3A_166] in [0] : vector<16xf32>, vector<16xi32> -> vector<16xf32>
      %max3A_168 = arith.maximumf %max3A_161, %gather3A_167 : vector<16xf32>
      %eq3A_169 = arith.cmpf oeq, %select_n3A_125, %max3A_168 : vector<16xf32>
      %jit3A_170 = arith.constant 64 : i32
      %broadcast_in_dim3A_171 = vector.broadcast %jit3A_170 : i32 to vector<16xi32>
      %select_n3A_172 = arith.select %eq3A_169, %add3A_37, %broadcast_in_dim3A_171 : vector<16xi1>, vector<16xi32>
      %eq3A_173 = arith.cmpf oeq, %select_n3A_129, %max3A_168 : vector<16xf32>
      %jit3A_174 = arith.constant 64 : i32
      %broadcast_in_dim3A_175 = vector.broadcast %jit3A_174 : i32 to vector<16xi32>
      %select_n3A_176 = arith.select %eq3A_173, %add3A_40, %broadcast_in_dim3A_175 : vector<16xi1>, vector<16xi32>
      %eq3A_177 = arith.cmpf oeq, %select_n3A_133, %max3A_168 : vector<16xf32>
      %jit3A_178 = arith.constant 64 : i32
      %broadcast_in_dim3A_179 = vector.broadcast %jit3A_178 : i32 to vector<16xi32>
      %select_n3A_180 = arith.select %eq3A_177, %add3A_43, %broadcast_in_dim3A_179 : vector<16xi1>, vector<16xi32>
      %eq3A_181 = arith.cmpf oeq, %select_n3A_137, %max3A_168 : vector<16xf32>
      %jit3A_182 = arith.constant 64 : i32
      %broadcast_in_dim3A_183 = vector.broadcast %jit3A_182 : i32 to vector<16xi32>
      %select_n3A_184 = arith.select %eq3A_181, %add3A_46, %broadcast_in_dim3A_183 : vector<16xi1>, vector<16xi32>
      %min3A_185 = arith.minsi %select_n3A_172, %select_n3A_176 : vector<16xi32>
      %min3A_186 = arith.minsi %select_n3A_180, %select_n3A_184 : vector<16xi32>
      %min3A_187 = arith.minsi %min3A_185, %min3A_186 : vector<16xi32>
      %xor3A_188 = arith.constant 8 : i32
      %xor3A_189 = vector.broadcast %xor3A_188 : i32 to vector<16xi32>
      %xor3A_190 = arith.xori %iota3A, %xor3A_189 : vector<16xi32>
      %reshape3A_191 = vector.shape_cast %xor3A_190 : vector<16xi32> to vector<16x1xi32>
      %gather3A_192 = vector.shape_cast %reshape3A_191 : vector<16x1xi32> to vector<16xi32>
      %gather3A_193 = tpu.dynamic_gather %min3A_187[%gather3A_192] in [0] : vector<16xi32>, vector<16xi32> -> vector<16xi32>
      %min3A_194 = arith.minsi %min3A_187, %gather3A_193 : vector<16xi32>
      %xor3A_195 = arith.constant 4 : i32
      %xor3A_196 = vector.broadcast %xor3A_195 : i32 to vector<16xi32>
      %xor3A_197 = arith.xori %iota3A, %xor3A_196 : vector<16xi32>
      %reshape3A_198 = vector.shape_cast %xor3A_197 : vector<16xi32> to vector<16x1xi32>
      %gather3A_199 = vector.shape_cast %reshape3A_198 : vector<16x1xi32> to vector<16xi32>
      %gather3A_200 = tpu.dynamic_gather %min3A_194[%gather3A_199] in [0] : vector<16xi32>, vector<16xi32> -> vector<16xi32>
      %min3A_201 = arith.minsi %min3A_194, %gather3A_200 : vector<16xi32>
      %xor3A_202 = arith.constant 2 : i32
      %xor3A_203 = vector.broadcast %xor3A_202 : i32 to vector<16xi32>
      %xor3A_204 = arith.xori %iota3A, %xor3A_203 : vector<16xi32>
      %reshape3A_205 = vector.shape_cast %xor3A_204 : vector<16xi32> to vector<16x1xi32>
      %gather3A_206 = vector.shape_cast %reshape3A_205 : vector<16x1xi32> to vector<16xi32>
      %gather3A_207 = tpu.dynamic_gather %min3A_201[%gather3A_206] in [0] : vector<16xi32>, vector<16xi32> -> vector<16xi32>
      %min3A_208 = arith.minsi %min3A_201, %gather3A_207 : vector<16xi32>
      %xor3A_209 = arith.constant 1 : i32
      %xor3A_210 = vector.broadcast %xor3A_209 : i32 to vector<16xi32>
      %xor3A_211 = arith.xori %iota3A, %xor3A_210 : vector<16xi32>
      %reshape3A_212 = vector.shape_cast %xor3A_211 : vector<16xi32> to vector<16x1xi32>
      %gather3A_213 = vector.shape_cast %reshape3A_212 : vector<16x1xi32> to vector<16xi32>
      %gather3A_214 = tpu.dynamic_gather %min3A_208[%gather3A_213] in [0] : vector<16xi32>, vector<16xi32> -> vector<16xi32>
      %min3A_215 = arith.minsi %min3A_208, %gather3A_214 : vector<16xi32>
      %eq3A_216 = arith.constant 1 : i32
      %eq3A_217 = vector.broadcast %eq3A_216 : i32 to vector<16xi32>
      %eq3A_218 = arith.cmpi eq, %iota3A, %eq3A_217 : vector<16xi32>
      %select_n3A_219 = arith.select %eq3A_218, %max3A_168, %select_n3A_120 : vector<16xi1>, vector<16xf32>
      %select_n3A_220 = arith.select %eq3A_218, %min3A_215, %select_n3A_121 : vector<16xi1>, vector<16xi32>
      %eq3A_221 = arith.cmpi eq, %add3A_37, %min3A_215 : vector<16xi32>
      %jit3A_222 = arith.constant 0xFF800000 : f32
      %broadcast_in_dim3A_223 = vector.broadcast %jit3A_222 : f32 to vector<16xf32>
      %select_n3A_224 = arith.select %eq3A_221, %broadcast_in_dim3A_223, %select_n3A_125 : vector<16xi1>, vector<16xf32>
      %eq3A_225 = arith.cmpi eq, %add3A_40, %min3A_215 : vector<16xi32>
      %jit3A_226 = arith.constant 0xFF800000 : f32
      %broadcast_in_dim3A_227 = vector.broadcast %jit3A_226 : f32 to vector<16xf32>
      %select_n3A_228 = arith.select %eq3A_225, %broadcast_in_dim3A_227, %select_n3A_129 : vector<16xi1>, vector<16xf32>
      %eq3A_229 = arith.cmpi eq, %add3A_43, %min3A_215 : vector<16xi32>
      %jit3A_230 = arith.constant 0xFF800000 : f32
      %broadcast_in_dim3A_231 = vector.broadcast %jit3A_230 : f32 to vector<16xf32>
      %select_n3A_232 = arith.select %eq3A_229, %broadcast_in_dim3A_231, %select_n3A_133 : vector<16xi1>, vector<16xf32>
      %eq3A_233 = arith.cmpi eq, %add3A_46, %min3A_215 : vector<16xi32>
      %jit3A_234 = arith.constant 0xFF800000 : f32
      %broadcast_in_dim3A_235 = vector.broadcast %jit3A_234 : f32 to vector<16xf32>
      %select_n3A_236 = arith.select %eq3A_233, %broadcast_in_dim3A_235, %select_n3A_137 : vector<16xi1>, vector<16xf32>
      %max3A_237 = arith.maximumf %select_n3A_224, %select_n3A_228 : vector<16xf32>
      %max3A_238 = arith.maximumf %select_n3A_232, %select_n3A_236 : vector<16xf32>
      %max3A_239 = arith.maximumf %max3A_237, %max3A_238 : vector<16xf32>
      %xor3A_240 = arith.constant 8 : i32
      %xor3A_241 = vector.broadcast %xor3A_240 : i32 to vector<16xi32>
      %xor3A_242 = arith.xori %iota3A, %xor3A_241 : vector<16xi32>
      %reshape3A_243 = vector.shape_cast %xor3A_242 : vector<16xi32> to vector<16x1xi32>
      %gather3A_244 = vector.shape_cast %reshape3A_243 : vector<16x1xi32> to vector<16xi32>
      %gather3A_245 = tpu.dynamic_gather %max3A_239[%gather3A_244] in [0] : vector<16xf32>, vector<16xi32> -> vector<16xf32>
      %max3A_246 = arith.maximumf %max3A_239, %gather3A_245 : vector<16xf32>
      %xor3A_247 = arith.constant 4 : i32
      %xor3A_248 = vector.broadcast %xor3A_247 : i32 to vector<16xi32>
      %xor3A_249 = arith.xori %iota3A, %xor3A_248 : vector<16xi32>
      %reshape3A_250 = vector.shape_cast %xor3A_249 : vector<16xi32> to vector<16x1xi32>
      %gather3A_251 = vector.shape_cast %reshape3A_250 : vector<16x1xi32> to vector<16xi32>
      %gather3A_252 = tpu.dynamic_gather %max3A_246[%gather3A_251] in [0] : vector<16xf32>, vector<16xi32> -> vector<16xf32>
      %max3A_253 = arith.maximumf %max3A_246, %gather3A_252 : vector<16xf32>
      %xor3A_254 = arith.constant 2 : i32
      %xor3A_255 = vector.broadcast %xor3A_254 : i32 to vector<16xi32>
      %xor3A_256 = arith.xori %iota3A, %xor3A_255 : vector<16xi32>
      %reshape3A_257 = vector.shape_cast %xor3A_256 : vector<16xi32> to vector<16x1xi32>
      %gather3A_258 = vector.shape_cast %reshape3A_257 : vector<16x1xi32> to vector<16xi32>
      %gather3A_259 = tpu.dynamic_gather %max3A_253[%gather3A_258] in [0] : vector<16xf32>, vector<16xi32> -> vector<16xf32>
      %max3A_260 = arith.maximumf %max3A_253, %gather3A_259 : vector<16xf32>
      %xor3A_261 = arith.constant 1 : i32
      %xor3A_262 = vector.broadcast %xor3A_261 : i32 to vector<16xi32>
      %xor3A_263 = arith.xori %iota3A, %xor3A_262 : vector<16xi32>
      %reshape3A_264 = vector.shape_cast %xor3A_263 : vector<16xi32> to vector<16x1xi32>
      %gather3A_265 = vector.shape_cast %reshape3A_264 : vector<16x1xi32> to vector<16xi32>
      %gather3A_266 = tpu.dynamic_gather %max3A_260[%gather3A_265] in [0] : vector<16xf32>, vector<16xi32> -> vector<16xf32>
      %max3A_267 = arith.maximumf %max3A_260, %gather3A_266 : vector<16xf32>
      %eq3A_268 = arith.cmpf oeq, %select_n3A_224, %max3A_267 : vector<16xf32>
      %jit3A_269 = arith.constant 64 : i32
      %broadcast_in_dim3A_270 = vector.broadcast %jit3A_269 : i32 to vector<16xi32>
      %select_n3A_271 = arith.select %eq3A_268, %add3A_37, %broadcast_in_dim3A_270 : vector<16xi1>, vector<16xi32>
      %eq3A_272 = arith.cmpf oeq, %select_n3A_228, %max3A_267 : vector<16xf32>
      %jit3A_273 = arith.constant 64 : i32
      %broadcast_in_dim3A_274 = vector.broadcast %jit3A_273 : i32 to vector<16xi32>
      %select_n3A_275 = arith.select %eq3A_272, %add3A_40, %broadcast_in_dim3A_274 : vector<16xi1>, vector<16xi32>
      %eq3A_276 = arith.cmpf oeq, %select_n3A_232, %max3A_267 : vector<16xf32>
      %jit3A_277 = arith.constant 64 : i32
      %broadcast_in_dim3A_278 = vector.broadcast %jit3A_277 : i32 to vector<16xi32>
      %select_n3A_279 = arith.select %eq3A_276, %add3A_43, %broadcast_in_dim3A_278 : vector<16xi1>, vector<16xi32>
      %eq3A_280 = arith.cmpf oeq, %select_n3A_236, %max3A_267 : vector<16xf32>
      %jit3A_281 = arith.constant 64 : i32
      %broadcast_in_dim3A_282 = vector.broadcast %jit3A_281 : i32 to vector<16xi32>
      %select_n3A_283 = arith.select %eq3A_280, %add3A_46, %broadcast_in_dim3A_282 : vector<16xi1>, vector<16xi32>
      %min3A_284 = arith.minsi %select_n3A_271, %select_n3A_275 : vector<16xi32>
      %min3A_285 = arith.minsi %select_n3A_279, %select_n3A_283 : vector<16xi32>
      %min3A_286 = arith.minsi %min3A_284, %min3A_285 : vector<16xi32>
      %xor3A_287 = arith.constant 8 : i32
      %xor3A_288 = vector.broadcast %xor3A_287 : i32 to vector<16xi32>
      %xor3A_289 = arith.xori %iota3A, %xor3A_288 : vector<16xi32>
      %reshape3A_290 = vector.shape_cast %xor3A_289 : vector<16xi32> to vector<16x1xi32>
      %gather3A_291 = vector.shape_cast %reshape3A_290 : vector<16x1xi32> to vector<16xi32>
      %gather3A_292 = tpu.dynamic_gather %min3A_286[%gather3A_291] in [0] : vector<16xi32>, vector<16xi32> -> vector<16xi32>
      %min3A_293 = arith.minsi %min3A_286, %gather3A_292 : vector<16xi32>
      %xor3A_294 = arith.constant 4 : i32
      %xor3A_295 = vector.broadcast %xor3A_294 : i32 to vector<16xi32>
      %xor3A_296 = arith.xori %iota3A, %xor3A_295 : vector<16xi32>
      %reshape3A_297 = vector.shape_cast %xor3A_296 : vector<16xi32> to vector<16x1xi32>
      %gather3A_298 = vector.shape_cast %reshape3A_297 : vector<16x1xi32> to vector<16xi32>
      %gather3A_299 = tpu.dynamic_gather %min3A_293[%gather3A_298] in [0] : vector<16xi32>, vector<16xi32> -> vector<16xi32>
      %min3A_300 = arith.minsi %min3A_293, %gather3A_299 : vector<16xi32>
      %xor3A_301 = arith.constant 2 : i32
      %xor3A_302 = vector.broadcast %xor3A_301 : i32 to vector<16xi32>
      %xor3A_303 = arith.xori %iota3A, %xor3A_302 : vector<16xi32>
      %reshape3A_304 = vector.shape_cast %xor3A_303 : vector<16xi32> to vector<16x1xi32>
      %gather3A_305 = vector.shape_cast %reshape3A_304 : vector<16x1xi32> to vector<16xi32>
      %gather3A_306 = tpu.dynamic_gather %min3A_300[%gather3A_305] in [0] : vector<16xi32>, vector<16xi32> -> vector<16xi32>
      %min3A_307 = arith.minsi %min3A_300, %gather3A_306 : vector<16xi32>
      %xor3A_308 = arith.constant 1 : i32
      %xor3A_309 = vector.broadcast %xor3A_308 : i32 to vector<16xi32>
      %xor3A_310 = arith.xori %iota3A, %xor3A_309 : vector<16xi32>
      %reshape3A_311 = vector.shape_cast %xor3A_310 : vector<16xi32> to vector<16x1xi32>
      %gather3A_312 = vector.shape_cast %reshape3A_311 : vector<16x1xi32> to vector<16xi32>
      %gather3A_313 = tpu.dynamic_gather %min3A_307[%gather3A_312] in [0] : vector<16xi32>, vector<16xi32> -> vector<16xi32>
      %min3A_314 = arith.minsi %min3A_307, %gather3A_313 : vector<16xi32>
      %eq3A_315 = arith.constant 2 : i32
      %eq3A_316 = vector.broadcast %eq3A_315 : i32 to vector<16xi32>
      %eq3A_317 = arith.cmpi eq, %iota3A, %eq3A_316 : vector<16xi32>
      %select_n3A_318 = arith.select %eq3A_317, %max3A_267, %select_n3A_219 : vector<16xi1>, vector<16xf32>
      %select_n3A_319 = arith.select %eq3A_317, %min3A_314, %select_n3A_220 : vector<16xi1>, vector<16xi32>
      %eq3A_320 = arith.cmpi eq, %add3A_37, %min3A_314 : vector<16xi32>
      %jit3A_321 = arith.constant 0xFF800000 : f32
      %broadcast_in_dim3A_322 = vector.broadcast %jit3A_321 : f32 to vector<16xf32>
      %select_n3A_323 = arith.select %eq3A_320, %broadcast_in_dim3A_322, %select_n3A_224 : vector<16xi1>, vector<16xf32>
      %eq3A_324 = arith.cmpi eq, %add3A_40, %min3A_314 : vector<16xi32>
      %jit3A_325 = arith.constant 0xFF800000 : f32
      %broadcast_in_dim3A_326 = vector.broadcast %jit3A_325 : f32 to vector<16xf32>
      %select_n3A_327 = arith.select %eq3A_324, %broadcast_in_dim3A_326, %select_n3A_228 : vector<16xi1>, vector<16xf32>
      %eq3A_328 = arith.cmpi eq, %add3A_43, %min3A_314 : vector<16xi32>
      %jit3A_329 = arith.constant 0xFF800000 : f32
      %broadcast_in_dim3A_330 = vector.broadcast %jit3A_329 : f32 to vector<16xf32>
      %select_n3A_331 = arith.select %eq3A_328, %broadcast_in_dim3A_330, %select_n3A_232 : vector<16xi1>, vector<16xf32>
      %eq3A_332 = arith.cmpi eq, %add3A_46, %min3A_314 : vector<16xi32>
      %jit3A_333 = arith.constant 0xFF800000 : f32
      %broadcast_in_dim3A_334 = vector.broadcast %jit3A_333 : f32 to vector<16xf32>
      %select_n3A_335 = arith.select %eq3A_332, %broadcast_in_dim3A_334, %select_n3A_236 : vector<16xi1>, vector<16xf32>
      %max3A_336 = arith.maximumf %select_n3A_323, %select_n3A_327 : vector<16xf32>
      %max3A_337 = arith.maximumf %select_n3A_331, %select_n3A_335 : vector<16xf32>
      %max3A_338 = arith.maximumf %max3A_336, %max3A_337 : vector<16xf32>
      %xor3A_339 = arith.constant 8 : i32
      %xor3A_340 = vector.broadcast %xor3A_339 : i32 to vector<16xi32>
      %xor3A_341 = arith.xori %iota3A, %xor3A_340 : vector<16xi32>
      %reshape3A_342 = vector.shape_cast %xor3A_341 : vector<16xi32> to vector<16x1xi32>
      %gather3A_343 = vector.shape_cast %reshape3A_342 : vector<16x1xi32> to vector<16xi32>
      %gather3A_344 = tpu.dynamic_gather %max3A_338[%gather3A_343] in [0] : vector<16xf32>, vector<16xi32> -> vector<16xf32>
      %max3A_345 = arith.maximumf %max3A_338, %gather3A_344 : vector<16xf32>
      %xor3A_346 = arith.constant 4 : i32
      %xor3A_347 = vector.broadcast %xor3A_346 : i32 to vector<16xi32>
      %xor3A_348 = arith.xori %iota3A, %xor3A_347 : vector<16xi32>
      %reshape3A_349 = vector.shape_cast %xor3A_348 : vector<16xi32> to vector<16x1xi32>
      %gather3A_350 = vector.shape_cast %reshape3A_349 : vector<16x1xi32> to vector<16xi32>
      %gather3A_351 = tpu.dynamic_gather %max3A_345[%gather3A_350] in [0] : vector<16xf32>, vector<16xi32> -> vector<16xf32>
      %max3A_352 = arith.maximumf %max3A_345, %gather3A_351 : vector<16xf32>
      %xor3A_353 = arith.constant 2 : i32
      %xor3A_354 = vector.broadcast %xor3A_353 : i32 to vector<16xi32>
      %xor3A_355 = arith.xori %iota3A, %xor3A_354 : vector<16xi32>
      %reshape3A_356 = vector.shape_cast %xor3A_355 : vector<16xi32> to vector<16x1xi32>
      %gather3A_357 = vector.shape_cast %reshape3A_356 : vector<16x1xi32> to vector<16xi32>
      %gather3A_358 = tpu.dynamic_gather %max3A_352[%gather3A_357] in [0] : vector<16xf32>, vector<16xi32> -> vector<16xf32>
      %max3A_359 = arith.maximumf %max3A_352, %gather3A_358 : vector<16xf32>
      %xor3A_360 = arith.constant 1 : i32
      %xor3A_361 = vector.broadcast %xor3A_360 : i32 to vector<16xi32>
      %xor3A_362 = arith.xori %iota3A, %xor3A_361 : vector<16xi32>
      %reshape3A_363 = vector.shape_cast %xor3A_362 : vector<16xi32> to vector<16x1xi32>
      %gather3A_364 = vector.shape_cast %reshape3A_363 : vector<16x1xi32> to vector<16xi32>
      %gather3A_365 = tpu.dynamic_gather %max3A_359[%gather3A_364] in [0] : vector<16xf32>, vector<16xi32> -> vector<16xf32>
      %max3A_366 = arith.maximumf %max3A_359, %gather3A_365 : vector<16xf32>
      %eq3A_367 = arith.cmpf oeq, %select_n3A_323, %max3A_366 : vector<16xf32>
      %jit3A_368 = arith.constant 64 : i32
      %broadcast_in_dim3A_369 = vector.broadcast %jit3A_368 : i32 to vector<16xi32>
      %select_n3A_370 = arith.select %eq3A_367, %add3A_37, %broadcast_in_dim3A_369 : vector<16xi1>, vector<16xi32>
      %eq3A_371 = arith.cmpf oeq, %select_n3A_327, %max3A_366 : vector<16xf32>
      %jit3A_372 = arith.constant 64 : i32
      %broadcast_in_dim3A_373 = vector.broadcast %jit3A_372 : i32 to vector<16xi32>
      %select_n3A_374 = arith.select %eq3A_371, %add3A_40, %broadcast_in_dim3A_373 : vector<16xi1>, vector<16xi32>
      %eq3A_375 = arith.cmpf oeq, %select_n3A_331, %max3A_366 : vector<16xf32>
      %jit3A_376 = arith.constant 64 : i32
      %broadcast_in_dim3A_377 = vector.broadcast %jit3A_376 : i32 to vector<16xi32>
      %select_n3A_378 = arith.select %eq3A_375, %add3A_43, %broadcast_in_dim3A_377 : vector<16xi1>, vector<16xi32>
      %eq3A_379 = arith.cmpf oeq, %select_n3A_335, %max3A_366 : vector<16xf32>
      %jit3A_380 = arith.constant 64 : i32
      %broadcast_in_dim3A_381 = vector.broadcast %jit3A_380 : i32 to vector<16xi32>
      %select_n3A_382 = arith.select %eq3A_379, %add3A_46, %broadcast_in_dim3A_381 : vector<16xi1>, vector<16xi32>
      %min3A_383 = arith.minsi %select_n3A_370, %select_n3A_374 : vector<16xi32>
      %min3A_384 = arith.minsi %select_n3A_378, %select_n3A_382 : vector<16xi32>
      %min3A_385 = arith.minsi %min3A_383, %min3A_384 : vector<16xi32>
      %xor3A_386 = arith.constant 8 : i32
      %xor3A_387 = vector.broadcast %xor3A_386 : i32 to vector<16xi32>
      %xor3A_388 = arith.xori %iota3A, %xor3A_387 : vector<16xi32>
      %reshape3A_389 = vector.shape_cast %xor3A_388 : vector<16xi32> to vector<16x1xi32>
      %gather3A_390 = vector.shape_cast %reshape3A_389 : vector<16x1xi32> to vector<16xi32>
      %gather3A_391 = tpu.dynamic_gather %min3A_385[%gather3A_390] in [0] : vector<16xi32>, vector<16xi32> -> vector<16xi32>
      %min3A_392 = arith.minsi %min3A_385, %gather3A_391 : vector<16xi32>
      %xor3A_393 = arith.constant 4 : i32
      %xor3A_394 = vector.broadcast %xor3A_393 : i32 to vector<16xi32>
      %xor3A_395 = arith.xori %iota3A, %xor3A_394 : vector<16xi32>
      %reshape3A_396 = vector.shape_cast %xor3A_395 : vector<16xi32> to vector<16x1xi32>
      %gather3A_397 = vector.shape_cast %reshape3A_396 : vector<16x1xi32> to vector<16xi32>
      %gather3A_398 = tpu.dynamic_gather %min3A_392[%gather3A_397] in [0] : vector<16xi32>, vector<16xi32> -> vector<16xi32>
      %min3A_399 = arith.minsi %min3A_392, %gather3A_398 : vector<16xi32>
      %xor3A_400 = arith.constant 2 : i32
      %xor3A_401 = vector.broadcast %xor3A_400 : i32 to vector<16xi32>
      %xor3A_402 = arith.xori %iota3A, %xor3A_401 : vector<16xi32>
      %reshape3A_403 = vector.shape_cast %xor3A_402 : vector<16xi32> to vector<16x1xi32>
      %gather3A_404 = vector.shape_cast %reshape3A_403 : vector<16x1xi32> to vector<16xi32>
      %gather3A_405 = tpu.dynamic_gather %min3A_399[%gather3A_404] in [0] : vector<16xi32>, vector<16xi32> -> vector<16xi32>
      %min3A_406 = arith.minsi %min3A_399, %gather3A_405 : vector<16xi32>
      %xor3A_407 = arith.constant 1 : i32
      %xor3A_408 = vector.broadcast %xor3A_407 : i32 to vector<16xi32>
      %xor3A_409 = arith.xori %iota3A, %xor3A_408 : vector<16xi32>
      %reshape3A_410 = vector.shape_cast %xor3A_409 : vector<16xi32> to vector<16x1xi32>
      %gather3A_411 = vector.shape_cast %reshape3A_410 : vector<16x1xi32> to vector<16xi32>
      %gather3A_412 = tpu.dynamic_gather %min3A_406[%gather3A_411] in [0] : vector<16xi32>, vector<16xi32> -> vector<16xi32>
      %min3A_413 = arith.minsi %min3A_406, %gather3A_412 : vector<16xi32>
      %eq3A_414 = arith.constant 3 : i32
      %eq3A_415 = vector.broadcast %eq3A_414 : i32 to vector<16xi32>
      %eq3A_416 = arith.cmpi eq, %iota3A, %eq3A_415 : vector<16xi32>
      %select_n3A_417 = arith.select %eq3A_416, %max3A_366, %select_n3A_318 : vector<16xi1>, vector<16xf32>
      %select_n3A_418 = arith.select %eq3A_416, %min3A_413, %select_n3A_319 : vector<16xi1>, vector<16xi32>
      %eq3A_419 = arith.cmpi eq, %add3A_37, %min3A_413 : vector<16xi32>
      %jit3A_420 = arith.constant 0xFF800000 : f32
      %broadcast_in_dim3A_421 = vector.broadcast %jit3A_420 : f32 to vector<16xf32>
      %select_n3A_422 = arith.select %eq3A_419, %broadcast_in_dim3A_421, %select_n3A_323 : vector<16xi1>, vector<16xf32>
      %eq3A_423 = arith.cmpi eq, %add3A_40, %min3A_413 : vector<16xi32>
      %jit3A_424 = arith.constant 0xFF800000 : f32
      %broadcast_in_dim3A_425 = vector.broadcast %jit3A_424 : f32 to vector<16xf32>
      %select_n3A_426 = arith.select %eq3A_423, %broadcast_in_dim3A_425, %select_n3A_327 : vector<16xi1>, vector<16xf32>
      %eq3A_427 = arith.cmpi eq, %add3A_43, %min3A_413 : vector<16xi32>
      %jit3A_428 = arith.constant 0xFF800000 : f32
      %broadcast_in_dim3A_429 = vector.broadcast %jit3A_428 : f32 to vector<16xf32>
      %select_n3A_430 = arith.select %eq3A_427, %broadcast_in_dim3A_429, %select_n3A_331 : vector<16xi1>, vector<16xf32>
      %eq3A_431 = arith.cmpi eq, %add3A_46, %min3A_413 : vector<16xi32>
      %jit3A_432 = arith.constant 0xFF800000 : f32
      %broadcast_in_dim3A_433 = vector.broadcast %jit3A_432 : f32 to vector<16xf32>
      %select_n3A_434 = arith.select %eq3A_431, %broadcast_in_dim3A_433, %select_n3A_335 : vector<16xi1>, vector<16xf32>
      %max3A_435 = arith.maximumf %select_n3A_422, %select_n3A_426 : vector<16xf32>
      %max3A_436 = arith.maximumf %select_n3A_430, %select_n3A_434 : vector<16xf32>
      %max3A_437 = arith.maximumf %max3A_435, %max3A_436 : vector<16xf32>
      %xor3A_438 = arith.constant 8 : i32
      %xor3A_439 = vector.broadcast %xor3A_438 : i32 to vector<16xi32>
      %xor3A_440 = arith.xori %iota3A, %xor3A_439 : vector<16xi32>
      %reshape3A_441 = vector.shape_cast %xor3A_440 : vector<16xi32> to vector<16x1xi32>
      %gather3A_442 = vector.shape_cast %reshape3A_441 : vector<16x1xi32> to vector<16xi32>
      %gather3A_443 = tpu.dynamic_gather %max3A_437[%gather3A_442] in [0] : vector<16xf32>, vector<16xi32> -> vector<16xf32>
      %max3A_444 = arith.maximumf %max3A_437, %gather3A_443 : vector<16xf32>
      %xor3A_445 = arith.constant 4 : i32
      %xor3A_446 = vector.broadcast %xor3A_445 : i32 to vector<16xi32>
      %xor3A_447 = arith.xori %iota3A, %xor3A_446 : vector<16xi32>
      %reshape3A_448 = vector.shape_cast %xor3A_447 : vector<16xi32> to vector<16x1xi32>
      %gather3A_449 = vector.shape_cast %reshape3A_448 : vector<16x1xi32> to vector<16xi32>
      %gather3A_450 = tpu.dynamic_gather %max3A_444[%gather3A_449] in [0] : vector<16xf32>, vector<16xi32> -> vector<16xf32>
      %max3A_451 = arith.maximumf %max3A_444, %gather3A_450 : vector<16xf32>
      %xor3A_452 = arith.constant 2 : i32
      %xor3A_453 = vector.broadcast %xor3A_452 : i32 to vector<16xi32>
      %xor3A_454 = arith.xori %iota3A, %xor3A_453 : vector<16xi32>
      %reshape3A_455 = vector.shape_cast %xor3A_454 : vector<16xi32> to vector<16x1xi32>
      %gather3A_456 = vector.shape_cast %reshape3A_455 : vector<16x1xi32> to vector<16xi32>
      %gather3A_457 = tpu.dynamic_gather %max3A_451[%gather3A_456] in [0] : vector<16xf32>, vector<16xi32> -> vector<16xf32>
      %max3A_458 = arith.maximumf %max3A_451, %gather3A_457 : vector<16xf32>
      %xor3A_459 = arith.constant 1 : i32
      %xor3A_460 = vector.broadcast %xor3A_459 : i32 to vector<16xi32>
      %xor3A_461 = arith.xori %iota3A, %xor3A_460 : vector<16xi32>
      %reshape3A_462 = vector.shape_cast %xor3A_461 : vector<16xi32> to vector<16x1xi32>
      %gather3A_463 = vector.shape_cast %reshape3A_462 : vector<16x1xi32> to vector<16xi32>
      %gather3A_464 = tpu.dynamic_gather %max3A_458[%gather3A_463] in [0] : vector<16xf32>, vector<16xi32> -> vector<16xf32>
      %max3A_465 = arith.maximumf %max3A_458, %gather3A_464 : vector<16xf32>
      %eq3A_466 = arith.cmpf oeq, %select_n3A_422, %max3A_465 : vector<16xf32>
      %jit3A_467 = arith.constant 64 : i32
      %broadcast_in_dim3A_468 = vector.broadcast %jit3A_467 : i32 to vector<16xi32>
      %select_n3A_469 = arith.select %eq3A_466, %add3A_37, %broadcast_in_dim3A_468 : vector<16xi1>, vector<16xi32>
      %eq3A_470 = arith.cmpf oeq, %select_n3A_426, %max3A_465 : vector<16xf32>
      %jit3A_471 = arith.constant 64 : i32
      %broadcast_in_dim3A_472 = vector.broadcast %jit3A_471 : i32 to vector<16xi32>
      %select_n3A_473 = arith.select %eq3A_470, %add3A_40, %broadcast_in_dim3A_472 : vector<16xi1>, vector<16xi32>
      %eq3A_474 = arith.cmpf oeq, %select_n3A_430, %max3A_465 : vector<16xf32>
      %jit3A_475 = arith.constant 64 : i32
      %broadcast_in_dim3A_476 = vector.broadcast %jit3A_475 : i32 to vector<16xi32>
      %select_n3A_477 = arith.select %eq3A_474, %add3A_43, %broadcast_in_dim3A_476 : vector<16xi1>, vector<16xi32>
      %eq3A_478 = arith.cmpf oeq, %select_n3A_434, %max3A_465 : vector<16xf32>
      %jit3A_479 = arith.constant 64 : i32
      %broadcast_in_dim3A_480 = vector.broadcast %jit3A_479 : i32 to vector<16xi32>
      %select_n3A_481 = arith.select %eq3A_478, %add3A_46, %broadcast_in_dim3A_480 : vector<16xi1>, vector<16xi32>
      %min3A_482 = arith.minsi %select_n3A_469, %select_n3A_473 : vector<16xi32>
      %min3A_483 = arith.minsi %select_n3A_477, %select_n3A_481 : vector<16xi32>
      %min3A_484 = arith.minsi %min3A_482, %min3A_483 : vector<16xi32>
      %xor3A_485 = arith.constant 8 : i32
      %xor3A_486 = vector.broadcast %xor3A_485 : i32 to vector<16xi32>
      %xor3A_487 = arith.xori %iota3A, %xor3A_486 : vector<16xi32>
      %reshape3A_488 = vector.shape_cast %xor3A_487 : vector<16xi32> to vector<16x1xi32>
      %gather3A_489 = vector.shape_cast %reshape3A_488 : vector<16x1xi32> to vector<16xi32>
      %gather3A_490 = tpu.dynamic_gather %min3A_484[%gather3A_489] in [0] : vector<16xi32>, vector<16xi32> -> vector<16xi32>
      %min3A_491 = arith.minsi %min3A_484, %gather3A_490 : vector<16xi32>
      %xor3A_492 = arith.constant 4 : i32
      %xor3A_493 = vector.broadcast %xor3A_492 : i32 to vector<16xi32>
      %xor3A_494 = arith.xori %iota3A, %xor3A_493 : vector<16xi32>
      %reshape3A_495 = vector.shape_cast %xor3A_494 : vector<16xi32> to vector<16x1xi32>
      %gather3A_496 = vector.shape_cast %reshape3A_495 : vector<16x1xi32> to vector<16xi32>
      %gather3A_497 = tpu.dynamic_gather %min3A_491[%gather3A_496] in [0] : vector<16xi32>, vector<16xi32> -> vector<16xi32>
      %min3A_498 = arith.minsi %min3A_491, %gather3A_497 : vector<16xi32>
      %xor3A_499 = arith.constant 2 : i32
      %xor3A_500 = vector.broadcast %xor3A_499 : i32 to vector<16xi32>
      %xor3A_501 = arith.xori %iota3A, %xor3A_500 : vector<16xi32>
      %reshape3A_502 = vector.shape_cast %xor3A_501 : vector<16xi32> to vector<16x1xi32>
      %gather3A_503 = vector.shape_cast %reshape3A_502 : vector<16x1xi32> to vector<16xi32>
      %gather3A_504 = tpu.dynamic_gather %min3A_498[%gather3A_503] in [0] : vector<16xi32>, vector<16xi32> -> vector<16xi32>
      %min3A_505 = arith.minsi %min3A_498, %gather3A_504 : vector<16xi32>
      %xor3A_506 = arith.constant 1 : i32
      %xor3A_507 = vector.broadcast %xor3A_506 : i32 to vector<16xi32>
      %xor3A_508 = arith.xori %iota3A, %xor3A_507 : vector<16xi32>
      %reshape3A_509 = vector.shape_cast %xor3A_508 : vector<16xi32> to vector<16x1xi32>
      %gather3A_510 = vector.shape_cast %reshape3A_509 : vector<16x1xi32> to vector<16xi32>
      %gather3A_511 = tpu.dynamic_gather %min3A_505[%gather3A_510] in [0] : vector<16xi32>, vector<16xi32> -> vector<16xi32>
      %min3A_512 = arith.minsi %min3A_505, %gather3A_511 : vector<16xi32>
      %eq3A_513 = arith.constant 4 : i32
      %eq3A_514 = vector.broadcast %eq3A_513 : i32 to vector<16xi32>
      %eq3A_515 = arith.cmpi eq, %iota3A, %eq3A_514 : vector<16xi32>
      %select_n3A_516 = arith.select %eq3A_515, %max3A_465, %select_n3A_417 : vector<16xi1>, vector<16xf32>
      %select_n3A_517 = arith.select %eq3A_515, %min3A_512, %select_n3A_418 : vector<16xi1>, vector<16xi32>
      %eq3A_518 = arith.cmpi eq, %add3A_37, %min3A_512 : vector<16xi32>
      %jit3A_519 = arith.constant 0xFF800000 : f32
      %broadcast_in_dim3A_520 = vector.broadcast %jit3A_519 : f32 to vector<16xf32>
      %select_n3A_521 = arith.select %eq3A_518, %broadcast_in_dim3A_520, %select_n3A_422 : vector<16xi1>, vector<16xf32>
      %eq3A_522 = arith.cmpi eq, %add3A_40, %min3A_512 : vector<16xi32>
      %jit3A_523 = arith.constant 0xFF800000 : f32
      %broadcast_in_dim3A_524 = vector.broadcast %jit3A_523 : f32 to vector<16xf32>
      %select_n3A_525 = arith.select %eq3A_522, %broadcast_in_dim3A_524, %select_n3A_426 : vector<16xi1>, vector<16xf32>
      %eq3A_526 = arith.cmpi eq, %add3A_43, %min3A_512 : vector<16xi32>
      %jit3A_527 = arith.constant 0xFF800000 : f32
      %broadcast_in_dim3A_528 = vector.broadcast %jit3A_527 : f32 to vector<16xf32>
      %select_n3A_529 = arith.select %eq3A_526, %broadcast_in_dim3A_528, %select_n3A_430 : vector<16xi1>, vector<16xf32>
      %eq3A_530 = arith.cmpi eq, %add3A_46, %min3A_512 : vector<16xi32>
      %jit3A_531 = arith.constant 0xFF800000 : f32
      %broadcast_in_dim3A_532 = vector.broadcast %jit3A_531 : f32 to vector<16xf32>
      %select_n3A_533 = arith.select %eq3A_530, %broadcast_in_dim3A_532, %select_n3A_434 : vector<16xi1>, vector<16xf32>
      %max3A_534 = arith.maximumf %select_n3A_521, %select_n3A_525 : vector<16xf32>
      %max3A_535 = arith.maximumf %select_n3A_529, %select_n3A_533 : vector<16xf32>
      %max3A_536 = arith.maximumf %max3A_534, %max3A_535 : vector<16xf32>
      %xor3A_537 = arith.constant 8 : i32
      %xor3A_538 = vector.broadcast %xor3A_537 : i32 to vector<16xi32>
      %xor3A_539 = arith.xori %iota3A, %xor3A_538 : vector<16xi32>
      %reshape3A_540 = vector.shape_cast %xor3A_539 : vector<16xi32> to vector<16x1xi32>
      %gather3A_541 = vector.shape_cast %reshape3A_540 : vector<16x1xi32> to vector<16xi32>
      %gather3A_542 = tpu.dynamic_gather %max3A_536[%gather3A_541] in [0] : vector<16xf32>, vector<16xi32> -> vector<16xf32>
      %max3A_543 = arith.maximumf %max3A_536, %gather3A_542 : vector<16xf32>
      %xor3A_544 = arith.constant 4 : i32
      %xor3A_545 = vector.broadcast %xor3A_544 : i32 to vector<16xi32>
      %xor3A_546 = arith.xori %iota3A, %xor3A_545 : vector<16xi32>
      %reshape3A_547 = vector.shape_cast %xor3A_546 : vector<16xi32> to vector<16x1xi32>
      %gather3A_548 = vector.shape_cast %reshape3A_547 : vector<16x1xi32> to vector<16xi32>
      %gather3A_549 = tpu.dynamic_gather %max3A_543[%gather3A_548] in [0] : vector<16xf32>, vector<16xi32> -> vector<16xf32>
      %max3A_550 = arith.maximumf %max3A_543, %gather3A_549 : vector<16xf32>
      %xor3A_551 = arith.constant 2 : i32
      %xor3A_552 = vector.broadcast %xor3A_551 : i32 to vector<16xi32>
      %xor3A_553 = arith.xori %iota3A, %xor3A_552 : vector<16xi32>
      %reshape3A_554 = vector.shape_cast %xor3A_553 : vector<16xi32> to vector<16x1xi32>
      %gather3A_555 = vector.shape_cast %reshape3A_554 : vector<16x1xi32> to vector<16xi32>
      %gather3A_556 = tpu.dynamic_gather %max3A_550[%gather3A_555] in [0] : vector<16xf32>, vector<16xi32> -> vector<16xf32>
      %max3A_557 = arith.maximumf %max3A_550, %gather3A_556 : vector<16xf32>
      %xor3A_558 = arith.constant 1 : i32
      %xor3A_559 = vector.broadcast %xor3A_558 : i32 to vector<16xi32>
      %xor3A_560 = arith.xori %iota3A, %xor3A_559 : vector<16xi32>
      %reshape3A_561 = vector.shape_cast %xor3A_560 : vector<16xi32> to vector<16x1xi32>
      %gather3A_562 = vector.shape_cast %reshape3A_561 : vector<16x1xi32> to vector<16xi32>
      %gather3A_563 = tpu.dynamic_gather %max3A_557[%gather3A_562] in [0] : vector<16xf32>, vector<16xi32> -> vector<16xf32>
      %max3A_564 = arith.maximumf %max3A_557, %gather3A_563 : vector<16xf32>
      %eq3A_565 = arith.cmpf oeq, %select_n3A_521, %max3A_564 : vector<16xf32>
      %jit3A_566 = arith.constant 64 : i32
      %broadcast_in_dim3A_567 = vector.broadcast %jit3A_566 : i32 to vector<16xi32>
      %select_n3A_568 = arith.select %eq3A_565, %add3A_37, %broadcast_in_dim3A_567 : vector<16xi1>, vector<16xi32>
      %eq3A_569 = arith.cmpf oeq, %select_n3A_525, %max3A_564 : vector<16xf32>
      %jit3A_570 = arith.constant 64 : i32
      %broadcast_in_dim3A_571 = vector.broadcast %jit3A_570 : i32 to vector<16xi32>
      %select_n3A_572 = arith.select %eq3A_569, %add3A_40, %broadcast_in_dim3A_571 : vector<16xi1>, vector<16xi32>
      %eq3A_573 = arith.cmpf oeq, %select_n3A_529, %max3A_564 : vector<16xf32>
      %jit3A_574 = arith.constant 64 : i32
      %broadcast_in_dim3A_575 = vector.broadcast %jit3A_574 : i32 to vector<16xi32>
      %select_n3A_576 = arith.select %eq3A_573, %add3A_43, %broadcast_in_dim3A_575 : vector<16xi1>, vector<16xi32>
      %eq3A_577 = arith.cmpf oeq, %select_n3A_533, %max3A_564 : vector<16xf32>
      %jit3A_578 = arith.constant 64 : i32
      %broadcast_in_dim3A_579 = vector.broadcast %jit3A_578 : i32 to vector<16xi32>
      %select_n3A_580 = arith.select %eq3A_577, %add3A_46, %broadcast_in_dim3A_579 : vector<16xi1>, vector<16xi32>
      %min3A_581 = arith.minsi %select_n3A_568, %select_n3A_572 : vector<16xi32>
      %min3A_582 = arith.minsi %select_n3A_576, %select_n3A_580 : vector<16xi32>
      %min3A_583 = arith.minsi %min3A_581, %min3A_582 : vector<16xi32>
      %xor3A_584 = arith.constant 8 : i32
      %xor3A_585 = vector.broadcast %xor3A_584 : i32 to vector<16xi32>
      %xor3A_586 = arith.xori %iota3A, %xor3A_585 : vector<16xi32>
      %reshape3A_587 = vector.shape_cast %xor3A_586 : vector<16xi32> to vector<16x1xi32>
      %gather3A_588 = vector.shape_cast %reshape3A_587 : vector<16x1xi32> to vector<16xi32>
      %gather3A_589 = tpu.dynamic_gather %min3A_583[%gather3A_588] in [0] : vector<16xi32>, vector<16xi32> -> vector<16xi32>
      %min3A_590 = arith.minsi %min3A_583, %gather3A_589 : vector<16xi32>
      %xor3A_591 = arith.constant 4 : i32
      %xor3A_592 = vector.broadcast %xor3A_591 : i32 to vector<16xi32>
      %xor3A_593 = arith.xori %iota3A, %xor3A_592 : vector<16xi32>
      %reshape3A_594 = vector.shape_cast %xor3A_593 : vector<16xi32> to vector<16x1xi32>
      %gather3A_595 = vector.shape_cast %reshape3A_594 : vector<16x1xi32> to vector<16xi32>
      %gather3A_596 = tpu.dynamic_gather %min3A_590[%gather3A_595] in [0] : vector<16xi32>, vector<16xi32> -> vector<16xi32>
      %min3A_597 = arith.minsi %min3A_590, %gather3A_596 : vector<16xi32>
      %xor3A_598 = arith.constant 2 : i32
      %xor3A_599 = vector.broadcast %xor3A_598 : i32 to vector<16xi32>
      %xor3A_600 = arith.xori %iota3A, %xor3A_599 : vector<16xi32>
      %reshape3A_601 = vector.shape_cast %xor3A_600 : vector<16xi32> to vector<16x1xi32>
      %gather3A_602 = vector.shape_cast %reshape3A_601 : vector<16x1xi32> to vector<16xi32>
      %gather3A_603 = tpu.dynamic_gather %min3A_597[%gather3A_602] in [0] : vector<16xi32>, vector<16xi32> -> vector<16xi32>
      %min3A_604 = arith.minsi %min3A_597, %gather3A_603 : vector<16xi32>
      %xor3A_605 = arith.constant 1 : i32
      %xor3A_606 = vector.broadcast %xor3A_605 : i32 to vector<16xi32>
      %xor3A_607 = arith.xori %iota3A, %xor3A_606 : vector<16xi32>
      %reshape3A_608 = vector.shape_cast %xor3A_607 : vector<16xi32> to vector<16x1xi32>
      %gather3A_609 = vector.shape_cast %reshape3A_608 : vector<16x1xi32> to vector<16xi32>
      %gather3A_610 = tpu.dynamic_gather %min3A_604[%gather3A_609] in [0] : vector<16xi32>, vector<16xi32> -> vector<16xi32>
      %min3A_611 = arith.minsi %min3A_604, %gather3A_610 : vector<16xi32>
      %eq3A_612 = arith.constant 5 : i32
      %eq3A_613 = vector.broadcast %eq3A_612 : i32 to vector<16xi32>
      %eq3A_614 = arith.cmpi eq, %iota3A, %eq3A_613 : vector<16xi32>
      %select_n3A_615 = arith.select %eq3A_614, %max3A_564, %select_n3A_516 : vector<16xi1>, vector<16xf32>
      %select_n3A_616 = arith.select %eq3A_614, %min3A_611, %select_n3A_517 : vector<16xi1>, vector<16xi32>
      %eq3A_617 = arith.cmpi eq, %add3A_37, %min3A_611 : vector<16xi32>
      %jit3A_618 = arith.constant 0xFF800000 : f32
      %broadcast_in_dim3A_619 = vector.broadcast %jit3A_618 : f32 to vector<16xf32>
      %select_n3A_620 = arith.select %eq3A_617, %broadcast_in_dim3A_619, %select_n3A_521 : vector<16xi1>, vector<16xf32>
      %eq3A_621 = arith.cmpi eq, %add3A_40, %min3A_611 : vector<16xi32>
      %jit3A_622 = arith.constant 0xFF800000 : f32
      %broadcast_in_dim3A_623 = vector.broadcast %jit3A_622 : f32 to vector<16xf32>
      %select_n3A_624 = arith.select %eq3A_621, %broadcast_in_dim3A_623, %select_n3A_525 : vector<16xi1>, vector<16xf32>
      %eq3A_625 = arith.cmpi eq, %add3A_43, %min3A_611 : vector<16xi32>
      %jit3A_626 = arith.constant 0xFF800000 : f32
      %broadcast_in_dim3A_627 = vector.broadcast %jit3A_626 : f32 to vector<16xf32>
      %select_n3A_628 = arith.select %eq3A_625, %broadcast_in_dim3A_627, %select_n3A_529 : vector<16xi1>, vector<16xf32>
      %eq3A_629 = arith.cmpi eq, %add3A_46, %min3A_611 : vector<16xi32>
      %jit3A_630 = arith.constant 0xFF800000 : f32
      %broadcast_in_dim3A_631 = vector.broadcast %jit3A_630 : f32 to vector<16xf32>
      %select_n3A_632 = arith.select %eq3A_629, %broadcast_in_dim3A_631, %select_n3A_533 : vector<16xi1>, vector<16xf32>
      %max3A_633 = arith.maximumf %select_n3A_620, %select_n3A_624 : vector<16xf32>
      %max3A_634 = arith.maximumf %select_n3A_628, %select_n3A_632 : vector<16xf32>
      %max3A_635 = arith.maximumf %max3A_633, %max3A_634 : vector<16xf32>
      %xor3A_636 = arith.constant 8 : i32
      %xor3A_637 = vector.broadcast %xor3A_636 : i32 to vector<16xi32>
      %xor3A_638 = arith.xori %iota3A, %xor3A_637 : vector<16xi32>
      %reshape3A_639 = vector.shape_cast %xor3A_638 : vector<16xi32> to vector<16x1xi32>
      %gather3A_640 = vector.shape_cast %reshape3A_639 : vector<16x1xi32> to vector<16xi32>
      %gather3A_641 = tpu.dynamic_gather %max3A_635[%gather3A_640] in [0] : vector<16xf32>, vector<16xi32> -> vector<16xf32>
      %max3A_642 = arith.maximumf %max3A_635, %gather3A_641 : vector<16xf32>
      %xor3A_643 = arith.constant 4 : i32
      %xor3A_644 = vector.broadcast %xor3A_643 : i32 to vector<16xi32>
      %xor3A_645 = arith.xori %iota3A, %xor3A_644 : vector<16xi32>
      %reshape3A_646 = vector.shape_cast %xor3A_645 : vector<16xi32> to vector<16x1xi32>
      %gather3A_647 = vector.shape_cast %reshape3A_646 : vector<16x1xi32> to vector<16xi32>
      %gather3A_648 = tpu.dynamic_gather %max3A_642[%gather3A_647] in [0] : vector<16xf32>, vector<16xi32> -> vector<16xf32>
      %max3A_649 = arith.maximumf %max3A_642, %gather3A_648 : vector<16xf32>
      %xor3A_650 = arith.constant 2 : i32
      %xor3A_651 = vector.broadcast %xor3A_650 : i32 to vector<16xi32>
      %xor3A_652 = arith.xori %iota3A, %xor3A_651 : vector<16xi32>
      %reshape3A_653 = vector.shape_cast %xor3A_652 : vector<16xi32> to vector<16x1xi32>
      %gather3A_654 = vector.shape_cast %reshape3A_653 : vector<16x1xi32> to vector<16xi32>
      %gather3A_655 = tpu.dynamic_gather %max3A_649[%gather3A_654] in [0] : vector<16xf32>, vector<16xi32> -> vector<16xf32>
      %max3A_656 = arith.maximumf %max3A_649, %gather3A_655 : vector<16xf32>
      %xor3A_657 = arith.constant 1 : i32
      %xor3A_658 = vector.broadcast %xor3A_657 : i32 to vector<16xi32>
      %xor3A_659 = arith.xori %iota3A, %xor3A_658 : vector<16xi32>
      %reshape3A_660 = vector.shape_cast %xor3A_659 : vector<16xi32> to vector<16x1xi32>
      %gather3A_661 = vector.shape_cast %reshape3A_660 : vector<16x1xi32> to vector<16xi32>
      %gather3A_662 = tpu.dynamic_gather %max3A_656[%gather3A_661] in [0] : vector<16xf32>, vector<16xi32> -> vector<16xf32>
      %max3A_663 = arith.maximumf %max3A_656, %gather3A_662 : vector<16xf32>
      %eq3A_664 = arith.cmpf oeq, %select_n3A_620, %max3A_663 : vector<16xf32>
      %jit3A_665 = arith.constant 64 : i32
      %broadcast_in_dim3A_666 = vector.broadcast %jit3A_665 : i32 to vector<16xi32>
      %select_n3A_667 = arith.select %eq3A_664, %add3A_37, %broadcast_in_dim3A_666 : vector<16xi1>, vector<16xi32>
      %eq3A_668 = arith.cmpf oeq, %select_n3A_624, %max3A_663 : vector<16xf32>
      %jit3A_669 = arith.constant 64 : i32
      %broadcast_in_dim3A_670 = vector.broadcast %jit3A_669 : i32 to vector<16xi32>
      %select_n3A_671 = arith.select %eq3A_668, %add3A_40, %broadcast_in_dim3A_670 : vector<16xi1>, vector<16xi32>
      %eq3A_672 = arith.cmpf oeq, %select_n3A_628, %max3A_663 : vector<16xf32>
      %jit3A_673 = arith.constant 64 : i32
      %broadcast_in_dim3A_674 = vector.broadcast %jit3A_673 : i32 to vector<16xi32>
      %select_n3A_675 = arith.select %eq3A_672, %add3A_43, %broadcast_in_dim3A_674 : vector<16xi1>, vector<16xi32>
      %eq3A_676 = arith.cmpf oeq, %select_n3A_632, %max3A_663 : vector<16xf32>
      %jit3A_677 = arith.constant 64 : i32
      %broadcast_in_dim3A_678 = vector.broadcast %jit3A_677 : i32 to vector<16xi32>
      %select_n3A_679 = arith.select %eq3A_676, %add3A_46, %broadcast_in_dim3A_678 : vector<16xi1>, vector<16xi32>
      %min3A_680 = arith.minsi %select_n3A_667, %select_n3A_671 : vector<16xi32>
      %min3A_681 = arith.minsi %select_n3A_675, %select_n3A_679 : vector<16xi32>
      %min3A_682 = arith.minsi %min3A_680, %min3A_681 : vector<16xi32>
      %xor3A_683 = arith.constant 8 : i32
      %xor3A_684 = vector.broadcast %xor3A_683 : i32 to vector<16xi32>
      %xor3A_685 = arith.xori %iota3A, %xor3A_684 : vector<16xi32>
      %reshape3A_686 = vector.shape_cast %xor3A_685 : vector<16xi32> to vector<16x1xi32>
      %gather3A_687 = vector.shape_cast %reshape3A_686 : vector<16x1xi32> to vector<16xi32>
      %gather3A_688 = tpu.dynamic_gather %min3A_682[%gather3A_687] in [0] : vector<16xi32>, vector<16xi32> -> vector<16xi32>
      %min3A_689 = arith.minsi %min3A_682, %gather3A_688 : vector<16xi32>
      %xor3A_690 = arith.constant 4 : i32
      %xor3A_691 = vector.broadcast %xor3A_690 : i32 to vector<16xi32>
      %xor3A_692 = arith.xori %iota3A, %xor3A_691 : vector<16xi32>
      %reshape3A_693 = vector.shape_cast %xor3A_692 : vector<16xi32> to vector<16x1xi32>
      %gather3A_694 = vector.shape_cast %reshape3A_693 : vector<16x1xi32> to vector<16xi32>
      %gather3A_695 = tpu.dynamic_gather %min3A_689[%gather3A_694] in [0] : vector<16xi32>, vector<16xi32> -> vector<16xi32>
      %min3A_696 = arith.minsi %min3A_689, %gather3A_695 : vector<16xi32>
      %xor3A_697 = arith.constant 2 : i32
      %xor3A_698 = vector.broadcast %xor3A_697 : i32 to vector<16xi32>
      %xor3A_699 = arith.xori %iota3A, %xor3A_698 : vector<16xi32>
      %reshape3A_700 = vector.shape_cast %xor3A_699 : vector<16xi32> to vector<16x1xi32>
      %gather3A_701 = vector.shape_cast %reshape3A_700 : vector<16x1xi32> to vector<16xi32>
      %gather3A_702 = tpu.dynamic_gather %min3A_696[%gather3A_701] in [0] : vector<16xi32>, vector<16xi32> -> vector<16xi32>
      %min3A_703 = arith.minsi %min3A_696, %gather3A_702 : vector<16xi32>
      %xor3A_704 = arith.constant 1 : i32
      %xor3A_705 = vector.broadcast %xor3A_704 : i32 to vector<16xi32>
      %xor3A_706 = arith.xori %iota3A, %xor3A_705 : vector<16xi32>
      %reshape3A_707 = vector.shape_cast %xor3A_706 : vector<16xi32> to vector<16x1xi32>
      %gather3A_708 = vector.shape_cast %reshape3A_707 : vector<16x1xi32> to vector<16xi32>
      %gather3A_709 = tpu.dynamic_gather %min3A_703[%gather3A_708] in [0] : vector<16xi32>, vector<16xi32> -> vector<16xi32>
      %min3A_710 = arith.minsi %min3A_703, %gather3A_709 : vector<16xi32>
      %eq3A_711 = arith.constant 6 : i32
      %eq3A_712 = vector.broadcast %eq3A_711 : i32 to vector<16xi32>
      %eq3A_713 = arith.cmpi eq, %iota3A, %eq3A_712 : vector<16xi32>
      %select_n3A_714 = arith.select %eq3A_713, %max3A_663, %select_n3A_615 : vector<16xi1>, vector<16xf32>
      %select_n3A_715 = arith.select %eq3A_713, %min3A_710, %select_n3A_616 : vector<16xi1>, vector<16xi32>
      %eq3A_716 = arith.cmpi eq, %add3A_37, %min3A_710 : vector<16xi32>
      %jit3A_717 = arith.constant 0xFF800000 : f32
      %broadcast_in_dim3A_718 = vector.broadcast %jit3A_717 : f32 to vector<16xf32>
      %select_n3A_719 = arith.select %eq3A_716, %broadcast_in_dim3A_718, %select_n3A_620 : vector<16xi1>, vector<16xf32>
      %eq3A_720 = arith.cmpi eq, %add3A_40, %min3A_710 : vector<16xi32>
      %jit3A_721 = arith.constant 0xFF800000 : f32
      %broadcast_in_dim3A_722 = vector.broadcast %jit3A_721 : f32 to vector<16xf32>
      %select_n3A_723 = arith.select %eq3A_720, %broadcast_in_dim3A_722, %select_n3A_624 : vector<16xi1>, vector<16xf32>
      %eq3A_724 = arith.cmpi eq, %add3A_43, %min3A_710 : vector<16xi32>
      %jit3A_725 = arith.constant 0xFF800000 : f32
      %broadcast_in_dim3A_726 = vector.broadcast %jit3A_725 : f32 to vector<16xf32>
      %select_n3A_727 = arith.select %eq3A_724, %broadcast_in_dim3A_726, %select_n3A_628 : vector<16xi1>, vector<16xf32>
      %eq3A_728 = arith.cmpi eq, %add3A_46, %min3A_710 : vector<16xi32>
      %jit3A_729 = arith.constant 0xFF800000 : f32
      %broadcast_in_dim3A_730 = vector.broadcast %jit3A_729 : f32 to vector<16xf32>
      %select_n3A_731 = arith.select %eq3A_728, %broadcast_in_dim3A_730, %select_n3A_632 : vector<16xi1>, vector<16xf32>
      %max3A_732 = arith.maximumf %select_n3A_719, %select_n3A_723 : vector<16xf32>
      %max3A_733 = arith.maximumf %select_n3A_727, %select_n3A_731 : vector<16xf32>
      %max3A_734 = arith.maximumf %max3A_732, %max3A_733 : vector<16xf32>
      %xor3A_735 = arith.constant 8 : i32
      %xor3A_736 = vector.broadcast %xor3A_735 : i32 to vector<16xi32>
      %xor3A_737 = arith.xori %iota3A, %xor3A_736 : vector<16xi32>
      %reshape3A_738 = vector.shape_cast %xor3A_737 : vector<16xi32> to vector<16x1xi32>
      %gather3A_739 = vector.shape_cast %reshape3A_738 : vector<16x1xi32> to vector<16xi32>
      %gather3A_740 = tpu.dynamic_gather %max3A_734[%gather3A_739] in [0] : vector<16xf32>, vector<16xi32> -> vector<16xf32>
      %max3A_741 = arith.maximumf %max3A_734, %gather3A_740 : vector<16xf32>
      %xor3A_742 = arith.constant 4 : i32
      %xor3A_743 = vector.broadcast %xor3A_742 : i32 to vector<16xi32>
      %xor3A_744 = arith.xori %iota3A, %xor3A_743 : vector<16xi32>
      %reshape3A_745 = vector.shape_cast %xor3A_744 : vector<16xi32> to vector<16x1xi32>
      %gather3A_746 = vector.shape_cast %reshape3A_745 : vector<16x1xi32> to vector<16xi32>
      %gather3A_747 = tpu.dynamic_gather %max3A_741[%gather3A_746] in [0] : vector<16xf32>, vector<16xi32> -> vector<16xf32>
      %max3A_748 = arith.maximumf %max3A_741, %gather3A_747 : vector<16xf32>
      %xor3A_749 = arith.constant 2 : i32
      %xor3A_750 = vector.broadcast %xor3A_749 : i32 to vector<16xi32>
      %xor3A_751 = arith.xori %iota3A, %xor3A_750 : vector<16xi32>
      %reshape3A_752 = vector.shape_cast %xor3A_751 : vector<16xi32> to vector<16x1xi32>
      %gather3A_753 = vector.shape_cast %reshape3A_752 : vector<16x1xi32> to vector<16xi32>
      %gather3A_754 = tpu.dynamic_gather %max3A_748[%gather3A_753] in [0] : vector<16xf32>, vector<16xi32> -> vector<16xf32>
      %max3A_755 = arith.maximumf %max3A_748, %gather3A_754 : vector<16xf32>
      %xor3A_756 = arith.constant 1 : i32
      %xor3A_757 = vector.broadcast %xor3A_756 : i32 to vector<16xi32>
      %xor3A_758 = arith.xori %iota3A, %xor3A_757 : vector<16xi32>
      %reshape3A_759 = vector.shape_cast %xor3A_758 : vector<16xi32> to vector<16x1xi32>
      %gather3A_760 = vector.shape_cast %reshape3A_759 : vector<16x1xi32> to vector<16xi32>
      %gather3A_761 = tpu.dynamic_gather %max3A_755[%gather3A_760] in [0] : vector<16xf32>, vector<16xi32> -> vector<16xf32>
      %max3A_762 = arith.maximumf %max3A_755, %gather3A_761 : vector<16xf32>
      %eq3A_763 = arith.cmpf oeq, %select_n3A_719, %max3A_762 : vector<16xf32>
      %jit3A_764 = arith.constant 64 : i32
      %broadcast_in_dim3A_765 = vector.broadcast %jit3A_764 : i32 to vector<16xi32>
      %select_n3A_766 = arith.select %eq3A_763, %add3A_37, %broadcast_in_dim3A_765 : vector<16xi1>, vector<16xi32>
      %eq3A_767 = arith.cmpf oeq, %select_n3A_723, %max3A_762 : vector<16xf32>
      %jit3A_768 = arith.constant 64 : i32
      %broadcast_in_dim3A_769 = vector.broadcast %jit3A_768 : i32 to vector<16xi32>
      %select_n3A_770 = arith.select %eq3A_767, %add3A_40, %broadcast_in_dim3A_769 : vector<16xi1>, vector<16xi32>
      %eq3A_771 = arith.cmpf oeq, %select_n3A_727, %max3A_762 : vector<16xf32>
      %jit3A_772 = arith.constant 64 : i32
      %broadcast_in_dim3A_773 = vector.broadcast %jit3A_772 : i32 to vector<16xi32>
      %select_n3A_774 = arith.select %eq3A_771, %add3A_43, %broadcast_in_dim3A_773 : vector<16xi1>, vector<16xi32>
      %eq3A_775 = arith.cmpf oeq, %select_n3A_731, %max3A_762 : vector<16xf32>
      %jit3A_776 = arith.constant 64 : i32
      %broadcast_in_dim3A_777 = vector.broadcast %jit3A_776 : i32 to vector<16xi32>
      %select_n3A_778 = arith.select %eq3A_775, %add3A_46, %broadcast_in_dim3A_777 : vector<16xi1>, vector<16xi32>
      %min3A_779 = arith.minsi %select_n3A_766, %select_n3A_770 : vector<16xi32>
      %min3A_780 = arith.minsi %select_n3A_774, %select_n3A_778 : vector<16xi32>
      %min3A_781 = arith.minsi %min3A_779, %min3A_780 : vector<16xi32>
      %xor3A_782 = arith.constant 8 : i32
      %xor3A_783 = vector.broadcast %xor3A_782 : i32 to vector<16xi32>
      %xor3A_784 = arith.xori %iota3A, %xor3A_783 : vector<16xi32>
      %reshape3A_785 = vector.shape_cast %xor3A_784 : vector<16xi32> to vector<16x1xi32>
      %gather3A_786 = vector.shape_cast %reshape3A_785 : vector<16x1xi32> to vector<16xi32>
      %gather3A_787 = tpu.dynamic_gather %min3A_781[%gather3A_786] in [0] : vector<16xi32>, vector<16xi32> -> vector<16xi32>
      %min3A_788 = arith.minsi %min3A_781, %gather3A_787 : vector<16xi32>
      %xor3A_789 = arith.constant 4 : i32
      %xor3A_790 = vector.broadcast %xor3A_789 : i32 to vector<16xi32>
      %xor3A_791 = arith.xori %iota3A, %xor3A_790 : vector<16xi32>
      %reshape3A_792 = vector.shape_cast %xor3A_791 : vector<16xi32> to vector<16x1xi32>
      %gather3A_793 = vector.shape_cast %reshape3A_792 : vector<16x1xi32> to vector<16xi32>
      %gather3A_794 = tpu.dynamic_gather %min3A_788[%gather3A_793] in [0] : vector<16xi32>, vector<16xi32> -> vector<16xi32>
      %min3A_795 = arith.minsi %min3A_788, %gather3A_794 : vector<16xi32>
      %xor3A_796 = arith.constant 2 : i32
      %xor3A_797 = vector.broadcast %xor3A_796 : i32 to vector<16xi32>
      %xor3A_798 = arith.xori %iota3A, %xor3A_797 : vector<16xi32>
      %reshape3A_799 = vector.shape_cast %xor3A_798 : vector<16xi32> to vector<16x1xi32>
      %gather3A_800 = vector.shape_cast %reshape3A_799 : vector<16x1xi32> to vector<16xi32>
      %gather3A_801 = tpu.dynamic_gather %min3A_795[%gather3A_800] in [0] : vector<16xi32>, vector<16xi32> -> vector<16xi32>
      %min3A_802 = arith.minsi %min3A_795, %gather3A_801 : vector<16xi32>
      %xor3A_803 = arith.constant 1 : i32
      %xor3A_804 = vector.broadcast %xor3A_803 : i32 to vector<16xi32>
      %xor3A_805 = arith.xori %iota3A, %xor3A_804 : vector<16xi32>
      %reshape3A_806 = vector.shape_cast %xor3A_805 : vector<16xi32> to vector<16x1xi32>
      %gather3A_807 = vector.shape_cast %reshape3A_806 : vector<16x1xi32> to vector<16xi32>
      %gather3A_808 = tpu.dynamic_gather %min3A_802[%gather3A_807] in [0] : vector<16xi32>, vector<16xi32> -> vector<16xi32>
      %min3A_809 = arith.minsi %min3A_802, %gather3A_808 : vector<16xi32>
      %eq3A_810 = arith.constant 7 : i32
      %eq3A_811 = vector.broadcast %eq3A_810 : i32 to vector<16xi32>
      %eq3A_812 = arith.cmpi eq, %iota3A, %eq3A_811 : vector<16xi32>
      %select_n3A_813 = arith.select %eq3A_812, %max3A_762, %select_n3A_714 : vector<16xi1>, vector<16xf32>
      %select_n3A_814 = arith.select %eq3A_812, %min3A_809, %select_n3A_715 : vector<16xi1>, vector<16xi32>
      %eq3A_815 = arith.cmpi eq, %add3A_37, %min3A_809 : vector<16xi32>
      %jit3A_816 = arith.constant 0xFF800000 : f32
      %broadcast_in_dim3A_817 = vector.broadcast %jit3A_816 : f32 to vector<16xf32>
      %select_n3A_818 = arith.select %eq3A_815, %broadcast_in_dim3A_817, %select_n3A_719 : vector<16xi1>, vector<16xf32>
      %eq3A_819 = arith.cmpi eq, %add3A_40, %min3A_809 : vector<16xi32>
      %jit3A_820 = arith.constant 0xFF800000 : f32
      %broadcast_in_dim3A_821 = vector.broadcast %jit3A_820 : f32 to vector<16xf32>
      %select_n3A_822 = arith.select %eq3A_819, %broadcast_in_dim3A_821, %select_n3A_723 : vector<16xi1>, vector<16xf32>
      %eq3A_823 = arith.cmpi eq, %add3A_43, %min3A_809 : vector<16xi32>
      %jit3A_824 = arith.constant 0xFF800000 : f32
      %broadcast_in_dim3A_825 = vector.broadcast %jit3A_824 : f32 to vector<16xf32>
      %select_n3A_826 = arith.select %eq3A_823, %broadcast_in_dim3A_825, %select_n3A_727 : vector<16xi1>, vector<16xf32>
      %eq3A_827 = arith.cmpi eq, %add3A_46, %min3A_809 : vector<16xi32>
      %jit3A_828 = arith.constant 0xFF800000 : f32
      %broadcast_in_dim3A_829 = vector.broadcast %jit3A_828 : f32 to vector<16xf32>
      %select_n3A_830 = arith.select %eq3A_827, %broadcast_in_dim3A_829, %select_n3A_731 : vector<16xi1>, vector<16xf32>
      %mul3A_831 = arith.constant 2 : i32
      %mul3A_832 = arith.muli %mul3A_831, %scan3A_12 : i32
      %add3A_833 = arith.constant 1 : i32
      %add3A_834 = arith.addi %mul3A_832, %add3A_833 : i32
      %get3A_835 = arith.index_cast %add3A_834 : i32 to index
      %get3A_836 = arith.constant 0 : index
      %get3A_837 = tpu.vector_load %arg5[%get3A_835, %get3A_836] {strides = array<i32>} : memref<64x64xf32, #tpu.memory_space<vmem>>, vector<1x16xf32>,
      %get3A_838 = vector.shape_cast %get3A_837 : vector<1x16xf32> to vector<16xf32>
      %get3A_839 = arith.index_cast %add3A_834 : i32 to index
      %get3A_840 = arith.constant 16 : index
      %get3A_841 = tpu.vector_load %arg5[%get3A_839, %get3A_840] {strides = array<i32>} : memref<64x64xf32, #tpu.memory_space<vmem>>, vector<1x16xf32>,
      %get3A_842 = vector.shape_cast %get3A_841 : vector<1x16xf32> to vector<16xf32>
      %get3A_843 = arith.index_cast %add3A_834 : i32 to index
      %get3A_844 = arith.constant 32 : index
      %get3A_845 = tpu.vector_load %arg5[%get3A_843, %get3A_844] {strides = array<i32>} : memref<64x64xf32, #tpu.memory_space<vmem>>, vector<1x16xf32>,
      %get3A_846 = vector.shape_cast %get3A_845 : vector<1x16xf32> to vector<16xf32>
      %get3A_847 = arith.index_cast %add3A_834 : i32 to index
      %get3A_848 = arith.constant 48 : index
      %get3A_849 = tpu.vector_load %arg5[%get3A_847, %get3A_848] {strides = array<i32>} : memref<64x64xf32, #tpu.memory_space<vmem>>, vector<1x16xf32>,
      %get3A_850 = vector.shape_cast %get3A_849 : vector<1x16xf32> to vector<16xf32>
      %add3A_851 = arith.constant 0 : i32
      %add3A_852 = vector.broadcast %add3A_851 : i32 to vector<16xi32>
      %add3A_853 = arith.addi %iota3A, %add3A_852 : vector<16xi32>
      %add3A_854 = arith.constant 16 : i32
      %add3A_855 = vector.broadcast %add3A_854 : i32 to vector<16xi32>
      %add3A_856 = arith.addi %iota3A, %add3A_855 : vector<16xi32>
      %add3A_857 = arith.constant 32 : i32
      %add3A_858 = vector.broadcast %add3A_857 : i32 to vector<16xi32>
      %add3A_859 = arith.addi %iota3A, %add3A_858 : vector<16xi32>
      %add3A_860 = arith.constant 48 : i32
      %add3A_861 = vector.broadcast %add3A_860 : i32 to vector<16xi32>
      %add3A_862 = arith.addi %iota3A, %add3A_861 : vector<16xi32>
      %max3A_863 = arith.maximumf %get3A_838, %get3A_842 : vector<16xf32>
      %max3A_864 = arith.maximumf %get3A_846, %get3A_850 : vector<16xf32>
      %max3A_865 = arith.maximumf %max3A_863, %max3A_864 : vector<16xf32>
      %xor3A_866 = arith.constant 8 : i32
      %xor3A_867 = vector.broadcast %xor3A_866 : i32 to vector<16xi32>
      %xor3A_868 = arith.xori %iota3A, %xor3A_867 : vector<16xi32>
      %reshape3A_869 = vector.shape_cast %xor3A_868 : vector<16xi32> to vector<16x1xi32>
      %gather3A_870 = vector.shape_cast %reshape3A_869 : vector<16x1xi32> to vector<16xi32>
      %gather3A_871 = tpu.dynamic_gather %max3A_865[%gather3A_870] in [0] : vector<16xf32>, vector<16xi32> -> vector<16xf32>
      %max3A_872 = arith.maximumf %max3A_865, %gather3A_871 : vector<16xf32>
      %xor3A_873 = arith.constant 4 : i32
      %xor3A_874 = vector.broadcast %xor3A_873 : i32 to vector<16xi32>
      %xor3A_875 = arith.xori %iota3A, %xor3A_874 : vector<16xi32>
      %reshape3A_876 = vector.shape_cast %xor3A_875 : vector<16xi32> to vector<16x1xi32>
      %gather3A_877 = vector.shape_cast %reshape3A_876 : vector<16x1xi32> to vector<16xi32>
      %gather3A_878 = tpu.dynamic_gather %max3A_872[%gather3A_877] in [0] : vector<16xf32>, vector<16xi32> -> vector<16xf32>
      %max3A_879 = arith.maximumf %max3A_872, %gather3A_878 : vector<16xf32>
      %xor3A_880 = arith.constant 2 : i32
      %xor3A_881 = vector.broadcast %xor3A_880 : i32 to vector<16xi32>
      %xor3A_882 = arith.xori %iota3A, %xor3A_881 : vector<16xi32>
      %reshape3A_883 = vector.shape_cast %xor3A_882 : vector<16xi32> to vector<16x1xi32>
      %gather3A_884 = vector.shape_cast %reshape3A_883 : vector<16x1xi32> to vector<16xi32>
      %gather3A_885 = tpu.dynamic_gather %max3A_879[%gather3A_884] in [0] : vector<16xf32>, vector<16xi32> -> vector<16xf32>
      %max3A_886 = arith.maximumf %max3A_879, %gather3A_885 : vector<16xf32>
      %xor3A_887 = arith.constant 1 : i32
      %xor3A_888 = vector.broadcast %xor3A_887 : i32 to vector<16xi32>
      %xor3A_889 = arith.xori %iota3A, %xor3A_888 : vector<16xi32>
      %reshape3A_890 = vector.shape_cast %xor3A_889 : vector<16xi32> to vector<16x1xi32>
      %gather3A_891 = vector.shape_cast %reshape3A_890 : vector<16x1xi32> to vector<16xi32>
      %gather3A_892 = tpu.dynamic_gather %max3A_886[%gather3A_891] in [0] : vector<16xf32>, vector<16xi32> -> vector<16xf32>
      %max3A_893 = arith.maximumf %max3A_886, %gather3A_892 : vector<16xf32>
      %eq3A_894 = arith.cmpf oeq, %get3A_838, %max3A_893 : vector<16xf32>
      %jit3A_895 = arith.constant 64 : i32
      %broadcast_in_dim3A_896 = vector.broadcast %jit3A_895 : i32 to vector<16xi32>
      %select_n3A_897 = arith.select %eq3A_894, %add3A_853, %broadcast_in_dim3A_896 : vector<16xi1>, vector<16xi32>
      %eq3A_898 = arith.cmpf oeq, %get3A_842, %max3A_893 : vector<16xf32>
      %jit3A_899 = arith.constant 64 : i32
      %broadcast_in_dim3A_900 = vector.broadcast %jit3A_899 : i32 to vector<16xi32>
      %select_n3A_901 = arith.select %eq3A_898, %add3A_856, %broadcast_in_dim3A_900 : vector<16xi1>, vector<16xi32>
      %eq3A_902 = arith.cmpf oeq, %get3A_846, %max3A_893 : vector<16xf32>
      %jit3A_903 = arith.constant 64 : i32
      %broadcast_in_dim3A_904 = vector.broadcast %jit3A_903 : i32 to vector<16xi32>
      %select_n3A_905 = arith.select %eq3A_902, %add3A_859, %broadcast_in_dim3A_904 : vector<16xi1>, vector<16xi32>
      %eq3A_906 = arith.cmpf oeq, %get3A_850, %max3A_893 : vector<16xf32>
      %jit3A_907 = arith.constant 64 : i32
      %broadcast_in_dim3A_908 = vector.broadcast %jit3A_907 : i32 to vector<16xi32>
      %select_n3A_909 = arith.select %eq3A_906, %add3A_862, %broadcast_in_dim3A_908 : vector<16xi1>, vector<16xi32>
      %min3A_910 = arith.minsi %select_n3A_897, %select_n3A_901 : vector<16xi32>
      %min3A_911 = arith.minsi %select_n3A_905, %select_n3A_909 : vector<16xi32>
      %min3A_912 = arith.minsi %min3A_910, %min3A_911 : vector<16xi32>
      %xor3A_913 = arith.constant 8 : i32
      %xor3A_914 = vector.broadcast %xor3A_913 : i32 to vector<16xi32>
      %xor3A_915 = arith.xori %iota3A, %xor3A_914 : vector<16xi32>
      %reshape3A_916 = vector.shape_cast %xor3A_915 : vector<16xi32> to vector<16x1xi32>
      %gather3A_917 = vector.shape_cast %reshape3A_916 : vector<16x1xi32> to vector<16xi32>
      %gather3A_918 = tpu.dynamic_gather %min3A_912[%gather3A_917] in [0] : vector<16xi32>, vector<16xi32> -> vector<16xi32>
      %min3A_919 = arith.minsi %min3A_912, %gather3A_918 : vector<16xi32>
      %xor3A_920 = arith.constant 4 : i32
      %xor3A_921 = vector.broadcast %xor3A_920 : i32 to vector<16xi32>
      %xor3A_922 = arith.xori %iota3A, %xor3A_921 : vector<16xi32>
      %reshape3A_923 = vector.shape_cast %xor3A_922 : vector<16xi32> to vector<16x1xi32>
      %gather3A_924 = vector.shape_cast %reshape3A_923 : vector<16x1xi32> to vector<16xi32>
      %gather3A_925 = tpu.dynamic_gather %min3A_919[%gather3A_924] in [0] : vector<16xi32>, vector<16xi32> -> vector<16xi32>
      %min3A_926 = arith.minsi %min3A_919, %gather3A_925 : vector<16xi32>
      %xor3A_927 = arith.constant 2 : i32
      %xor3A_928 = vector.broadcast %xor3A_927 : i32 to vector<16xi32>
      %xor3A_929 = arith.xori %iota3A, %xor3A_928 : vector<16xi32>
      %reshape3A_930 = vector.shape_cast %xor3A_929 : vector<16xi32> to vector<16x1xi32>
      %gather3A_931 = vector.shape_cast %reshape3A_930 : vector<16x1xi32> to vector<16xi32>
      %gather3A_932 = tpu.dynamic_gather %min3A_926[%gather3A_931] in [0] : vector<16xi32>, vector<16xi32> -> vector<16xi32>
      %min3A_933 = arith.minsi %min3A_926, %gather3A_932 : vector<16xi32>
      %xor3A_934 = arith.constant 1 : i32
      %xor3A_935 = vector.broadcast %xor3A_934 : i32 to vector<16xi32>
      %xor3A_936 = arith.xori %iota3A, %xor3A_935 : vector<16xi32>
      %reshape3A_937 = vector.shape_cast %xor3A_936 : vector<16xi32> to vector<16x1xi32>
      %gather3A_938 = vector.shape_cast %reshape3A_937 : vector<16x1xi32> to vector<16xi32>
      %gather3A_939 = tpu.dynamic_gather %min3A_933[%gather3A_938] in [0] : vector<16xi32>, vector<16xi32> -> vector<16xi32>
      %min3A_940 = arith.minsi %min3A_933, %gather3A_939 : vector<16xi32>
      %eq3A_941 = arith.constant 8 : i32
      %eq3A_942 = vector.broadcast %eq3A_941 : i32 to vector<16xi32>
      %eq3A_943 = arith.cmpi eq, %iota3A, %eq3A_942 : vector<16xi32>
      %select_n3A_944 = arith.select %eq3A_943, %max3A_893, %select_n3A_813 : vector<16xi1>, vector<16xf32>
      %select_n3A_945 = arith.select %eq3A_943, %min3A_940, %select_n3A_814 : vector<16xi1>, vector<16xi32>
      %eq3A_946 = arith.cmpi eq, %add3A_853, %min3A_940 : vector<16xi32>
      %jit3A_947 = arith.constant 0xFF800000 : f32
      %broadcast_in_dim3A_948 = vector.broadcast %jit3A_947 : f32 to vector<16xf32>
      %select_n3A_949 = arith.select %eq3A_946, %broadcast_in_dim3A_948, %get3A_838 : vector<16xi1>, vector<16xf32>
      %eq3A_950 = arith.cmpi eq, %add3A_856, %min3A_940 : vector<16xi32>
      %jit3A_951 = arith.constant 0xFF800000 : f32
      %broadcast_in_dim3A_952 = vector.broadcast %jit3A_951 : f32 to vector<16xf32>
      %select_n3A_953 = arith.select %eq3A_950, %broadcast_in_dim3A_952, %get3A_842 : vector<16xi1>, vector<16xf32>
      %eq3A_954 = arith.cmpi eq, %add3A_859, %min3A_940 : vector<16xi32>
      %jit3A_955 = arith.constant 0xFF800000 : f32
      %broadcast_in_dim3A_956 = vector.broadcast %jit3A_955 : f32 to vector<16xf32>
      %select_n3A_957 = arith.select %eq3A_954, %broadcast_in_dim3A_956, %get3A_846 : vector<16xi1>, vector<16xf32>
      %eq3A_958 = arith.cmpi eq, %add3A_862, %min3A_940 : vector<16xi32>
      %jit3A_959 = arith.constant 0xFF800000 : f32
      %broadcast_in_dim3A_960 = vector.broadcast %jit3A_959 : f32 to vector<16xf32>
      %select_n3A_961 = arith.select %eq3A_958, %broadcast_in_dim3A_960, %get3A_850 : vector<16xi1>, vector<16xf32>
      %max3A_962 = arith.maximumf %select_n3A_949, %select_n3A_953 : vector<16xf32>
      %max3A_963 = arith.maximumf %select_n3A_957, %select_n3A_961 : vector<16xf32>
      %max3A_964 = arith.maximumf %max3A_962, %max3A_963 : vector<16xf32>
      %xor3A_965 = arith.constant 8 : i32
      %xor3A_966 = vector.broadcast %xor3A_965 : i32 to vector<16xi32>
      %xor3A_967 = arith.xori %iota3A, %xor3A_966 : vector<16xi32>
      %reshape3A_968 = vector.shape_cast %xor3A_967 : vector<16xi32> to vector<16x1xi32>
      %gather3A_969 = vector.shape_cast %reshape3A_968 : vector<16x1xi32> to vector<16xi32>
      %gather3A_970 = tpu.dynamic_gather %max3A_964[%gather3A_969] in [0] : vector<16xf32>, vector<16xi32> -> vector<16xf32>
      %max3A_971 = arith.maximumf %max3A_964, %gather3A_970 : vector<16xf32>
      %xor3A_972 = arith.constant 4 : i32
      %xor3A_973 = vector.broadcast %xor3A_972 : i32 to vector<16xi32>
      %xor3A_974 = arith.xori %iota3A, %xor3A_973 : vector<16xi32>
      %reshape3A_975 = vector.shape_cast %xor3A_974 : vector<16xi32> to vector<16x1xi32>
      %gather3A_976 = vector.shape_cast %reshape3A_975 : vector<16x1xi32> to vector<16xi32>
      %gather3A_977 = tpu.dynamic_gather %max3A_971[%gather3A_976] in [0] : vector<16xf32>, vector<16xi32> -> vector<16xf32>
      %max3A_978 = arith.maximumf %max3A_971, %gather3A_977 : vector<16xf32>
      %xor3A_979 = arith.constant 2 : i32
      %xor3A_980 = vector.broadcast %xor3A_979 : i32 to vector<16xi32>
      %xor3A_981 = arith.xori %iota3A, %xor3A_980 : vector<16xi32>
      %reshape3A_982 = vector.shape_cast %xor3A_981 : vector<16xi32> to vector<16x1xi32>
      %gather3A_983 = vector.shape_cast %reshape3A_982 : vector<16x1xi32> to vector<16xi32>
      %gather3A_984 = tpu.dynamic_gather %max3A_978[%gather3A_983] in [0] : vector<16xf32>, vector<16xi32> -> vector<16xf32>
      %max3A_985 = arith.maximumf %max3A_978, %gather3A_984 : vector<16xf32>
      %xor3A_986 = arith.constant 1 : i32
      %xor3A_987 = vector.broadcast %xor3A_986 : i32 to vector<16xi32>
      %xor3A_988 = arith.xori %iota3A, %xor3A_987 : vector<16xi32>
      %reshape3A_989 = vector.shape_cast %xor3A_988 : vector<16xi32> to vector<16x1xi32>
      %gather3A_990 = vector.shape_cast %reshape3A_989 : vector<16x1xi32> to vector<16xi32>
      %gather3A_991 = tpu.dynamic_gather %max3A_985[%gather3A_990] in [0] : vector<16xf32>, vector<16xi32> -> vector<16xf32>
      %max3A_992 = arith.maximumf %max3A_985, %gather3A_991 : vector<16xf32>
      %eq3A_993 = arith.cmpf oeq, %select_n3A_949, %max3A_992 : vector<16xf32>
      %jit3A_994 = arith.constant 64 : i32
      %broadcast_in_dim3A_995 = vector.broadcast %jit3A_994 : i32 to vector<16xi32>
      %select_n3A_996 = arith.select %eq3A_993, %add3A_853, %broadcast_in_dim3A_995 : vector<16xi1>, vector<16xi32>
      %eq3A_997 = arith.cmpf oeq, %select_n3A_953, %max3A_992 : vector<16xf32>
      %jit3A_998 = arith.constant 64 : i32
      %broadcast_in_dim3A_999 = vector.broadcast %jit3A_998 : i32 to vector<16xi32>
      %select_n3A_1000 = arith.select %eq3A_997, %add3A_856, %broadcast_in_dim3A_999 : vector<16xi1>, vector<16xi32>
      %eq3A_1001 = arith.cmpf oeq, %select_n3A_957, %max3A_992 : vector<16xf32>
      %jit3A_1002 = arith.constant 64 : i32
      %broadcast_in_dim3A_1003 = vector.broadcast %jit3A_1002 : i32 to vector<16xi32>
      %select_n3A_1004 = arith.select %eq3A_1001, %add3A_859, %broadcast_in_dim3A_1003 : vector<16xi1>, vector<16xi32>
      %eq3A_1005 = arith.cmpf oeq, %select_n3A_961, %max3A_992 : vector<16xf32>
      %jit3A_1006 = arith.constant 64 : i32
      %broadcast_in_dim3A_1007 = vector.broadcast %jit3A_1006 : i32 to vector<16xi32>
      %select_n3A_1008 = arith.select %eq3A_1005, %add3A_862, %broadcast_in_dim3A_1007 : vector<16xi1>, vector<16xi32>
      %min3A_1009 = arith.minsi %select_n3A_996, %select_n3A_1000 : vector<16xi32>
      %min3A_1010 = arith.minsi %select_n3A_1004, %select_n3A_1008 : vector<16xi32>
      %min3A_1011 = arith.minsi %min3A_1009, %min3A_1010 : vector<16xi32>
      %xor3A_1012 = arith.constant 8 : i32
      %xor3A_1013 = vector.broadcast %xor3A_1012 : i32 to vector<16xi32>
      %xor3A_1014 = arith.xori %iota3A, %xor3A_1013 : vector<16xi32>
      %reshape3A_1015 = vector.shape_cast %xor3A_1014 : vector<16xi32> to vector<16x1xi32>
      %gather3A_1016 = vector.shape_cast %reshape3A_1015 : vector<16x1xi32> to vector<16xi32>
      %gather3A_1017 = tpu.dynamic_gather %min3A_1011[%gather3A_1016] in [0] : vector<16xi32>, vector<16xi32> -> vector<16xi32>
      %min3A_1018 = arith.minsi %min3A_1011, %gather3A_1017 : vector<16xi32>
      %xor3A_1019 = arith.constant 4 : i32
      %xor3A_1020 = vector.broadcast %xor3A_1019 : i32 to vector<16xi32>
      %xor3A_1021 = arith.xori %iota3A, %xor3A_1020 : vector<16xi32>
      %reshape3A_1022 = vector.shape_cast %xor3A_1021 : vector<16xi32> to vector<16x1xi32>
      %gather3A_1023 = vector.shape_cast %reshape3A_1022 : vector<16x1xi32> to vector<16xi32>
      %gather3A_1024 = tpu.dynamic_gather %min3A_1018[%gather3A_1023] in [0] : vector<16xi32>, vector<16xi32> -> vector<16xi32>
      %min3A_1025 = arith.minsi %min3A_1018, %gather3A_1024 : vector<16xi32>
      %xor3A_1026 = arith.constant 2 : i32
      %xor3A_1027 = vector.broadcast %xor3A_1026 : i32 to vector<16xi32>
      %xor3A_1028 = arith.xori %iota3A, %xor3A_1027 : vector<16xi32>
      %reshape3A_1029 = vector.shape_cast %xor3A_1028 : vector<16xi32> to vector<16x1xi32>
      %gather3A_1030 = vector.shape_cast %reshape3A_1029 : vector<16x1xi32> to vector<16xi32>
      %gather3A_1031 = tpu.dynamic_gather %min3A_1025[%gather3A_1030] in [0] : vector<16xi32>, vector<16xi32> -> vector<16xi32>
      %min3A_1032 = arith.minsi %min3A_1025, %gather3A_1031 : vector<16xi32>
      %xor3A_1033 = arith.constant 1 : i32
      %xor3A_1034 = vector.broadcast %xor3A_1033 : i32 to vector<16xi32>
      %xor3A_1035 = arith.xori %iota3A, %xor3A_1034 : vector<16xi32>
      %reshape3A_1036 = vector.shape_cast %xor3A_1035 : vector<16xi32> to vector<16x1xi32>
      %gather3A_1037 = vector.shape_cast %reshape3A_1036 : vector<16x1xi32> to vector<16xi32>
      %gather3A_1038 = tpu.dynamic_gather %min3A_1032[%gather3A_1037] in [0] : vector<16xi32>, vector<16xi32> -> vector<16xi32>
      %min3A_1039 = arith.minsi %min3A_1032, %gather3A_1038 : vector<16xi32>
      %eq3A_1040 = arith.constant 9 : i32
      %eq3A_1041 = vector.broadcast %eq3A_1040 : i32 to vector<16xi32>
      %eq3A_1042 = arith.cmpi eq, %iota3A, %eq3A_1041 : vector<16xi32>
      %select_n3A_1043 = arith.select %eq3A_1042, %max3A_992, %select_n3A_944 : vector<16xi1>, vector<16xf32>
      %select_n3A_1044 = arith.select %eq3A_1042, %min3A_1039, %select_n3A_945 : vector<16xi1>, vector<16xi32>
      %eq3A_1045 = arith.cmpi eq, %add3A_853, %min3A_1039 : vector<16xi32>
      %jit3A_1046 = arith.constant 0xFF800000 : f32
      %broadcast_in_dim3A_1047 = vector.broadcast %jit3A_1046 : f32 to vector<16xf32>
      %select_n3A_1048 = arith.select %eq3A_1045, %broadcast_in_dim3A_1047, %select_n3A_949 : vector<16xi1>, vector<16xf32>
      %eq3A_1049 = arith.cmpi eq, %add3A_856, %min3A_1039 : vector<16xi32>
      %jit3A_1050 = arith.constant 0xFF800000 : f32
      %broadcast_in_dim3A_1051 = vector.broadcast %jit3A_1050 : f32 to vector<16xf32>
      %select_n3A_1052 = arith.select %eq3A_1049, %broadcast_in_dim3A_1051, %select_n3A_953 : vector<16xi1>, vector<16xf32>
      %eq3A_1053 = arith.cmpi eq, %add3A_859, %min3A_1039 : vector<16xi32>
      %jit3A_1054 = arith.constant 0xFF800000 : f32
      %broadcast_in_dim3A_1055 = vector.broadcast %jit3A_1054 : f32 to vector<16xf32>
      %select_n3A_1056 = arith.select %eq3A_1053, %broadcast_in_dim3A_1055, %select_n3A_957 : vector<16xi1>, vector<16xf32>
      %eq3A_1057 = arith.cmpi eq, %add3A_862, %min3A_1039 : vector<16xi32>
      %jit3A_1058 = arith.constant 0xFF800000 : f32
      %broadcast_in_dim3A_1059 = vector.broadcast %jit3A_1058 : f32 to vector<16xf32>
      %select_n3A_1060 = arith.select %eq3A_1057, %broadcast_in_dim3A_1059, %select_n3A_961 : vector<16xi1>, vector<16xf32>
      %max3A_1061 = arith.maximumf %select_n3A_1048, %select_n3A_1052 : vector<16xf32>
      %max3A_1062 = arith.maximumf %select_n3A_1056, %select_n3A_1060 : vector<16xf32>
      %max3A_1063 = arith.maximumf %max3A_1061, %max3A_1062 : vector<16xf32>
      %xor3A_1064 = arith.constant 8 : i32
      %xor3A_1065 = vector.broadcast %xor3A_1064 : i32 to vector<16xi32>
      %xor3A_1066 = arith.xori %iota3A, %xor3A_1065 : vector<16xi32>
      %reshape3A_1067 = vector.shape_cast %xor3A_1066 : vector<16xi32> to vector<16x1xi32>
      %gather3A_1068 = vector.shape_cast %reshape3A_1067 : vector<16x1xi32> to vector<16xi32>
      %gather3A_1069 = tpu.dynamic_gather %max3A_1063[%gather3A_1068] in [0] : vector<16xf32>, vector<16xi32> -> vector<16xf32>
      %max3A_1070 = arith.maximumf %max3A_1063, %gather3A_1069 : vector<16xf32>
      %xor3A_1071 = arith.constant 4 : i32
      %xor3A_1072 = vector.broadcast %xor3A_1071 : i32 to vector<16xi32>
      %xor3A_1073 = arith.xori %iota3A, %xor3A_1072 : vector<16xi32>
      %reshape3A_1074 = vector.shape_cast %xor3A_1073 : vector<16xi32> to vector<16x1xi32>
      %gather3A_1075 = vector.shape_cast %reshape3A_1074 : vector<16x1xi32> to vector<16xi32>
      %gather3A_1076 = tpu.dynamic_gather %max3A_1070[%gather3A_1075] in [0] : vector<16xf32>, vector<16xi32> -> vector<16xf32>
      %max3A_1077 = arith.maximumf %max3A_1070, %gather3A_1076 : vector<16xf32>
      %xor3A_1078 = arith.constant 2 : i32
      %xor3A_1079 = vector.broadcast %xor3A_1078 : i32 to vector<16xi32>
      %xor3A_1080 = arith.xori %iota3A, %xor3A_1079 : vector<16xi32>
      %reshape3A_1081 = vector.shape_cast %xor3A_1080 : vector<16xi32> to vector<16x1xi32>
      %gather3A_1082 = vector.shape_cast %reshape3A_1081 : vector<16x1xi32> to vector<16xi32>
      %gather3A_1083 = tpu.dynamic_gather %max3A_1077[%gather3A_1082] in [0] : vector<16xf32>, vector<16xi32> -> vector<16xf32>
      %max3A_1084 = arith.maximumf %max3A_1077, %gather3A_1083 : vector<16xf32>
      %xor3A_1085 = arith.constant 1 : i32
      %xor3A_1086 = vector.broadcast %xor3A_1085 : i32 to vector<16xi32>
      %xor3A_1087 = arith.xori %iota3A, %xor3A_1086 : vector<16xi32>
      %reshape3A_1088 = vector.shape_cast %xor3A_1087 : vector<16xi32> to vector<16x1xi32>
      %gather3A_1089 = vector.shape_cast %reshape3A_1088 : vector<16x1xi32> to vector<16xi32>
      %gather3A_1090 = tpu.dynamic_gather %max3A_1084[%gather3A_1089] in [0] : vector<16xf32>, vector<16xi32> -> vector<16xf32>
      %max3A_1091 = arith.maximumf %max3A_1084, %gather3A_1090 : vector<16xf32>
      %eq3A_1092 = arith.cmpf oeq, %select_n3A_1048, %max3A_1091 : vector<16xf32>
      %jit3A_1093 = arith.constant 64 : i32
      %broadcast_in_dim3A_1094 = vector.broadcast %jit3A_1093 : i32 to vector<16xi32>
      %select_n3A_1095 = arith.select %eq3A_1092, %add3A_853, %broadcast_in_dim3A_1094 : vector<16xi1>, vector<16xi32>
      %eq3A_1096 = arith.cmpf oeq, %select_n3A_1052, %max3A_1091 : vector<16xf32>
      %jit3A_1097 = arith.constant 64 : i32
      %broadcast_in_dim3A_1098 = vector.broadcast %jit3A_1097 : i32 to vector<16xi32>
      %select_n3A_1099 = arith.select %eq3A_1096, %add3A_856, %broadcast_in_dim3A_1098 : vector<16xi1>, vector<16xi32>
      %eq3A_1100 = arith.cmpf oeq, %select_n3A_1056, %max3A_1091 : vector<16xf32>
      %jit3A_1101 = arith.constant 64 : i32
      %broadcast_in_dim3A_1102 = vector.broadcast %jit3A_1101 : i32 to vector<16xi32>
      %select_n3A_1103 = arith.select %eq3A_1100, %add3A_859, %broadcast_in_dim3A_1102 : vector<16xi1>, vector<16xi32>
      %eq3A_1104 = arith.cmpf oeq, %select_n3A_1060, %max3A_1091 : vector<16xf32>
      %jit3A_1105 = arith.constant 64 : i32
      %broadcast_in_dim3A_1106 = vector.broadcast %jit3A_1105 : i32 to vector<16xi32>
      %select_n3A_1107 = arith.select %eq3A_1104, %add3A_862, %broadcast_in_dim3A_1106 : vector<16xi1>, vector<16xi32>
      %min3A_1108 = arith.minsi %select_n3A_1095, %select_n3A_1099 : vector<16xi32>
      %min3A_1109 = arith.minsi %select_n3A_1103, %select_n3A_1107 : vector<16xi32>
      %min3A_1110 = arith.minsi %min3A_1108, %min3A_1109 : vector<16xi32>
      %xor3A_1111 = arith.constant 8 : i32
      %xor3A_1112 = vector.broadcast %xor3A_1111 : i32 to vector<16xi32>
      %xor3A_1113 = arith.xori %iota3A, %xor3A_1112 : vector<16xi32>
      %reshape3A_1114 = vector.shape_cast %xor3A_1113 : vector<16xi32> to vector<16x1xi32>
      %gather3A_1115 = vector.shape_cast %reshape3A_1114 : vector<16x1xi32> to vector<16xi32>
      %gather3A_1116 = tpu.dynamic_gather %min3A_1110[%gather3A_1115] in [0] : vector<16xi32>, vector<16xi32> -> vector<16xi32>
      %min3A_1117 = arith.minsi %min3A_1110, %gather3A_1116 : vector<16xi32>
      %xor3A_1118 = arith.constant 4 : i32
      %xor3A_1119 = vector.broadcast %xor3A_1118 : i32 to vector<16xi32>
      %xor3A_1120 = arith.xori %iota3A, %xor3A_1119 : vector<16xi32>
      %reshape3A_1121 = vector.shape_cast %xor3A_1120 : vector<16xi32> to vector<16x1xi32>
      %gather3A_1122 = vector.shape_cast %reshape3A_1121 : vector<16x1xi32> to vector<16xi32>
      %gather3A_1123 = tpu.dynamic_gather %min3A_1117[%gather3A_1122] in [0] : vector<16xi32>, vector<16xi32> -> vector<16xi32>
      %min3A_1124 = arith.minsi %min3A_1117, %gather3A_1123 : vector<16xi32>
      %xor3A_1125 = arith.constant 2 : i32
      %xor3A_1126 = vector.broadcast %xor3A_1125 : i32 to vector<16xi32>
      %xor3A_1127 = arith.xori %iota3A, %xor3A_1126 : vector<16xi32>
      %reshape3A_1128 = vector.shape_cast %xor3A_1127 : vector<16xi32> to vector<16x1xi32>
      %gather3A_1129 = vector.shape_cast %reshape3A_1128 : vector<16x1xi32> to vector<16xi32>
      %gather3A_1130 = tpu.dynamic_gather %min3A_1124[%gather3A_1129] in [0] : vector<16xi32>, vector<16xi32> -> vector<16xi32>
      %min3A_1131 = arith.minsi %min3A_1124, %gather3A_1130 : vector<16xi32>
      %xor3A_1132 = arith.constant 1 : i32
      %xor3A_1133 = vector.broadcast %xor3A_1132 : i32 to vector<16xi32>
      %xor3A_1134 = arith.xori %iota3A, %xor3A_1133 : vector<16xi32>
      %reshape3A_1135 = vector.shape_cast %xor3A_1134 : vector<16xi32> to vector<16x1xi32>
      %gather3A_1136 = vector.shape_cast %reshape3A_1135 : vector<16x1xi32> to vector<16xi32>
      %gather3A_1137 = tpu.dynamic_gather %min3A_1131[%gather3A_1136] in [0] : vector<16xi32>, vector<16xi32> -> vector<16xi32>
      %min3A_1138 = arith.minsi %min3A_1131, %gather3A_1137 : vector<16xi32>
      %eq3A_1139 = arith.constant 10 : i32
      %eq3A_1140 = vector.broadcast %eq3A_1139 : i32 to vector<16xi32>
      %eq3A_1141 = arith.cmpi eq, %iota3A, %eq3A_1140 : vector<16xi32>
      %select_n3A_1142 = arith.select %eq3A_1141, %max3A_1091, %select_n3A_1043 : vector<16xi1>, vector<16xf32>
      %select_n3A_1143 = arith.select %eq3A_1141, %min3A_1138, %select_n3A_1044 : vector<16xi1>, vector<16xi32>
      %eq3A_1144 = arith.cmpi eq, %add3A_853, %min3A_1138 : vector<16xi32>
      %jit3A_1145 = arith.constant 0xFF800000 : f32
      %broadcast_in_dim3A_1146 = vector.broadcast %jit3A_1145 : f32 to vector<16xf32>
      %select_n3A_1147 = arith.select %eq3A_1144, %broadcast_in_dim3A_1146, %select_n3A_1048 : vector<16xi1>, vector<16xf32>
      %eq3A_1148 = arith.cmpi eq, %add3A_856, %min3A_1138 : vector<16xi32>
      %jit3A_1149 = arith.constant 0xFF800000 : f32
      %broadcast_in_dim3A_1150 = vector.broadcast %jit3A_1149 : f32 to vector<16xf32>
      %select_n3A_1151 = arith.select %eq3A_1148, %broadcast_in_dim3A_1150, %select_n3A_1052 : vector<16xi1>, vector<16xf32>
      %eq3A_1152 = arith.cmpi eq, %add3A_859, %min3A_1138 : vector<16xi32>
      %jit3A_1153 = arith.constant 0xFF800000 : f32
      %broadcast_in_dim3A_1154 = vector.broadcast %jit3A_1153 : f32 to vector<16xf32>
      %select_n3A_1155 = arith.select %eq3A_1152, %broadcast_in_dim3A_1154, %select_n3A_1056 : vector<16xi1>, vector<16xf32>
      %eq3A_1156 = arith.cmpi eq, %add3A_862, %min3A_1138 : vector<16xi32>
      %jit3A_1157 = arith.constant 0xFF800000 : f32
      %broadcast_in_dim3A_1158 = vector.broadcast %jit3A_1157 : f32 to vector<16xf32>
      %select_n3A_1159 = arith.select %eq3A_1156, %broadcast_in_dim3A_1158, %select_n3A_1060 : vector<16xi1>, vector<16xf32>
      %max3A_1160 = arith.maximumf %select_n3A_1147, %select_n3A_1151 : vector<16xf32>
      %max3A_1161 = arith.maximumf %select_n3A_1155, %select_n3A_1159 : vector<16xf32>
      %max3A_1162 = arith.maximumf %max3A_1160, %max3A_1161 : vector<16xf32>
      %xor3A_1163 = arith.constant 8 : i32
      %xor3A_1164 = vector.broadcast %xor3A_1163 : i32 to vector<16xi32>
      %xor3A_1165 = arith.xori %iota3A, %xor3A_1164 : vector<16xi32>
      %reshape3A_1166 = vector.shape_cast %xor3A_1165 : vector<16xi32> to vector<16x1xi32>
      %gather3A_1167 = vector.shape_cast %reshape3A_1166 : vector<16x1xi32> to vector<16xi32>
      %gather3A_1168 = tpu.dynamic_gather %max3A_1162[%gather3A_1167] in [0] : vector<16xf32>, vector<16xi32> -> vector<16xf32>
      %max3A_1169 = arith.maximumf %max3A_1162, %gather3A_1168 : vector<16xf32>
      %xor3A_1170 = arith.constant 4 : i32
      %xor3A_1171 = vector.broadcast %xor3A_1170 : i32 to vector<16xi32>
      %xor3A_1172 = arith.xori %iota3A, %xor3A_1171 : vector<16xi32>
      %reshape3A_1173 = vector.shape_cast %xor3A_1172 : vector<16xi32> to vector<16x1xi32>
      %gather3A_1174 = vector.shape_cast %reshape3A_1173 : vector<16x1xi32> to vector<16xi32>
      %gather3A_1175 = tpu.dynamic_gather %max3A_1169[%gather3A_1174] in [0] : vector<16xf32>, vector<16xi32> -> vector<16xf32>
      %max3A_1176 = arith.maximumf %max3A_1169, %gather3A_1175 : vector<16xf32>
      %xor3A_1177 = arith.constant 2 : i32
      %xor3A_1178 = vector.broadcast %xor3A_1177 : i32 to vector<16xi32>
      %xor3A_1179 = arith.xori %iota3A, %xor3A_1178 : vector<16xi32>
      %reshape3A_1180 = vector.shape_cast %xor3A_1179 : vector<16xi32> to vector<16x1xi32>
      %gather3A_1181 = vector.shape_cast %reshape3A_1180 : vector<16x1xi32> to vector<16xi32>
      %gather3A_1182 = tpu.dynamic_gather %max3A_1176[%gather3A_1181] in [0] : vector<16xf32>, vector<16xi32> -> vector<16xf32>
      %max3A_1183 = arith.maximumf %max3A_1176, %gather3A_1182 : vector<16xf32>
      %xor3A_1184 = arith.constant 1 : i32
      %xor3A_1185 = vector.broadcast %xor3A_1184 : i32 to vector<16xi32>
      %xor3A_1186 = arith.xori %iota3A, %xor3A_1185 : vector<16xi32>
      %reshape3A_1187 = vector.shape_cast %xor3A_1186 : vector<16xi32> to vector<16x1xi32>
      %gather3A_1188 = vector.shape_cast %reshape3A_1187 : vector<16x1xi32> to vector<16xi32>
      %gather3A_1189 = tpu.dynamic_gather %max3A_1183[%gather3A_1188] in [0] : vector<16xf32>, vector<16xi32> -> vector<16xf32>
      %max3A_1190 = arith.maximumf %max3A_1183, %gather3A_1189 : vector<16xf32>
      %eq3A_1191 = arith.cmpf oeq, %select_n3A_1147, %max3A_1190 : vector<16xf32>
      %jit3A_1192 = arith.constant 64 : i32
      %broadcast_in_dim3A_1193 = vector.broadcast %jit3A_1192 : i32 to vector<16xi32>
      %select_n3A_1194 = arith.select %eq3A_1191, %add3A_853, %broadcast_in_dim3A_1193 : vector<16xi1>, vector<16xi32>
      %eq3A_1195 = arith.cmpf oeq, %select_n3A_1151, %max3A_1190 : vector<16xf32>
      %jit3A_1196 = arith.constant 64 : i32
      %broadcast_in_dim3A_1197 = vector.broadcast %jit3A_1196 : i32 to vector<16xi32>
      %select_n3A_1198 = arith.select %eq3A_1195, %add3A_856, %broadcast_in_dim3A_1197 : vector<16xi1>, vector<16xi32>
      %eq3A_1199 = arith.cmpf oeq, %select_n3A_1155, %max3A_1190 : vector<16xf32>
      %jit3A_1200 = arith.constant 64 : i32
      %broadcast_in_dim3A_1201 = vector.broadcast %jit3A_1200 : i32 to vector<16xi32>
      %select_n3A_1202 = arith.select %eq3A_1199, %add3A_859, %broadcast_in_dim3A_1201 : vector<16xi1>, vector<16xi32>
      %eq3A_1203 = arith.cmpf oeq, %select_n3A_1159, %max3A_1190 : vector<16xf32>
      %jit3A_1204 = arith.constant 64 : i32
      %broadcast_in_dim3A_1205 = vector.broadcast %jit3A_1204 : i32 to vector<16xi32>
      %select_n3A_1206 = arith.select %eq3A_1203, %add3A_862, %broadcast_in_dim3A_1205 : vector<16xi1>, vector<16xi32>
      %min3A_1207 = arith.minsi %select_n3A_1194, %select_n3A_1198 : vector<16xi32>
      %min3A_1208 = arith.minsi %select_n3A_1202, %select_n3A_1206 : vector<16xi32>
      %min3A_1209 = arith.minsi %min3A_1207, %min3A_1208 : vector<16xi32>
      %xor3A_1210 = arith.constant 8 : i32
      %xor3A_1211 = vector.broadcast %xor3A_1210 : i32 to vector<16xi32>
      %xor3A_1212 = arith.xori %iota3A, %xor3A_1211 : vector<16xi32>
      %reshape3A_1213 = vector.shape_cast %xor3A_1212 : vector<16xi32> to vector<16x1xi32>
      %gather3A_1214 = vector.shape_cast %reshape3A_1213 : vector<16x1xi32> to vector<16xi32>
      %gather3A_1215 = tpu.dynamic_gather %min3A_1209[%gather3A_1214] in [0] : vector<16xi32>, vector<16xi32> -> vector<16xi32>
      %min3A_1216 = arith.minsi %min3A_1209, %gather3A_1215 : vector<16xi32>
      %xor3A_1217 = arith.constant 4 : i32
      %xor3A_1218 = vector.broadcast %xor3A_1217 : i32 to vector<16xi32>
      %xor3A_1219 = arith.xori %iota3A, %xor3A_1218 : vector<16xi32>
      %reshape3A_1220 = vector.shape_cast %xor3A_1219 : vector<16xi32> to vector<16x1xi32>
      %gather3A_1221 = vector.shape_cast %reshape3A_1220 : vector<16x1xi32> to vector<16xi32>
      %gather3A_1222 = tpu.dynamic_gather %min3A_1216[%gather3A_1221] in [0] : vector<16xi32>, vector<16xi32> -> vector<16xi32>
      %min3A_1223 = arith.minsi %min3A_1216, %gather3A_1222 : vector<16xi32>
      %xor3A_1224 = arith.constant 2 : i32
      %xor3A_1225 = vector.broadcast %xor3A_1224 : i32 to vector<16xi32>
      %xor3A_1226 = arith.xori %iota3A, %xor3A_1225 : vector<16xi32>
      %reshape3A_1227 = vector.shape_cast %xor3A_1226 : vector<16xi32> to vector<16x1xi32>
      %gather3A_1228 = vector.shape_cast %reshape3A_1227 : vector<16x1xi32> to vector<16xi32>
      %gather3A_1229 = tpu.dynamic_gather %min3A_1223[%gather3A_1228] in [0] : vector<16xi32>, vector<16xi32> -> vector<16xi32>
      %min3A_1230 = arith.minsi %min3A_1223, %gather3A_1229 : vector<16xi32>
      %xor3A_1231 = arith.constant 1 : i32
      %xor3A_1232 = vector.broadcast %xor3A_1231 : i32 to vector<16xi32>
      %xor3A_1233 = arith.xori %iota3A, %xor3A_1232 : vector<16xi32>
      %reshape3A_1234 = vector.shape_cast %xor3A_1233 : vector<16xi32> to vector<16x1xi32>
      %gather3A_1235 = vector.shape_cast %reshape3A_1234 : vector<16x1xi32> to vector<16xi32>
      %gather3A_1236 = tpu.dynamic_gather %min3A_1230[%gather3A_1235] in [0] : vector<16xi32>, vector<16xi32> -> vector<16xi32>
      %min3A_1237 = arith.minsi %min3A_1230, %gather3A_1236 : vector<16xi32>
      %eq3A_1238 = arith.constant 11 : i32
      %eq3A_1239 = vector.broadcast %eq3A_1238 : i32 to vector<16xi32>
      %eq3A_1240 = arith.cmpi eq, %iota3A, %eq3A_1239 : vector<16xi32>
      %select_n3A_1241 = arith.select %eq3A_1240, %max3A_1190, %select_n3A_1142 : vector<16xi1>, vector<16xf32>
      %select_n3A_1242 = arith.select %eq3A_1240, %min3A_1237, %select_n3A_1143 : vector<16xi1>, vector<16xi32>
      %eq3A_1243 = arith.cmpi eq, %add3A_853, %min3A_1237 : vector<16xi32>
      %jit3A_1244 = arith.constant 0xFF800000 : f32
      %broadcast_in_dim3A_1245 = vector.broadcast %jit3A_1244 : f32 to vector<16xf32>
      %select_n3A_1246 = arith.select %eq3A_1243, %broadcast_in_dim3A_1245, %select_n3A_1147 : vector<16xi1>, vector<16xf32>
      %eq3A_1247 = arith.cmpi eq, %add3A_856, %min3A_1237 : vector<16xi32>
      %jit3A_1248 = arith.constant 0xFF800000 : f32
      %broadcast_in_dim3A_1249 = vector.broadcast %jit3A_1248 : f32 to vector<16xf32>
      %select_n3A_1250 = arith.select %eq3A_1247, %broadcast_in_dim3A_1249, %select_n3A_1151 : vector<16xi1>, vector<16xf32>
      %eq3A_1251 = arith.cmpi eq, %add3A_859, %min3A_1237 : vector<16xi32>
      %jit3A_1252 = arith.constant 0xFF800000 : f32
      %broadcast_in_dim3A_1253 = vector.broadcast %jit3A_1252 : f32 to vector<16xf32>
      %select_n3A_1254 = arith.select %eq3A_1251, %broadcast_in_dim3A_1253, %select_n3A_1155 : vector<16xi1>, vector<16xf32>
      %eq3A_1255 = arith.cmpi eq, %add3A_862, %min3A_1237 : vector<16xi32>
      %jit3A_1256 = arith.constant 0xFF800000 : f32
      %broadcast_in_dim3A_1257 = vector.broadcast %jit3A_1256 : f32 to vector<16xf32>
      %select_n3A_1258 = arith.select %eq3A_1255, %broadcast_in_dim3A_1257, %select_n3A_1159 : vector<16xi1>, vector<16xf32>
      %max3A_1259 = arith.maximumf %select_n3A_1246, %select_n3A_1250 : vector<16xf32>
      %max3A_1260 = arith.maximumf %select_n3A_1254, %select_n3A_1258 : vector<16xf32>
      %max3A_1261 = arith.maximumf %max3A_1259, %max3A_1260 : vector<16xf32>
      %xor3A_1262 = arith.constant 8 : i32
      %xor3A_1263 = vector.broadcast %xor3A_1262 : i32 to vector<16xi32>
      %xor3A_1264 = arith.xori %iota3A, %xor3A_1263 : vector<16xi32>
      %reshape3A_1265 = vector.shape_cast %xor3A_1264 : vector<16xi32> to vector<16x1xi32>
      %gather3A_1266 = vector.shape_cast %reshape3A_1265 : vector<16x1xi32> to vector<16xi32>
      %gather3A_1267 = tpu.dynamic_gather %max3A_1261[%gather3A_1266] in [0] : vector<16xf32>, vector<16xi32> -> vector<16xf32>
      %max3A_1268 = arith.maximumf %max3A_1261, %gather3A_1267 : vector<16xf32>
      %xor3A_1269 = arith.constant 4 : i32
      %xor3A_1270 = vector.broadcast %xor3A_1269 : i32 to vector<16xi32>
      %xor3A_1271 = arith.xori %iota3A, %xor3A_1270 : vector<16xi32>
      %reshape3A_1272 = vector.shape_cast %xor3A_1271 : vector<16xi32> to vector<16x1xi32>
      %gather3A_1273 = vector.shape_cast %reshape3A_1272 : vector<16x1xi32> to vector<16xi32>
      %gather3A_1274 = tpu.dynamic_gather %max3A_1268[%gather3A_1273] in [0] : vector<16xf32>, vector<16xi32> -> vector<16xf32>
      %max3A_1275 = arith.maximumf %max3A_1268, %gather3A_1274 : vector<16xf32>
      %xor3A_1276 = arith.constant 2 : i32
      %xor3A_1277 = vector.broadcast %xor3A_1276 : i32 to vector<16xi32>
      %xor3A_1278 = arith.xori %iota3A, %xor3A_1277 : vector<16xi32>
      %reshape3A_1279 = vector.shape_cast %xor3A_1278 : vector<16xi32> to vector<16x1xi32>
      %gather3A_1280 = vector.shape_cast %reshape3A_1279 : vector<16x1xi32> to vector<16xi32>
      %gather3A_1281 = tpu.dynamic_gather %max3A_1275[%gather3A_1280] in [0] : vector<16xf32>, vector<16xi32> -> vector<16xf32>
      %max3A_1282 = arith.maximumf %max3A_1275, %gather3A_1281 : vector<16xf32>
      %xor3A_1283 = arith.constant 1 : i32
      %xor3A_1284 = vector.broadcast %xor3A_1283 : i32 to vector<16xi32>
      %xor3A_1285 = arith.xori %iota3A, %xor3A_1284 : vector<16xi32>
      %reshape3A_1286 = vector.shape_cast %xor3A_1285 : vector<16xi32> to vector<16x1xi32>
      %gather3A_1287 = vector.shape_cast %reshape3A_1286 : vector<16x1xi32> to vector<16xi32>
      %gather3A_1288 = tpu.dynamic_gather %max3A_1282[%gather3A_1287] in [0] : vector<16xf32>, vector<16xi32> -> vector<16xf32>
      %max3A_1289 = arith.maximumf %max3A_1282, %gather3A_1288 : vector<16xf32>
      %eq3A_1290 = arith.cmpf oeq, %select_n3A_1246, %max3A_1289 : vector<16xf32>
      %jit3A_1291 = arith.constant 64 : i32
      %broadcast_in_dim3A_1292 = vector.broadcast %jit3A_1291 : i32 to vector<16xi32>
      %select_n3A_1293 = arith.select %eq3A_1290, %add3A_853, %broadcast_in_dim3A_1292 : vector<16xi1>, vector<16xi32>
      %eq3A_1294 = arith.cmpf oeq, %select_n3A_1250, %max3A_1289 : vector<16xf32>
      %jit3A_1295 = arith.constant 64 : i32
      %broadcast_in_dim3A_1296 = vector.broadcast %jit3A_1295 : i32 to vector<16xi32>
      %select_n3A_1297 = arith.select %eq3A_1294, %add3A_856, %broadcast_in_dim3A_1296 : vector<16xi1>, vector<16xi32>
      %eq3A_1298 = arith.cmpf oeq, %select_n3A_1254, %max3A_1289 : vector<16xf32>
      %jit3A_1299 = arith.constant 64 : i32
      %broadcast_in_dim3A_1300 = vector.broadcast %jit3A_1299 : i32 to vector<16xi32>
      %select_n3A_1301 = arith.select %eq3A_1298, %add3A_859, %broadcast_in_dim3A_1300 : vector<16xi1>, vector<16xi32>
      %eq3A_1302 = arith.cmpf oeq, %select_n3A_1258, %max3A_1289 : vector<16xf32>
      %jit3A_1303 = arith.constant 64 : i32
      %broadcast_in_dim3A_1304 = vector.broadcast %jit3A_1303 : i32 to vector<16xi32>
      %select_n3A_1305 = arith.select %eq3A_1302, %add3A_862, %broadcast_in_dim3A_1304 : vector<16xi1>, vector<16xi32>
      %min3A_1306 = arith.minsi %select_n3A_1293, %select_n3A_1297 : vector<16xi32>
      %min3A_1307 = arith.minsi %select_n3A_1301, %select_n3A_1305 : vector<16xi32>
      %min3A_1308 = arith.minsi %min3A_1306, %min3A_1307 : vector<16xi32>
      %xor3A_1309 = arith.constant 8 : i32
      %xor3A_1310 = vector.broadcast %xor3A_1309 : i32 to vector<16xi32>
      %xor3A_1311 = arith.xori %iota3A, %xor3A_1310 : vector<16xi32>
      %reshape3A_1312 = vector.shape_cast %xor3A_1311 : vector<16xi32> to vector<16x1xi32>
      %gather3A_1313 = vector.shape_cast %reshape3A_1312 : vector<16x1xi32> to vector<16xi32>
      %gather3A_1314 = tpu.dynamic_gather %min3A_1308[%gather3A_1313] in [0] : vector<16xi32>, vector<16xi32> -> vector<16xi32>
      %min3A_1315 = arith.minsi %min3A_1308, %gather3A_1314 : vector<16xi32>
      %xor3A_1316 = arith.constant 4 : i32
      %xor3A_1317 = vector.broadcast %xor3A_1316 : i32 to vector<16xi32>
      %xor3A_1318 = arith.xori %iota3A, %xor3A_1317 : vector<16xi32>
      %reshape3A_1319 = vector.shape_cast %xor3A_1318 : vector<16xi32> to vector<16x1xi32>
      %gather3A_1320 = vector.shape_cast %reshape3A_1319 : vector<16x1xi32> to vector<16xi32>
      %gather3A_1321 = tpu.dynamic_gather %min3A_1315[%gather3A_1320] in [0] : vector<16xi32>, vector<16xi32> -> vector<16xi32>
      %min3A_1322 = arith.minsi %min3A_1315, %gather3A_1321 : vector<16xi32>
      %xor3A_1323 = arith.constant 2 : i32
      %xor3A_1324 = vector.broadcast %xor3A_1323 : i32 to vector<16xi32>
      %xor3A_1325 = arith.xori %iota3A, %xor3A_1324 : vector<16xi32>
      %reshape3A_1326 = vector.shape_cast %xor3A_1325 : vector<16xi32> to vector<16x1xi32>
      %gather3A_1327 = vector.shape_cast %reshape3A_1326 : vector<16x1xi32> to vector<16xi32>
      %gather3A_1328 = tpu.dynamic_gather %min3A_1322[%gather3A_1327] in [0] : vector<16xi32>, vector<16xi32> -> vector<16xi32>
      %min3A_1329 = arith.minsi %min3A_1322, %gather3A_1328 : vector<16xi32>
      %xor3A_1330 = arith.constant 1 : i32
      %xor3A_1331 = vector.broadcast %xor3A_1330 : i32 to vector<16xi32>
      %xor3A_1332 = arith.xori %iota3A, %xor3A_1331 : vector<16xi32>
      %reshape3A_1333 = vector.shape_cast %xor3A_1332 : vector<16xi32> to vector<16x1xi32>
      %gather3A_1334 = vector.shape_cast %reshape3A_1333 : vector<16x1xi32> to vector<16xi32>
      %gather3A_1335 = tpu.dynamic_gather %min3A_1329[%gather3A_1334] in [0] : vector<16xi32>, vector<16xi32> -> vector<16xi32>
      %min3A_1336 = arith.minsi %min3A_1329, %gather3A_1335 : vector<16xi32>
      %eq3A_1337 = arith.constant 12 : i32
      %eq3A_1338 = vector.broadcast %eq3A_1337 : i32 to vector<16xi32>
      %eq3A_1339 = arith.cmpi eq, %iota3A, %eq3A_1338 : vector<16xi32>
      %select_n3A_1340 = arith.select %eq3A_1339, %max3A_1289, %select_n3A_1241 : vector<16xi1>, vector<16xf32>
      %select_n3A_1341 = arith.select %eq3A_1339, %min3A_1336, %select_n3A_1242 : vector<16xi1>, vector<16xi32>
      %eq3A_1342 = arith.cmpi eq, %add3A_853, %min3A_1336 : vector<16xi32>
      %jit3A_1343 = arith.constant 0xFF800000 : f32
      %broadcast_in_dim3A_1344 = vector.broadcast %jit3A_1343 : f32 to vector<16xf32>
      %select_n3A_1345 = arith.select %eq3A_1342, %broadcast_in_dim3A_1344, %select_n3A_1246 : vector<16xi1>, vector<16xf32>
      %eq3A_1346 = arith.cmpi eq, %add3A_856, %min3A_1336 : vector<16xi32>
      %jit3A_1347 = arith.constant 0xFF800000 : f32
      %broadcast_in_dim3A_1348 = vector.broadcast %jit3A_1347 : f32 to vector<16xf32>
      %select_n3A_1349 = arith.select %eq3A_1346, %broadcast_in_dim3A_1348, %select_n3A_1250 : vector<16xi1>, vector<16xf32>
      %eq3A_1350 = arith.cmpi eq, %add3A_859, %min3A_1336 : vector<16xi32>
      %jit3A_1351 = arith.constant 0xFF800000 : f32
      %broadcast_in_dim3A_1352 = vector.broadcast %jit3A_1351 : f32 to vector<16xf32>
      %select_n3A_1353 = arith.select %eq3A_1350, %broadcast_in_dim3A_1352, %select_n3A_1254 : vector<16xi1>, vector<16xf32>
      %eq3A_1354 = arith.cmpi eq, %add3A_862, %min3A_1336 : vector<16xi32>
      %jit3A_1355 = arith.constant 0xFF800000 : f32
      %broadcast_in_dim3A_1356 = vector.broadcast %jit3A_1355 : f32 to vector<16xf32>
      %select_n3A_1357 = arith.select %eq3A_1354, %broadcast_in_dim3A_1356, %select_n3A_1258 : vector<16xi1>, vector<16xf32>
      %max3A_1358 = arith.maximumf %select_n3A_1345, %select_n3A_1349 : vector<16xf32>
      %max3A_1359 = arith.maximumf %select_n3A_1353, %select_n3A_1357 : vector<16xf32>
      %max3A_1360 = arith.maximumf %max3A_1358, %max3A_1359 : vector<16xf32>
      %xor3A_1361 = arith.constant 8 : i32
      %xor3A_1362 = vector.broadcast %xor3A_1361 : i32 to vector<16xi32>
      %xor3A_1363 = arith.xori %iota3A, %xor3A_1362 : vector<16xi32>
      %reshape3A_1364 = vector.shape_cast %xor3A_1363 : vector<16xi32> to vector<16x1xi32>
      %gather3A_1365 = vector.shape_cast %reshape3A_1364 : vector<16x1xi32> to vector<16xi32>
      %gather3A_1366 = tpu.dynamic_gather %max3A_1360[%gather3A_1365] in [0] : vector<16xf32>, vector<16xi32> -> vector<16xf32>
      %max3A_1367 = arith.maximumf %max3A_1360, %gather3A_1366 : vector<16xf32>
      %xor3A_1368 = arith.constant 4 : i32
      %xor3A_1369 = vector.broadcast %xor3A_1368 : i32 to vector<16xi32>
      %xor3A_1370 = arith.xori %iota3A, %xor3A_1369 : vector<16xi32>
      %reshape3A_1371 = vector.shape_cast %xor3A_1370 : vector<16xi32> to vector<16x1xi32>
      %gather3A_1372 = vector.shape_cast %reshape3A_1371 : vector<16x1xi32> to vector<16xi32>
      %gather3A_1373 = tpu.dynamic_gather %max3A_1367[%gather3A_1372] in [0] : vector<16xf32>, vector<16xi32> -> vector<16xf32>
      %max3A_1374 = arith.maximumf %max3A_1367, %gather3A_1373 : vector<16xf32>
      %xor3A_1375 = arith.constant 2 : i32
      %xor3A_1376 = vector.broadcast %xor3A_1375 : i32 to vector<16xi32>
      %xor3A_1377 = arith.xori %iota3A, %xor3A_1376 : vector<16xi32>
      %reshape3A_1378 = vector.shape_cast %xor3A_1377 : vector<16xi32> to vector<16x1xi32>
      %gather3A_1379 = vector.shape_cast %reshape3A_1378 : vector<16x1xi32> to vector<16xi32>
      %gather3A_1380 = tpu.dynamic_gather %max3A_1374[%gather3A_1379] in [0] : vector<16xf32>, vector<16xi32> -> vector<16xf32>
      %max3A_1381 = arith.maximumf %max3A_1374, %gather3A_1380 : vector<16xf32>
      %xor3A_1382 = arith.constant 1 : i32
      %xor3A_1383 = vector.broadcast %xor3A_1382 : i32 to vector<16xi32>
      %xor3A_1384 = arith.xori %iota3A, %xor3A_1383 : vector<16xi32>
      %reshape3A_1385 = vector.shape_cast %xor3A_1384 : vector<16xi32> to vector<16x1xi32>
      %gather3A_1386 = vector.shape_cast %reshape3A_1385 : vector<16x1xi32> to vector<16xi32>
      %gather3A_1387 = tpu.dynamic_gather %max3A_1381[%gather3A_1386] in [0] : vector<16xf32>, vector<16xi32> -> vector<16xf32>
      %max3A_1388 = arith.maximumf %max3A_1381, %gather3A_1387 : vector<16xf32>
      %eq3A_1389 = arith.cmpf oeq, %select_n3A_1345, %max3A_1388 : vector<16xf32>
      %jit3A_1390 = arith.constant 64 : i32
      %broadcast_in_dim3A_1391 = vector.broadcast %jit3A_1390 : i32 to vector<16xi32>
      %select_n3A_1392 = arith.select %eq3A_1389, %add3A_853, %broadcast_in_dim3A_1391 : vector<16xi1>, vector<16xi32>
      %eq3A_1393 = arith.cmpf oeq, %select_n3A_1349, %max3A_1388 : vector<16xf32>
      %jit3A_1394 = arith.constant 64 : i32
      %broadcast_in_dim3A_1395 = vector.broadcast %jit3A_1394 : i32 to vector<16xi32>
      %select_n3A_1396 = arith.select %eq3A_1393, %add3A_856, %broadcast_in_dim3A_1395 : vector<16xi1>, vector<16xi32>
      %eq3A_1397 = arith.cmpf oeq, %select_n3A_1353, %max3A_1388 : vector<16xf32>
      %jit3A_1398 = arith.constant 64 : i32
      %broadcast_in_dim3A_1399 = vector.broadcast %jit3A_1398 : i32 to vector<16xi32>
      %select_n3A_1400 = arith.select %eq3A_1397, %add3A_859, %broadcast_in_dim3A_1399 : vector<16xi1>, vector<16xi32>
      %eq3A_1401 = arith.cmpf oeq, %select_n3A_1357, %max3A_1388 : vector<16xf32>
      %jit3A_1402 = arith.constant 64 : i32
      %broadcast_in_dim3A_1403 = vector.broadcast %jit3A_1402 : i32 to vector<16xi32>
      %select_n3A_1404 = arith.select %eq3A_1401, %add3A_862, %broadcast_in_dim3A_1403 : vector<16xi1>, vector<16xi32>
      %min3A_1405 = arith.minsi %select_n3A_1392, %select_n3A_1396 : vector<16xi32>
      %min3A_1406 = arith.minsi %select_n3A_1400, %select_n3A_1404 : vector<16xi32>
      %min3A_1407 = arith.minsi %min3A_1405, %min3A_1406 : vector<16xi32>
      %xor3A_1408 = arith.constant 8 : i32
      %xor3A_1409 = vector.broadcast %xor3A_1408 : i32 to vector<16xi32>
      %xor3A_1410 = arith.xori %iota3A, %xor3A_1409 : vector<16xi32>
      %reshape3A_1411 = vector.shape_cast %xor3A_1410 : vector<16xi32> to vector<16x1xi32>
      %gather3A_1412 = vector.shape_cast %reshape3A_1411 : vector<16x1xi32> to vector<16xi32>
      %gather3A_1413 = tpu.dynamic_gather %min3A_1407[%gather3A_1412] in [0] : vector<16xi32>, vector<16xi32> -> vector<16xi32>
      %min3A_1414 = arith.minsi %min3A_1407, %gather3A_1413 : vector<16xi32>
      %xor3A_1415 = arith.constant 4 : i32
      %xor3A_1416 = vector.broadcast %xor3A_1415 : i32 to vector<16xi32>
      %xor3A_1417 = arith.xori %iota3A, %xor3A_1416 : vector<16xi32>
      %reshape3A_1418 = vector.shape_cast %xor3A_1417 : vector<16xi32> to vector<16x1xi32>
      %gather3A_1419 = vector.shape_cast %reshape3A_1418 : vector<16x1xi32> to vector<16xi32>
      %gather3A_1420 = tpu.dynamic_gather %min3A_1414[%gather3A_1419] in [0] : vector<16xi32>, vector<16xi32> -> vector<16xi32>
      %min3A_1421 = arith.minsi %min3A_1414, %gather3A_1420 : vector<16xi32>
      %xor3A_1422 = arith.constant 2 : i32
      %xor3A_1423 = vector.broadcast %xor3A_1422 : i32 to vector<16xi32>
      %xor3A_1424 = arith.xori %iota3A, %xor3A_1423 : vector<16xi32>
      %reshape3A_1425 = vector.shape_cast %xor3A_1424 : vector<16xi32> to vector<16x1xi32>
      %gather3A_1426 = vector.shape_cast %reshape3A_1425 : vector<16x1xi32> to vector<16xi32>
      %gather3A_1427 = tpu.dynamic_gather %min3A_1421[%gather3A_1426] in [0] : vector<16xi32>, vector<16xi32> -> vector<16xi32>
      %min3A_1428 = arith.minsi %min3A_1421, %gather3A_1427 : vector<16xi32>
      %xor3A_1429 = arith.constant 1 : i32
      %xor3A_1430 = vector.broadcast %xor3A_1429 : i32 to vector<16xi32>
      %xor3A_1431 = arith.xori %iota3A, %xor3A_1430 : vector<16xi32>
      %reshape3A_1432 = vector.shape_cast %xor3A_1431 : vector<16xi32> to vector<16x1xi32>
      %gather3A_1433 = vector.shape_cast %reshape3A_1432 : vector<16x1xi32> to vector<16xi32>
      %gather3A_1434 = tpu.dynamic_gather %min3A_1428[%gather3A_1433] in [0] : vector<16xi32>, vector<16xi32> -> vector<16xi32>
      %min3A_1435 = arith.minsi %min3A_1428, %gather3A_1434 : vector<16xi32>
      %eq3A_1436 = arith.constant 13 : i32
      %eq3A_1437 = vector.broadcast %eq3A_1436 : i32 to vector<16xi32>
      %eq3A_1438 = arith.cmpi eq, %iota3A, %eq3A_1437 : vector<16xi32>
      %select_n3A_1439 = arith.select %eq3A_1438, %max3A_1388, %select_n3A_1340 : vector<16xi1>, vector<16xf32>
      %select_n3A_1440 = arith.select %eq3A_1438, %min3A_1435, %select_n3A_1341 : vector<16xi1>, vector<16xi32>
      %eq3A_1441 = arith.cmpi eq, %add3A_853, %min3A_1435 : vector<16xi32>
      %jit3A_1442 = arith.constant 0xFF800000 : f32
      %broadcast_in_dim3A_1443 = vector.broadcast %jit3A_1442 : f32 to vector<16xf32>
      %select_n3A_1444 = arith.select %eq3A_1441, %broadcast_in_dim3A_1443, %select_n3A_1345 : vector<16xi1>, vector<16xf32>
      %eq3A_1445 = arith.cmpi eq, %add3A_856, %min3A_1435 : vector<16xi32>
      %jit3A_1446 = arith.constant 0xFF800000 : f32
      %broadcast_in_dim3A_1447 = vector.broadcast %jit3A_1446 : f32 to vector<16xf32>
      %select_n3A_1448 = arith.select %eq3A_1445, %broadcast_in_dim3A_1447, %select_n3A_1349 : vector<16xi1>, vector<16xf32>
      %eq3A_1449 = arith.cmpi eq, %add3A_859, %min3A_1435 : vector<16xi32>
      %jit3A_1450 = arith.constant 0xFF800000 : f32
      %broadcast_in_dim3A_1451 = vector.broadcast %jit3A_1450 : f32 to vector<16xf32>
      %select_n3A_1452 = arith.select %eq3A_1449, %broadcast_in_dim3A_1451, %select_n3A_1353 : vector<16xi1>, vector<16xf32>
      %eq3A_1453 = arith.cmpi eq, %add3A_862, %min3A_1435 : vector<16xi32>
      %jit3A_1454 = arith.constant 0xFF800000 : f32
      %broadcast_in_dim3A_1455 = vector.broadcast %jit3A_1454 : f32 to vector<16xf32>
      %select_n3A_1456 = arith.select %eq3A_1453, %broadcast_in_dim3A_1455, %select_n3A_1357 : vector<16xi1>, vector<16xf32>
      %max3A_1457 = arith.maximumf %select_n3A_1444, %select_n3A_1448 : vector<16xf32>
      %max3A_1458 = arith.maximumf %select_n3A_1452, %select_n3A_1456 : vector<16xf32>
      %max3A_1459 = arith.maximumf %max3A_1457, %max3A_1458 : vector<16xf32>
      %xor3A_1460 = arith.constant 8 : i32
      %xor3A_1461 = vector.broadcast %xor3A_1460 : i32 to vector<16xi32>
      %xor3A_1462 = arith.xori %iota3A, %xor3A_1461 : vector<16xi32>
      %reshape3A_1463 = vector.shape_cast %xor3A_1462 : vector<16xi32> to vector<16x1xi32>
      %gather3A_1464 = vector.shape_cast %reshape3A_1463 : vector<16x1xi32> to vector<16xi32>
      %gather3A_1465 = tpu.dynamic_gather %max3A_1459[%gather3A_1464] in [0] : vector<16xf32>, vector<16xi32> -> vector<16xf32>
      %max3A_1466 = arith.maximumf %max3A_1459, %gather3A_1465 : vector<16xf32>
      %xor3A_1467 = arith.constant 4 : i32
      %xor3A_1468 = vector.broadcast %xor3A_1467 : i32 to vector<16xi32>
      %xor3A_1469 = arith.xori %iota3A, %xor3A_1468 : vector<16xi32>
      %reshape3A_1470 = vector.shape_cast %xor3A_1469 : vector<16xi32> to vector<16x1xi32>
      %gather3A_1471 = vector.shape_cast %reshape3A_1470 : vector<16x1xi32> to vector<16xi32>
      %gather3A_1472 = tpu.dynamic_gather %max3A_1466[%gather3A_1471] in [0] : vector<16xf32>, vector<16xi32> -> vector<16xf32>
      %max3A_1473 = arith.maximumf %max3A_1466, %gather3A_1472 : vector<16xf32>
      %xor3A_1474 = arith.constant 2 : i32
      %xor3A_1475 = vector.broadcast %xor3A_1474 : i32 to vector<16xi32>
      %xor3A_1476 = arith.xori %iota3A, %xor3A_1475 : vector<16xi32>
      %reshape3A_1477 = vector.shape_cast %xor3A_1476 : vector<16xi32> to vector<16x1xi32>
      %gather3A_1478 = vector.shape_cast %reshape3A_1477 : vector<16x1xi32> to vector<16xi32>
      %gather3A_1479 = tpu.dynamic_gather %max3A_1473[%gather3A_1478] in [0] : vector<16xf32>, vector<16xi32> -> vector<16xf32>
      %max3A_1480 = arith.maximumf %max3A_1473, %gather3A_1479 : vector<16xf32>
      %xor3A_1481 = arith.constant 1 : i32
      %xor3A_1482 = vector.broadcast %xor3A_1481 : i32 to vector<16xi32>
      %xor3A_1483 = arith.xori %iota3A, %xor3A_1482 : vector<16xi32>
      %reshape3A_1484 = vector.shape_cast %xor3A_1483 : vector<16xi32> to vector<16x1xi32>
      %gather3A_1485 = vector.shape_cast %reshape3A_1484 : vector<16x1xi32> to vector<16xi32>
      %gather3A_1486 = tpu.dynamic_gather %max3A_1480[%gather3A_1485] in [0] : vector<16xf32>, vector<16xi32> -> vector<16xf32>
      %max3A_1487 = arith.maximumf %max3A_1480, %gather3A_1486 : vector<16xf32>
      %eq3A_1488 = arith.cmpf oeq, %select_n3A_1444, %max3A_1487 : vector<16xf32>
      %jit3A_1489 = arith.constant 64 : i32
      %broadcast_in_dim3A_1490 = vector.broadcast %jit3A_1489 : i32 to vector<16xi32>
      %select_n3A_1491 = arith.select %eq3A_1488, %add3A_853, %broadcast_in_dim3A_1490 : vector<16xi1>, vector<16xi32>
      %eq3A_1492 = arith.cmpf oeq, %select_n3A_1448, %max3A_1487 : vector<16xf32>
      %jit3A_1493 = arith.constant 64 : i32
      %broadcast_in_dim3A_1494 = vector.broadcast %jit3A_1493 : i32 to vector<16xi32>
      %select_n3A_1495 = arith.select %eq3A_1492, %add3A_856, %broadcast_in_dim3A_1494 : vector<16xi1>, vector<16xi32>
      %eq3A_1496 = arith.cmpf oeq, %select_n3A_1452, %max3A_1487 : vector<16xf32>
      %jit3A_1497 = arith.constant 64 : i32
      %broadcast_in_dim3A_1498 = vector.broadcast %jit3A_1497 : i32 to vector<16xi32>
      %select_n3A_1499 = arith.select %eq3A_1496, %add3A_859, %broadcast_in_dim3A_1498 : vector<16xi1>, vector<16xi32>
      %eq3A_1500 = arith.cmpf oeq, %select_n3A_1456, %max3A_1487 : vector<16xf32>
      %jit3A_1501 = arith.constant 64 : i32
      %broadcast_in_dim3A_1502 = vector.broadcast %jit3A_1501 : i32 to vector<16xi32>
      %select_n3A_1503 = arith.select %eq3A_1500, %add3A_862, %broadcast_in_dim3A_1502 : vector<16xi1>, vector<16xi32>
      %min3A_1504 = arith.minsi %select_n3A_1491, %select_n3A_1495 : vector<16xi32>
      %min3A_1505 = arith.minsi %select_n3A_1499, %select_n3A_1503 : vector<16xi32>
      %min3A_1506 = arith.minsi %min3A_1504, %min3A_1505 : vector<16xi32>
      %xor3A_1507 = arith.constant 8 : i32
      %xor3A_1508 = vector.broadcast %xor3A_1507 : i32 to vector<16xi32>
      %xor3A_1509 = arith.xori %iota3A, %xor3A_1508 : vector<16xi32>
      %reshape3A_1510 = vector.shape_cast %xor3A_1509 : vector<16xi32> to vector<16x1xi32>
      %gather3A_1511 = vector.shape_cast %reshape3A_1510 : vector<16x1xi32> to vector<16xi32>
      %gather3A_1512 = tpu.dynamic_gather %min3A_1506[%gather3A_1511] in [0] : vector<16xi32>, vector<16xi32> -> vector<16xi32>
      %min3A_1513 = arith.minsi %min3A_1506, %gather3A_1512 : vector<16xi32>
      %xor3A_1514 = arith.constant 4 : i32
      %xor3A_1515 = vector.broadcast %xor3A_1514 : i32 to vector<16xi32>
      %xor3A_1516 = arith.xori %iota3A, %xor3A_1515 : vector<16xi32>
      %reshape3A_1517 = vector.shape_cast %xor3A_1516 : vector<16xi32> to vector<16x1xi32>
      %gather3A_1518 = vector.shape_cast %reshape3A_1517 : vector<16x1xi32> to vector<16xi32>
      %gather3A_1519 = tpu.dynamic_gather %min3A_1513[%gather3A_1518] in [0] : vector<16xi32>, vector<16xi32> -> vector<16xi32>
      %min3A_1520 = arith.minsi %min3A_1513, %gather3A_1519 : vector<16xi32>
      %xor3A_1521 = arith.constant 2 : i32
      %xor3A_1522 = vector.broadcast %xor3A_1521 : i32 to vector<16xi32>
      %xor3A_1523 = arith.xori %iota3A, %xor3A_1522 : vector<16xi32>
      %reshape3A_1524 = vector.shape_cast %xor3A_1523 : vector<16xi32> to vector<16x1xi32>
      %gather3A_1525 = vector.shape_cast %reshape3A_1524 : vector<16x1xi32> to vector<16xi32>
      %gather3A_1526 = tpu.dynamic_gather %min3A_1520[%gather3A_1525] in [0] : vector<16xi32>, vector<16xi32> -> vector<16xi32>
      %min3A_1527 = arith.minsi %min3A_1520, %gather3A_1526 : vector<16xi32>
      %xor3A_1528 = arith.constant 1 : i32
      %xor3A_1529 = vector.broadcast %xor3A_1528 : i32 to vector<16xi32>
      %xor3A_1530 = arith.xori %iota3A, %xor3A_1529 : vector<16xi32>
      %reshape3A_1531 = vector.shape_cast %xor3A_1530 : vector<16xi32> to vector<16x1xi32>
      %gather3A_1532 = vector.shape_cast %reshape3A_1531 : vector<16x1xi32> to vector<16xi32>
      %gather3A_1533 = tpu.dynamic_gather %min3A_1527[%gather3A_1532] in [0] : vector<16xi32>, vector<16xi32> -> vector<16xi32>
      %min3A_1534 = arith.minsi %min3A_1527, %gather3A_1533 : vector<16xi32>
      %eq3A_1535 = arith.constant 14 : i32
      %eq3A_1536 = vector.broadcast %eq3A_1535 : i32 to vector<16xi32>
      %eq3A_1537 = arith.cmpi eq, %iota3A, %eq3A_1536 : vector<16xi32>
      %select_n3A_1538 = arith.select %eq3A_1537, %max3A_1487, %select_n3A_1439 : vector<16xi1>, vector<16xf32>
      %select_n3A_1539 = arith.select %eq3A_1537, %min3A_1534, %select_n3A_1440 : vector<16xi1>, vector<16xi32>
      %eq3A_1540 = arith.cmpi eq, %add3A_853, %min3A_1534 : vector<16xi32>
      %jit3A_1541 = arith.constant 0xFF800000 : f32
      %broadcast_in_dim3A_1542 = vector.broadcast %jit3A_1541 : f32 to vector<16xf32>
      %select_n3A_1543 = arith.select %eq3A_1540, %broadcast_in_dim3A_1542, %select_n3A_1444 : vector<16xi1>, vector<16xf32>
      %eq3A_1544 = arith.cmpi eq, %add3A_856, %min3A_1534 : vector<16xi32>
      %jit3A_1545 = arith.constant 0xFF800000 : f32
      %broadcast_in_dim3A_1546 = vector.broadcast %jit3A_1545 : f32 to vector<16xf32>
      %select_n3A_1547 = arith.select %eq3A_1544, %broadcast_in_dim3A_1546, %select_n3A_1448 : vector<16xi1>, vector<16xf32>
      %eq3A_1548 = arith.cmpi eq, %add3A_859, %min3A_1534 : vector<16xi32>
      %jit3A_1549 = arith.constant 0xFF800000 : f32
      %broadcast_in_dim3A_1550 = vector.broadcast %jit3A_1549 : f32 to vector<16xf32>
      %select_n3A_1551 = arith.select %eq3A_1548, %broadcast_in_dim3A_1550, %select_n3A_1452 : vector<16xi1>, vector<16xf32>
      %eq3A_1552 = arith.cmpi eq, %add3A_862, %min3A_1534 : vector<16xi32>
      %jit3A_1553 = arith.constant 0xFF800000 : f32
      %broadcast_in_dim3A_1554 = vector.broadcast %jit3A_1553 : f32 to vector<16xf32>
      %select_n3A_1555 = arith.select %eq3A_1552, %broadcast_in_dim3A_1554, %select_n3A_1456 : vector<16xi1>, vector<16xf32>
      %max3A_1556 = arith.maximumf %select_n3A_1543, %select_n3A_1547 : vector<16xf32>
      %max3A_1557 = arith.maximumf %select_n3A_1551, %select_n3A_1555 : vector<16xf32>
      %max3A_1558 = arith.maximumf %max3A_1556, %max3A_1557 : vector<16xf32>
      %xor3A_1559 = arith.constant 8 : i32
      %xor3A_1560 = vector.broadcast %xor3A_1559 : i32 to vector<16xi32>
      %xor3A_1561 = arith.xori %iota3A, %xor3A_1560 : vector<16xi32>
      %reshape3A_1562 = vector.shape_cast %xor3A_1561 : vector<16xi32> to vector<16x1xi32>
      %gather3A_1563 = vector.shape_cast %reshape3A_1562 : vector<16x1xi32> to vector<16xi32>
      %gather3A_1564 = tpu.dynamic_gather %max3A_1558[%gather3A_1563] in [0] : vector<16xf32>, vector<16xi32> -> vector<16xf32>
      %max3A_1565 = arith.maximumf %max3A_1558, %gather3A_1564 : vector<16xf32>
      %xor3A_1566 = arith.constant 4 : i32
      %xor3A_1567 = vector.broadcast %xor3A_1566 : i32 to vector<16xi32>
      %xor3A_1568 = arith.xori %iota3A, %xor3A_1567 : vector<16xi32>
      %reshape3A_1569 = vector.shape_cast %xor3A_1568 : vector<16xi32> to vector<16x1xi32>
      %gather3A_1570 = vector.shape_cast %reshape3A_1569 : vector<16x1xi32> to vector<16xi32>
      %gather3A_1571 = tpu.dynamic_gather %max3A_1565[%gather3A_1570] in [0] : vector<16xf32>, vector<16xi32> -> vector<16xf32>
      %max3A_1572 = arith.maximumf %max3A_1565, %gather3A_1571 : vector<16xf32>
      %xor3A_1573 = arith.constant 2 : i32
      %xor3A_1574 = vector.broadcast %xor3A_1573 : i32 to vector<16xi32>
      %xor3A_1575 = arith.xori %iota3A, %xor3A_1574 : vector<16xi32>
      %reshape3A_1576 = vector.shape_cast %xor3A_1575 : vector<16xi32> to vector<16x1xi32>
      %gather3A_1577 = vector.shape_cast %reshape3A_1576 : vector<16x1xi32> to vector<16xi32>
      %gather3A_1578 = tpu.dynamic_gather %max3A_1572[%gather3A_1577] in [0] : vector<16xf32>, vector<16xi32> -> vector<16xf32>
      %max3A_1579 = arith.maximumf %max3A_1572, %gather3A_1578 : vector<16xf32>
      %xor3A_1580 = arith.constant 1 : i32
      %xor3A_1581 = vector.broadcast %xor3A_1580 : i32 to vector<16xi32>
      %xor3A_1582 = arith.xori %iota3A, %xor3A_1581 : vector<16xi32>
      %reshape3A_1583 = vector.shape_cast %xor3A_1582 : vector<16xi32> to vector<16x1xi32>
      %gather3A_1584 = vector.shape_cast %reshape3A_1583 : vector<16x1xi32> to vector<16xi32>
      %gather3A_1585 = tpu.dynamic_gather %max3A_1579[%gather3A_1584] in [0] : vector<16xf32>, vector<16xi32> -> vector<16xf32>
      %max3A_1586 = arith.maximumf %max3A_1579, %gather3A_1585 : vector<16xf32>
      %eq3A_1587 = arith.cmpf oeq, %select_n3A_1543, %max3A_1586 : vector<16xf32>
      %jit3A_1588 = arith.constant 64 : i32
      %broadcast_in_dim3A_1589 = vector.broadcast %jit3A_1588 : i32 to vector<16xi32>
      %select_n3A_1590 = arith.select %eq3A_1587, %add3A_853, %broadcast_in_dim3A_1589 : vector<16xi1>, vector<16xi32>
      %eq3A_1591 = arith.cmpf oeq, %select_n3A_1547, %max3A_1586 : vector<16xf32>
      %jit3A_1592 = arith.constant 64 : i32
      %broadcast_in_dim3A_1593 = vector.broadcast %jit3A_1592 : i32 to vector<16xi32>
      %select_n3A_1594 = arith.select %eq3A_1591, %add3A_856, %broadcast_in_dim3A_1593 : vector<16xi1>, vector<16xi32>
      %eq3A_1595 = arith.cmpf oeq, %select_n3A_1551, %max3A_1586 : vector<16xf32>
      %jit3A_1596 = arith.constant 64 : i32
      %broadcast_in_dim3A_1597 = vector.broadcast %jit3A_1596 : i32 to vector<16xi32>
      %select_n3A_1598 = arith.select %eq3A_1595, %add3A_859, %broadcast_in_dim3A_1597 : vector<16xi1>, vector<16xi32>
      %eq3A_1599 = arith.cmpf oeq, %select_n3A_1555, %max3A_1586 : vector<16xf32>
      %jit3A_1600 = arith.constant 64 : i32
      %broadcast_in_dim3A_1601 = vector.broadcast %jit3A_1600 : i32 to vector<16xi32>
      %select_n3A_1602 = arith.select %eq3A_1599, %add3A_862, %broadcast_in_dim3A_1601 : vector<16xi1>, vector<16xi32>
      %min3A_1603 = arith.minsi %select_n3A_1590, %select_n3A_1594 : vector<16xi32>
      %min3A_1604 = arith.minsi %select_n3A_1598, %select_n3A_1602 : vector<16xi32>
      %min3A_1605 = arith.minsi %min3A_1603, %min3A_1604 : vector<16xi32>
      %xor3A_1606 = arith.constant 8 : i32
      %xor3A_1607 = vector.broadcast %xor3A_1606 : i32 to vector<16xi32>
      %xor3A_1608 = arith.xori %iota3A, %xor3A_1607 : vector<16xi32>
      %reshape3A_1609 = vector.shape_cast %xor3A_1608 : vector<16xi32> to vector<16x1xi32>
      %gather3A_1610 = vector.shape_cast %reshape3A_1609 : vector<16x1xi32> to vector<16xi32>
      %gather3A_1611 = tpu.dynamic_gather %min3A_1605[%gather3A_1610] in [0] : vector<16xi32>, vector<16xi32> -> vector<16xi32>
      %min3A_1612 = arith.minsi %min3A_1605, %gather3A_1611 : vector<16xi32>
      %xor3A_1613 = arith.constant 4 : i32
      %xor3A_1614 = vector.broadcast %xor3A_1613 : i32 to vector<16xi32>
      %xor3A_1615 = arith.xori %iota3A, %xor3A_1614 : vector<16xi32>
      %reshape3A_1616 = vector.shape_cast %xor3A_1615 : vector<16xi32> to vector<16x1xi32>
      %gather3A_1617 = vector.shape_cast %reshape3A_1616 : vector<16x1xi32> to vector<16xi32>
      %gather3A_1618 = tpu.dynamic_gather %min3A_1612[%gather3A_1617] in [0] : vector<16xi32>, vector<16xi32> -> vector<16xi32>
      %min3A_1619 = arith.minsi %min3A_1612, %gather3A_1618 : vector<16xi32>
      %xor3A_1620 = arith.constant 2 : i32
      %xor3A_1621 = vector.broadcast %xor3A_1620 : i32 to vector<16xi32>
      %xor3A_1622 = arith.xori %iota3A, %xor3A_1621 : vector<16xi32>
      %reshape3A_1623 = vector.shape_cast %xor3A_1622 : vector<16xi32> to vector<16x1xi32>
      %gather3A_1624 = vector.shape_cast %reshape3A_1623 : vector<16x1xi32> to vector<16xi32>
      %gather3A_1625 = tpu.dynamic_gather %min3A_1619[%gather3A_1624] in [0] : vector<16xi32>, vector<16xi32> -> vector<16xi32>
      %min3A_1626 = arith.minsi %min3A_1619, %gather3A_1625 : vector<16xi32>
      %xor3A_1627 = arith.constant 1 : i32
      %xor3A_1628 = vector.broadcast %xor3A_1627 : i32 to vector<16xi32>
      %xor3A_1629 = arith.xori %iota3A, %xor3A_1628 : vector<16xi32>
      %reshape3A_1630 = vector.shape_cast %xor3A_1629 : vector<16xi32> to vector<16x1xi32>
      %gather3A_1631 = vector.shape_cast %reshape3A_1630 : vector<16x1xi32> to vector<16xi32>
      %gather3A_1632 = tpu.dynamic_gather %min3A_1626[%gather3A_1631] in [0] : vector<16xi32>, vector<16xi32> -> vector<16xi32>
      %min3A_1633 = arith.minsi %min3A_1626, %gather3A_1632 : vector<16xi32>
      %eq3A_1634 = arith.constant 15 : i32
      %eq3A_1635 = vector.broadcast %eq3A_1634 : i32 to vector<16xi32>
      %eq3A_1636 = arith.cmpi eq, %iota3A, %eq3A_1635 : vector<16xi32>
      %select_n3A_1637 = arith.select %eq3A_1636, %max3A_1586, %select_n3A_1538 : vector<16xi1>, vector<16xf32>
      %select_n3A_1638 = arith.select %eq3A_1636, %min3A_1633, %select_n3A_1539 : vector<16xi1>, vector<16xi32>
      %eq3A_1639 = arith.cmpi eq, %add3A_853, %min3A_1633 : vector<16xi32>
      %jit3A_1640 = arith.constant 0xFF800000 : f32
      %broadcast_in_dim3A_1641 = vector.broadcast %jit3A_1640 : f32 to vector<16xf32>
      %select_n3A_1642 = arith.select %eq3A_1639, %broadcast_in_dim3A_1641, %select_n3A_1543 : vector<16xi1>, vector<16xf32>
      %eq3A_1643 = arith.cmpi eq, %add3A_856, %min3A_1633 : vector<16xi32>
      %jit3A_1644 = arith.constant 0xFF800000 : f32
      %broadcast_in_dim3A_1645 = vector.broadcast %jit3A_1644 : f32 to vector<16xf32>
      %select_n3A_1646 = arith.select %eq3A_1643, %broadcast_in_dim3A_1645, %select_n3A_1547 : vector<16xi1>, vector<16xf32>
      %eq3A_1647 = arith.cmpi eq, %add3A_859, %min3A_1633 : vector<16xi32>
      %jit3A_1648 = arith.constant 0xFF800000 : f32
      %broadcast_in_dim3A_1649 = vector.broadcast %jit3A_1648 : f32 to vector<16xf32>
      %select_n3A_1650 = arith.select %eq3A_1647, %broadcast_in_dim3A_1649, %select_n3A_1551 : vector<16xi1>, vector<16xf32>
      %eq3A_1651 = arith.cmpi eq, %add3A_862, %min3A_1633 : vector<16xi32>
      %jit3A_1652 = arith.constant 0xFF800000 : f32
      %broadcast_in_dim3A_1653 = vector.broadcast %jit3A_1652 : f32 to vector<16xf32>
      %select_n3A_1654 = arith.select %eq3A_1651, %broadcast_in_dim3A_1653, %select_n3A_1555 : vector<16xi1>, vector<16xf32>
      %lt3A = arith.constant 8 : i32
      %lt3A_1655 = vector.broadcast %lt3A : i32 to vector<16xi32>
      %lt3A_1656 = arith.cmpi slt, %iota3A, %lt3A_1655 : vector<16xi32>
      %jit3A_1657 = arith.constant 0 : i32
      %jit3A_1658 = arith.constant 8 : i32
      %broadcast_in_dim3A_1659 = vector.broadcast %jit3A_1657 : i32 to vector<16xi32>
      %broadcast_in_dim3A_1660 = vector.broadcast %jit3A_1658 : i32 to vector<16xi32>
      %select_n3A_1661 = arith.select %lt3A_1656, %broadcast_in_dim3A_1659, %broadcast_in_dim3A_1660 : vector<16xi1>, vector<16xi32>
      %reshape3A_1662 = vector.shape_cast %select_n3A_1661 : vector<16xi32> to vector<16x1xi32>
      %gather3A_1663 = vector.shape_cast %reshape3A_1662 : vector<16x1xi32> to vector<16xi32>
      %gather3A_1664 = tpu.dynamic_gather %select_n3A_1637[%gather3A_1663] in [0] : vector<16xf32>, vector<16xi32> -> vector<16xf32>
      %sub3A = arith.subf %select_n3A_1637, %gather3A_1664 : vector<16xf32>
      %exp3A = math.exp %sub3A : vector<16xf32>
      %xor3A_1665 = arith.constant 4 : i32
      %xor3A_1666 = vector.broadcast %xor3A_1665 : i32 to vector<16xi32>
      %xor3A_1667 = arith.xori %iota3A, %xor3A_1666 : vector<16xi32>
      %reshape3A_1668 = vector.shape_cast %xor3A_1667 : vector<16xi32> to vector<16x1xi32>
      %gather3A_1669 = vector.shape_cast %reshape3A_1668 : vector<16x1xi32> to vector<16xi32>
      %gather3A_1670 = tpu.dynamic_gather %exp3A[%gather3A_1669] in [0] : vector<16xf32>, vector<16xi32> -> vector<16xf32>
      %add3A_1671 = arith.addf %exp3A, %gather3A_1670 : vector<16xf32>
      %xor3A_1672 = arith.constant 2 : i32
      %xor3A_1673 = vector.broadcast %xor3A_1672 : i32 to vector<16xi32>
      %xor3A_1674 = arith.xori %iota3A, %xor3A_1673 : vector<16xi32>
      %reshape3A_1675 = vector.shape_cast %xor3A_1674 : vector<16xi32> to vector<16x1xi32>
      %gather3A_1676 = vector.shape_cast %reshape3A_1675 : vector<16x1xi32> to vector<16xi32>
      %gather3A_1677 = tpu.dynamic_gather %add3A_1671[%gather3A_1676] in [0] : vector<16xf32>, vector<16xi32> -> vector<16xf32>
      %add3A_1678 = arith.addf %add3A_1671, %gather3A_1677 : vector<16xf32>
      %xor3A_1679 = arith.constant 1 : i32
      %xor3A_1680 = vector.broadcast %xor3A_1679 : i32 to vector<16xi32>
      %xor3A_1681 = arith.xori %iota3A, %xor3A_1680 : vector<16xi32>
      %reshape3A_1682 = vector.shape_cast %xor3A_1681 : vector<16xi32> to vector<16x1xi32>
      %gather3A_1683 = vector.shape_cast %reshape3A_1682 : vector<16x1xi32> to vector<16xi32>
      %gather3A_1684 = tpu.dynamic_gather %add3A_1678[%gather3A_1683] in [0] : vector<16xf32>, vector<16xi32> -> vector<16xf32>
      %add3A_1685 = arith.addf %add3A_1678, %gather3A_1684 : vector<16xf32>
      %div3A = arith.divf %exp3A, %add3A_1685 : vector<16xf32>
      %mul3A_1686 = arith.constant 16 : i32
      %mul3A_1687 = arith.muli %scan3A_12, %mul3A_1686 : i32
      %swap3A = arith.index_cast %mul3A_1687 : i32 to index
      %swap3A_1688 = tpu.vector_load %arg6[%swap3A] {strides = array<i32>} : memref<512xf32, #tpu.memory_space<vmem>>, vector<16xf32>,
      %swap3A_1689 = vector.shape_cast %swap3A_1688 : vector<16xf32> to vector<16xf32>
      %swap3A_1690 = vector.shape_cast %div3A : vector<16xf32> to vector<16xf32>
      tpu.vector_store %arg6[%swap3A], %swap3A_1690 {strides = array<i32>} : memref<512xf32, #tpu.memory_space<vmem>>, vector<16xf32>,
      %mul3A_1691 = arith.constant 16 : i32
      %mul3A_1692 = arith.muli %scan3A_12, %mul3A_1691 : i32
      %swap3A_1693 = arith.index_cast %mul3A_1692 : i32 to index
      %swap3A_1694 = tpu.vector_load %arg7[%swap3A_1693] {strides = array<i32>} : memref<512xi32, #tpu.memory_space<vmem>>, vector<16xi32>,
      %swap3A_1695 = vector.shape_cast %swap3A_1694 : vector<16xi32> to vector<16xi32>
      %swap3A_1696 = vector.shape_cast %select_n3A_1638 : vector<16xi32> to vector<16xi32>
      tpu.vector_store %arg7[%swap3A_1693], %swap3A_1696 {strides = array<i32>} : memref<512xi32, #tpu.memory_space<vmem>>, vector<16xi32>,
    }
    %scan3A_7 = arith.constant 32 : i32
    %mul3A_8 = arith.constant 8 : i32
    %mul3A_9 = arith.muli %mul3A_2, %mul3A_8 : i32
    "tpu.region"() ({
      %run_scoped3A = tpu.sem_alloc : memref<!tpu.dma_semaphore, #tpu.memory_space<semaphore_mem>>
      %dma_start3A = tpu.memref_slice %arg3[%mul3A_9] : memref<16384xf32, #tpu.memory_space<hbm>> -> memref<512xf32, #tpu.memory_space<hbm>>
      %dma_start3A_12 = tpu.memref_slice %arg3[%mul3A_9] : memref<16384xf32, #tpu.memory_space<hbm>> -> memref<512xf32, #tpu.memory_space<hbm>>
      tpu.enqueue_dma source(%arg6 : memref<512xf32, #tpu.memory_space<vmem>>) target(%dma_start3A_12 : memref<512xf32, #tpu.memory_space<hbm>>) target_semaphore(%run_scoped3A : memref<!tpu.dma_semaphore, #tpu.memory_space<semaphore_mem>>)
      %dma_wait3A = tpu.memref_slice %arg3[%mul3A_9] : memref<16384xf32, #tpu.memory_space<hbm>> -> memref<512xf32, #tpu.memory_space<hbm>>
      %dma_wait3A_13 = tpu.memref_slice %arg3[%mul3A_9] : memref<16384xf32, #tpu.memory_space<hbm>> -> memref<512xf32, #tpu.memory_space<hbm>>
      tpu.wait_dma2 semaphore(%run_scoped3A : memref<!tpu.dma_semaphore, #tpu.memory_space<semaphore_mem>>) src(%arg6 : memref<512xf32, #tpu.memory_space<vmem>>) dst(%dma_wait3A_13 : memref<512xf32, #tpu.memory_space<hbm>>)
      tpu.yield
    }) : () -> ()
    %mul3A_10 = arith.constant 8 : i32
    %mul3A_11 = arith.muli %mul3A_2, %mul3A_10 : i32
    "tpu.region"() ({
      %run_scoped3A = tpu.sem_alloc : memref<!tpu.dma_semaphore, #tpu.memory_space<semaphore_mem>>
      %dma_start3A = tpu.memref_slice %arg4[%mul3A_11] : memref<16384xi32, #tpu.memory_space<hbm>> -> memref<512xi32, #tpu.memory_space<hbm>>
      %dma_start3A_12 = tpu.memref_slice %arg4[%mul3A_11] : memref<16384xi32, #tpu.memory_space<hbm>> -> memref<512xi32, #tpu.memory_space<hbm>>
      tpu.enqueue_dma source(%arg7 : memref<512xi32, #tpu.memory_space<vmem>>) target(%dma_start3A_12 : memref<512xi32, #tpu.memory_space<hbm>>) target_semaphore(%run_scoped3A : memref<!tpu.dma_semaphore, #tpu.memory_space<semaphore_mem>>)
      %dma_wait3A = tpu.memref_slice %arg4[%mul3A_11] : memref<16384xi32, #tpu.memory_space<hbm>> -> memref<512xi32, #tpu.memory_space<hbm>>
      %dma_wait3A_13 = tpu.memref_slice %arg4[%mul3A_11] : memref<16384xi32, #tpu.memory_space<hbm>> -> memref<512xi32, #tpu.memory_space<hbm>>
      tpu.wait_dma2 semaphore(%run_scoped3A : memref<!tpu.dma_semaphore, #tpu.memory_space<semaphore_mem>>) src(%arg7 : memref<512xi32, #tpu.memory_space<vmem>>) dst(%dma_wait3A_13 : memref<512xi32, #tpu.memory_space<hbm>>)
      tpu.yield
    }) : () -> ()
    return
  }
}

module attributes {stable_mosaic.version = 14 : i64} {
  func.func @_mlp_body(%arg0: i32, %arg1: i32, %arg2: memref<256x1024xf32, #tpu.memory_space<vmem>>, %arg3: memref<1024x1024xf32, #tpu.memory_space<vmem>>, %arg4: memref<1x1024xf32, #tpu.memory_space<vmem>>, %arg5: memref<1024x64xf32, #tpu.memory_space<vmem>>, %arg6: memref<1x64xf32, #tpu.memory_space<vmem>>, %arg7: memref<256x64xf32, #tpu.memory_space<vmem>>) attributes {dimension_semantics = [#tpu.dimension_semantics<arbitrary>, #tpu.dimension_semantics<arbitrary>], iteration_bounds = array<i64: 8, 4>, scalar_prefetch = 0 : i64, scratch_operands = 0 : i64, tpu.core_type = #tpu.core_type<tc>, window_params = [{transform_indices = @transform_0, window_bounds = array<i64: 256, 1024>}, {transform_indices = @transform_1, window_bounds = array<i64: 1024, 1024>}, {transform_indices = @transform_2, window_bounds = array<i64: 1, 1024>}, {transform_indices = @transform_3, window_bounds = array<i64: 1024, 64>}, {pipeline_mode = #tpu.pipeline_mode<synchronous>, transform_indices = @transform_4, window_bounds = array<i64: 1, 64>}, {transform_indices = @transform_5, window_bounds = array<i64: 256, 64>}]} {
    %get3A = arith.constant 0 : index
    %get3A_0 = arith.constant 0 : index
    %get3A_1 = vector.load %arg2[%get3A, %get3A_0] : memref<256x1024xf32, #tpu.memory_space<vmem>>, vector<256x1024xf32>
    %get3A_2 = arith.constant 0 : index
    %get3A_3 = arith.constant 0 : index
    %get3A_4 = vector.load %arg3[%get3A_2, %get3A_3] : memref<1024x1024xf32, #tpu.memory_space<vmem>>, vector<1024x1024xf32>
    %dot_general3A = arith.constant dense<0.000000e+00> : vector<256x1024xf32>
    %dot_general3A_5 = tpu.matmul %get3A_1, %get3A_4, %dot_general3A {dimension_numbers = #tpu.dot_dimension_numbers<[1], [0], [0], [1], [0, 0, 1, 1], [], []>, transpose_lhs_hint = false} : vector<256x1024xf32>, vector<1024x1024xf32>, vector<256x1024xf32> -> vector<256x1024xf32>
    %get3A_6 = arith.constant 0 : index
    %get3A_7 = arith.constant 0 : index
    %get3A_8 = vector.load %arg4[%get3A_6, %get3A_7] : memref<1x1024xf32, #tpu.memory_space<vmem>>, vector<1x1024xf32>
    %get3A_9 = vector.shape_cast %get3A_8 : vector<1x1024xf32> to vector<1024xf32>
    %broadcast_in_dim3A = vector.shape_cast %get3A_9 : vector<1024xf32> to vector<1x1024xf32>
    %add3A = vector.broadcast %broadcast_in_dim3A : vector<1x1024xf32> to vector<256x1024xf32>
    %add3A_10 = arith.addf %dot_general3A_5, %add3A : vector<256x1024xf32>
    %mul3A = arith.constant 5.000000e-01 : f32
    %mul3A_11 = vector.broadcast %mul3A : f32 to vector<256x1024xf32>
    %mul3A_12 = arith.mulf %mul3A_11, %add3A_10 : vector<256x1024xf32>
    %neg3A = arith.constant 0.000000e+00 : f32
    %neg3A_13 = vector.broadcast %neg3A : f32 to vector<256x1024xf32>
    %neg3A_14 = arith.subf %neg3A_13, %add3A_10 : vector<256x1024xf32>
    %mul3A_15 = arith.constant 0.707106769 : f32
    %mul3A_16 = vector.broadcast %mul3A_15 : f32 to vector<256x1024xf32>
    %mul3A_17 = arith.mulf %neg3A_14, %mul3A_16 : vector<256x1024xf32>
    %abs3A = math.absf %mul3A_17 : vector<256x1024xf32>
    %neg3A_18 = arith.constant 0.000000e+00 : f32
    %neg3A_19 = vector.broadcast %neg3A_18 : f32 to vector<256x1024xf32>
    %neg3A_20 = arith.subf %neg3A_19, %mul3A_17 : vector<256x1024xf32>
    %mul3A_21 = arith.mulf %neg3A_20, %mul3A_17 : vector<256x1024xf32>
    %exp3A = math.exp %mul3A_21 : vector<256x1024xf32>
    %div3A = arith.constant 1.000000e+00 : f32
    %div3A_22 = vector.broadcast %div3A : f32 to vector<256x1024xf32>
    %div3A_23 = arith.divf %div3A_22, %abs3A : vector<256x1024xf32>
    %mul3A_24 = arith.mulf %div3A_23, %div3A_23 : vector<256x1024xf32>
    %lt3A = arith.constant 2.000000e+00 : f32
    %lt3A_25 = vector.broadcast %lt3A : f32 to vector<256x1024xf32>
    %lt3A_26 = arith.cmpf olt, %abs3A, %lt3A_25 : vector<256x1024xf32>
    %broadcast_in_dim3A_27 = arith.constant 0.000000e+00 : f32
    %broadcast_in_dim3A_28 = vector.broadcast %broadcast_in_dim3A_27 : f32 to vector<256x1024xf32>
    %mul3A_29 = arith.mulf %broadcast_in_dim3A_28, %mul3A_24 : vector<256x1024xf32>
    %add3A_30 = arith.constant 2.326820e-02 : f32
    %add3A_31 = vector.broadcast %add3A_30 : f32 to vector<256x1024xf32>
    %add3A_32 = arith.addf %mul3A_29, %add3A_31 : vector<256x1024xf32>
    %mul3A_33 = arith.mulf %add3A_32, %mul3A_24 : vector<256x1024xf32>
    %add3A_34 = arith.constant -0.138703942 : f32
    %add3A_35 = vector.broadcast %add3A_34 : f32 to vector<256x1024xf32>
    %add3A_36 = arith.addf %mul3A_33, %add3A_35 : vector<256x1024xf32>
    %mul3A_37 = arith.mulf %add3A_36, %mul3A_24 : vector<256x1024xf32>
    %add3A_38 = arith.constant 0.368742466 : f32
    %add3A_39 = vector.broadcast %add3A_38 : f32 to vector<256x1024xf32>
    %add3A_40 = arith.addf %mul3A_37, %add3A_39 : vector<256x1024xf32>
    %mul3A_41 = arith.mulf %add3A_40, %mul3A_24 : vector<256x1024xf32>
    %add3A_42 = arith.constant -0.582473278 : f32
    %add3A_43 = vector.broadcast %add3A_42 : f32 to vector<256x1024xf32>
    %add3A_44 = arith.addf %mul3A_41, %add3A_43 : vector<256x1024xf32>
    %mul3A_45 = arith.mulf %add3A_44, %mul3A_24 : vector<256x1024xf32>
    %add3A_46 = arith.constant 0.621000468 : f32
    %add3A_47 = vector.broadcast %add3A_46 : f32 to vector<256x1024xf32>
    %add3A_48 = arith.addf %mul3A_45, %add3A_47 : vector<256x1024xf32>
    %mul3A_49 = arith.mulf %add3A_48, %mul3A_24 : vector<256x1024xf32>
    %add3A_50 = arith.constant -0.494451523 : f32
    %add3A_51 = vector.broadcast %add3A_50 : f32 to vector<256x1024xf32>
    %add3A_52 = arith.addf %mul3A_49, %add3A_51 : vector<256x1024xf32>
    %mul3A_53 = arith.mulf %add3A_52, %mul3A_24 : vector<256x1024xf32>
    %add3A_54 = arith.constant 3.404880e-01 : f32
    %add3A_55 = vector.broadcast %add3A_54 : f32 to vector<256x1024xf32>
    %add3A_56 = arith.addf %mul3A_53, %add3A_55 : vector<256x1024xf32>
    %mul3A_57 = arith.mulf %add3A_56, %mul3A_24 : vector<256x1024xf32>
    %add3A_58 = arith.constant -0.274112701 : f32
    %add3A_59 = vector.broadcast %add3A_58 : f32 to vector<256x1024xf32>
    %add3A_60 = arith.addf %mul3A_57, %add3A_59 : vector<256x1024xf32>
    %mul3A_61 = arith.mulf %add3A_60, %mul3A_24 : vector<256x1024xf32>
    %add3A_62 = arith.constant 0.563825965 : f32
    %add3A_63 = vector.broadcast %add3A_62 : f32 to vector<256x1024xf32>
    %add3A_64 = arith.addf %mul3A_61, %add3A_63 : vector<256x1024xf32>
    %broadcast_in_dim3A_65 = arith.constant 0.000000e+00 : f32
    %broadcast_in_dim3A_66 = vector.broadcast %broadcast_in_dim3A_65 : f32 to vector<256x1024xf32>
    %mul3A_67 = arith.mulf %broadcast_in_dim3A_66, %mul3A_24 : vector<256x1024xf32>
    %add3A_68 = arith.constant -10.477664 : f32
    %add3A_69 = vector.broadcast %add3A_68 : f32 to vector<256x1024xf32>
    %add3A_70 = arith.addf %mul3A_67, %add3A_69 : vector<256x1024xf32>
    %mul3A_71 = arith.mulf %add3A_70, %mul3A_24 : vector<256x1024xf32>
    %add3A_72 = arith.constant 1.297720e+01 : f32
    %add3A_73 = vector.broadcast %add3A_72 : f32 to vector<256x1024xf32>
    %add3A_74 = arith.addf %mul3A_71, %add3A_73 : vector<256x1024xf32>
    %mul3A_75 = arith.mulf %add3A_74, %mul3A_24 : vector<256x1024xf32>
    %add3A_76 = arith.constant -7.49551868 : f32
    %add3A_77 = vector.broadcast %add3A_76 : f32 to vector<256x1024xf32>
    %add3A_78 = arith.addf %mul3A_75, %add3A_77 : vector<256x1024xf32>
    %mul3A_79 = arith.mulf %add3A_78, %mul3A_24 : vector<256x1024xf32>
    %add3A_80 = arith.constant 2.92101908 : f32
    %add3A_81 = vector.broadcast %add3A_80 : f32 to vector<256x1024xf32>
    %add3A_82 = arith.addf %mul3A_79, %add3A_81 : vector<256x1024xf32>
    %mul3A_83 = arith.mulf %add3A_82, %mul3A_24 : vector<256x1024xf32>
    %add3A_84 = arith.constant -1.01526523 : f32
    %add3A_85 = vector.broadcast %add3A_84 : f32 to vector<256x1024xf32>
    %add3A_86 = arith.addf %mul3A_83, %add3A_85 : vector<256x1024xf32>
    %mul3A_87 = arith.mulf %add3A_86, %mul3A_24 : vector<256x1024xf32>
    %add3A_88 = arith.constant 0.42184633 : f32
    %add3A_89 = vector.broadcast %add3A_88 : f32 to vector<256x1024xf32>
    %add3A_90 = arith.addf %mul3A_87, %add3A_89 : vector<256x1024xf32>
    %mul3A_91 = arith.mulf %add3A_90, %mul3A_24 : vector<256x1024xf32>
    %add3A_92 = arith.constant -0.282076746 : f32
    %add3A_93 = vector.broadcast %add3A_92 : f32 to vector<256x1024xf32>
    %add3A_94 = arith.addf %mul3A_91, %add3A_93 : vector<256x1024xf32>
    %mul3A_95 = arith.mulf %add3A_94, %mul3A_24 : vector<256x1024xf32>
    %add3A_96 = arith.constant 0.564189494 : f32
    %add3A_97 = vector.broadcast %add3A_96 : f32 to vector<256x1024xf32>
    %add3A_98 = arith.addf %mul3A_95, %add3A_97 : vector<256x1024xf32>
    %select_n3A = arith.select %lt3A_26, %add3A_64, %add3A_98 : vector<256x1024xi1>, vector<256x1024xf32>
    %mul3A_99 = arith.mulf %exp3A, %div3A_23 : vector<256x1024xf32>
    %mul3A_100 = arith.mulf %mul3A_99, %select_n3A : vector<256x1024xf32>
    %neg3A_101 = arith.constant 0.000000e+00 : f32
    %neg3A_102 = vector.broadcast %neg3A_101 : f32 to vector<256x1024xf32>
    %neg3A_103 = arith.subf %neg3A_102, %mul3A_17 : vector<256x1024xf32>
    %mul3A_104 = arith.mulf %neg3A_103, %mul3A_17 : vector<256x1024xf32>
    %lt3A_105 = arith.constant -88.7228394 : f32
    %lt3A_106 = vector.broadcast %lt3A_105 : f32 to vector<256x1024xf32>
    %lt3A_107 = arith.cmpf olt, %mul3A_104, %lt3A_106 : vector<256x1024xf32>
    %jit3A = arith.constant 0.000000e+00 : f32
    %broadcast_in_dim3A_108 = vector.broadcast %jit3A : f32 to vector<256x1024xf32>
    %select_n3A_109 = arith.select %lt3A_107, %broadcast_in_dim3A_108, %mul3A_100 : vector<256x1024xi1>, vector<256x1024xf32>
    %lt3A_110 = arith.constant 0.000000e+00 : f32
    %lt3A_111 = vector.broadcast %lt3A_110 : f32 to vector<256x1024xf32>
    %lt3A_112 = arith.cmpf olt, %mul3A_17, %lt3A_111 : vector<256x1024xf32>
    %sub3A = arith.constant 2.000000e+00 : f32
    %sub3A_113 = vector.broadcast %sub3A : f32 to vector<256x1024xf32>
    %sub3A_114 = arith.subf %sub3A_113, %select_n3A_109 : vector<256x1024xf32>
    %select_n3A_115 = arith.select %lt3A_112, %sub3A_114, %select_n3A_109 : vector<256x1024xi1>, vector<256x1024xf32>
    %mul3A_116 = arith.mulf %mul3A_17, %mul3A_17 : vector<256x1024xf32>
    %broadcast_in_dim3A_117 = arith.constant 0.000000e+00 : f32
    %broadcast_in_dim3A_118 = vector.broadcast %broadcast_in_dim3A_117 : f32 to vector<256x1024xf32>
    %mul3A_119 = arith.mulf %broadcast_in_dim3A_118, %mul3A_116 : vector<256x1024xf32>
    %add3A_120 = arith.constant 7.85386146E-5 : f32
    %add3A_121 = vector.broadcast %add3A_120 : f32 to vector<256x1024xf32>
    %add3A_122 = arith.addf %mul3A_119, %add3A_121 : vector<256x1024xf32>
    %mul3A_123 = arith.mulf %add3A_122, %mul3A_116 : vector<256x1024xf32>
    %add3A_124 = arith.constant -8.0101937E-4 : f32
    %add3A_125 = vector.broadcast %add3A_124 : f32 to vector<256x1024xf32>
    %add3A_126 = arith.addf %mul3A_123, %add3A_125 : vector<256x1024xf32>
    %mul3A_127 = arith.mulf %add3A_126, %mul3A_116 : vector<256x1024xf32>
    %add3A_128 = arith.constant 0.00518832775 : f32
    %add3A_129 = vector.broadcast %add3A_128 : f32 to vector<256x1024xf32>
    %add3A_130 = arith.addf %mul3A_127, %add3A_129 : vector<256x1024xf32>
    %mul3A_131 = arith.mulf %add3A_130, %mul3A_116 : vector<256x1024xf32>
    %add3A_132 = arith.constant -0.0268538129 : f32
    %add3A_133 = vector.broadcast %add3A_132 : f32 to vector<256x1024xf32>
    %add3A_134 = arith.addf %mul3A_131, %add3A_133 : vector<256x1024xf32>
    %mul3A_135 = arith.mulf %add3A_134, %mul3A_116 : vector<256x1024xf32>
    %add3A_136 = arith.constant 0.112835854 : f32
    %add3A_137 = vector.broadcast %add3A_136 : f32 to vector<256x1024xf32>
    %add3A_138 = arith.addf %mul3A_135, %add3A_137 : vector<256x1024xf32>
    %mul3A_139 = arith.mulf %add3A_138, %mul3A_116 : vector<256x1024xf32>
    %add3A_140 = arith.constant -0.37612626 : f32
    %add3A_141 = vector.broadcast %add3A_140 : f32 to vector<256x1024xf32>
    %add3A_142 = arith.addf %mul3A_139, %add3A_141 : vector<256x1024xf32>
    %mul3A_143 = arith.mulf %add3A_142, %mul3A_116 : vector<256x1024xf32>
    %add3A_144 = arith.constant 1.12837911 : f32
    %add3A_145 = vector.broadcast %add3A_144 : f32 to vector<256x1024xf32>
    %add3A_146 = arith.addf %mul3A_143, %add3A_145 : vector<256x1024xf32>
    %mul3A_147 = arith.mulf %mul3A_17, %add3A_146 : vector<256x1024xf32>
    %gt3A = arith.constant 1.000000e+00 : f32
    %gt3A_148 = vector.broadcast %gt3A : f32 to vector<256x1024xf32>
    %gt3A_149 = arith.cmpf ogt, %abs3A, %gt3A_148 : vector<256x1024xf32>
    %sub3A_150 = arith.constant 1.000000e+00 : f32
    %sub3A_151 = vector.broadcast %sub3A_150 : f32 to vector<256x1024xf32>
    %sub3A_152 = arith.subf %sub3A_151, %mul3A_147 : vector<256x1024xf32>
    %select_n3A_153 = arith.select %gt3A_149, %select_n3A_115, %sub3A_152 : vector<256x1024xi1>, vector<256x1024xf32>
    %mul3A_154 = arith.mulf %mul3A_12, %select_n3A_153 : vector<256x1024xf32>
    %get3A_155 = arith.constant 0 : index
    %get3A_156 = arith.constant 0 : index
    %get3A_157 = vector.load %arg5[%get3A_155, %get3A_156] : memref<1024x64xf32, #tpu.memory_space<vmem>>, vector<1024x64xf32>
    %dot_general3A_158 = arith.constant dense<0.000000e+00> : vector<256x64xf32>
    %dot_general3A_159 = tpu.matmul %mul3A_154, %get3A_157, %dot_general3A_158 {dimension_numbers = #tpu.dot_dimension_numbers<[1], [0], [0], [1], [0, 0, 1, 1], [], []>, transpose_lhs_hint = false} : vector<256x1024xf32>, vector<1024x64xf32>, vector<256x64xf32> -> vector<256x64xf32>
    %eq3A = arith.constant 0 : i32
    %eq3A_160 = arith.cmpi eq, %arg1, %eq3A : i32
    %convert_element_type3A = arith.extui %eq3A_160 : i1 to i32
    %cond3A = arith.constant 0 : i32
    %cond3A_161 = arith.cmpi ne, %convert_element_type3A, %cond3A : i32
    scf.if %cond3A_161 {
      %swap3A = arith.constant 0 : index
      %swap3A_171 = arith.constant 0 : index
      %swap3A_172 = vector.load %arg7[%swap3A, %swap3A_171] : memref<256x64xf32, #tpu.memory_space<vmem>>, vector<256x64xf32>
      tpu.vector_store %arg7[%swap3A, %swap3A_171], %dot_general3A_159 {strides = array<i32>} : memref<256x64xf32, #tpu.memory_space<vmem>>, vector<256x64xf32>,
    } else {
    }
    %ne3A = arith.constant 0 : i32
    %ne3A_162 = arith.cmpi ne, %arg1, %ne3A : i32
    %convert_element_type3A_163 = arith.extui %ne3A_162 : i1 to i32
    %cond3A_164 = arith.constant 0 : i32
    %cond3A_165 = arith.cmpi ne, %convert_element_type3A_163, %cond3A_164 : i32
    scf.if %cond3A_165 {
      %get3A_171 = arith.constant 0 : index
      %get3A_172 = arith.constant 0 : index
      %get3A_173 = vector.load %arg7[%get3A_171, %get3A_172] : memref<256x64xf32, #tpu.memory_space<vmem>>, vector<256x64xf32>
      %add3A_174 = arith.addf %get3A_173, %dot_general3A_159 : vector<256x64xf32>
      %swap3A = arith.constant 0 : index
      %swap3A_175 = arith.constant 0 : index
      %swap3A_176 = vector.load %arg7[%swap3A, %swap3A_175] : memref<256x64xf32, #tpu.memory_space<vmem>>, vector<256x64xf32>
      tpu.vector_store %arg7[%swap3A, %swap3A_175], %add3A_174 {strides = array<i32>} : memref<256x64xf32, #tpu.memory_space<vmem>>, vector<256x64xf32>,
    } else {
    }
    %eq3A_166 = arith.constant 3 : i32
    %eq3A_167 = arith.cmpi eq, %arg1, %eq3A_166 : i32
    %convert_element_type3A_168 = arith.extui %eq3A_167 : i1 to i32
    %cond3A_169 = arith.constant 0 : i32
    %cond3A_170 = arith.cmpi ne, %convert_element_type3A_168, %cond3A_169 : i32
    scf.if %cond3A_170 {
      %get3A_171 = arith.constant 0 : index
      %get3A_172 = arith.constant 0 : index
      %get3A_173 = vector.load %arg7[%get3A_171, %get3A_172] : memref<256x64xf32, #tpu.memory_space<vmem>>, vector<256x64xf32>
      %get3A_174 = arith.constant 0 : index
      %get3A_175 = arith.constant 0 : index
      %get3A_176 = vector.load %arg6[%get3A_174, %get3A_175] : memref<1x64xf32, #tpu.memory_space<vmem>>, vector<1x64xf32>
      %get3A_177 = vector.shape_cast %get3A_176 : vector<1x64xf32> to vector<64xf32>
      %broadcast_in_dim3A_178 = vector.shape_cast %get3A_177 : vector<64xf32> to vector<1x64xf32>
      %add3A_179 = vector.broadcast %broadcast_in_dim3A_178 : vector<1x64xf32> to vector<256x64xf32>
      %add3A_180 = arith.addf %get3A_173, %add3A_179 : vector<256x64xf32>
      %swap3A = arith.constant 0 : index
      %swap3A_181 = arith.constant 0 : index
      %swap3A_182 = vector.load %arg7[%swap3A, %swap3A_181] : memref<256x64xf32, #tpu.memory_space<vmem>>, vector<256x64xf32>
      tpu.vector_store %arg7[%swap3A, %swap3A_181], %add3A_180 {strides = array<i32>} : memref<256x64xf32, #tpu.memory_space<vmem>>, vector<256x64xf32>,
    } else {
    }
    return
  }
  func.func @transform_0(%arg0: i32, %arg1: i32) -> (i32, i32) {
    %c0_i32 = arith.constant 0 : i32
    %c0_i32_0 = arith.constant 0 : i32
    return %arg0, %c0_i32 : i32, i32
  }
  func.func @transform_1(%arg0: i32, %arg1: i32) -> (i32, i32) {
    %c0_i32 = arith.constant 0 : i32
    %c0_i32_0 = arith.constant 0 : i32
    return %c0_i32, %arg1 : i32, i32
  }
  func.func @transform_2(%arg0: i32, %arg1: i32) -> (i32, i32) {
    %c0_i32 = arith.constant 0 : i32
    %c0_i32_0 = arith.constant 0 : i32
    return %c0_i32, %arg1 : i32, i32
  }
  func.func @transform_3(%arg0: i32, %arg1: i32) -> (i32, i32) {
    %c0_i32 = arith.constant 0 : i32
    %c0_i32_0 = arith.constant 0 : i32
    return %arg1, %c0_i32 : i32, i32
  }
  func.func @transform_4(%arg0: i32, %arg1: i32) -> (i32, i32) {
    %c0_i32 = arith.constant 0 : i32
    %c0_i32_0 = arith.constant 0 : i32
    %c0_i32_1 = arith.constant 0 : i32
    return %c0_i32, %c0_i32_0 : i32, i32
  }
  func.func @transform_5(%arg0: i32, %arg1: i32) -> (i32, i32) {
    %c0_i32 = arith.constant 0 : i32
    %c0_i32_0 = arith.constant 0 : i32
    return %arg0, %c0_i32 : i32, i32
  }
}

module attributes {stable_mosaic.version = 14 : i64} {
  func.func @_conv_body(%arg0: i32, %arg1: memref<16x1024x128xf32, #tpu.memory_space<vmem>>, %arg2: memref<256x2xf32, #tpu.memory_space<vmem>>, %arg3: memref<128x1xf32, #tpu.memory_space<vmem>>, %arg4: memref<1x1xf32, #tpu.memory_space<vmem>>, %arg5: memref<16x1024xf32, #tpu.memory_space<vmem>>) attributes {dimension_semantics = [#tpu.dimension_semantics<arbitrary>], iteration_bounds = array<i64: 128>, scalar_prefetch = 0 : i64, scratch_operands = 0 : i64, tpu.core_type = #tpu.core_type<tc>, window_params = [{transform_indices = @transform_0, window_bounds = array<i64: 16, 1024, 128>}, {pipeline_mode = #tpu.pipeline_mode<synchronous>, transform_indices = @transform_1, window_bounds = array<i64: 256, 2>}, {pipeline_mode = #tpu.pipeline_mode<synchronous>, transform_indices = @transform_2, window_bounds = array<i64: 128, 1>}, {pipeline_mode = #tpu.pipeline_mode<synchronous>, transform_indices = @transform_3, window_bounds = array<i64: 1, 1>}, {transform_indices = @transform_4, window_bounds = array<i64: 16, 1024>}]} {
    %get3A = arith.constant 0 : index
    %get3A_0 = arith.constant 0 : index
    %get3A_1 = arith.constant 0 : index
    %get3A_2 = vector.load %arg1[%get3A, %get3A_0, %get3A_1] : memref<16x1024x128xf32, #tpu.memory_space<vmem>>, vector<16x1024x128xf32>
    %broadcast_in_dim3A = arith.constant 0.000000e+00 : f32
    %broadcast_in_dim3A_3 = vector.broadcast %broadcast_in_dim3A : f32 to vector<16x1x128xf32>
    %slice3A = vector.extract_strided_slice %get3A_2 {offsets = [0, 0, 0], sizes = [16, 1023, 128], strides = [1, 1, 1]} : vector<16x1024x128xf32> to vector<16x1023x128xf32>
    %concatenate3A = tpu.concatenate %broadcast_in_dim3A_3, %slice3A in 1 : vector<16x1x128xf32>, vector<16x1023x128xf32> -> vector<16x1024x128xf32>
    %reshape3A = vector.shape_cast %get3A_2 : vector<16x1024x128xf32> to vector<8192x256xf32>
    %get3A_4 = arith.constant 0 : index
    %get3A_5 = arith.constant 0 : index
    %get3A_6 = vector.load %arg2[%get3A_4, %get3A_5] : memref<256x2xf32, #tpu.memory_space<vmem>>, vector<256x2xf32>
    %dot_general3A = arith.constant dense<0.000000e+00> : vector<8192x2xf32>
    %dot_general3A_7 = tpu.matmul %reshape3A, %get3A_6, %dot_general3A {dimension_numbers = #tpu.dot_dimension_numbers<[1], [0], [0], [1], [0, 0, 1, 1], [], []>, transpose_lhs_hint = false} : vector<8192x256xf32>, vector<256x2xf32>, vector<8192x2xf32> -> vector<8192x2xf32>
    %reshape3A_8 = vector.shape_cast %dot_general3A_7 : vector<8192x2xf32> to vector<16x512x2xf32>
    %reshape3A_9 = vector.shape_cast %concatenate3A : vector<16x1024x128xf32> to vector<8192x256xf32>
    %get3A_10 = arith.constant 0 : index
    %get3A_11 = arith.constant 0 : index
    %get3A_12 = vector.load %arg2[%get3A_10, %get3A_11] : memref<256x2xf32, #tpu.memory_space<vmem>>, vector<256x2xf32>
    %dot_general3A_13 = arith.constant dense<0.000000e+00> : vector<8192x2xf32>
    %dot_general3A_14 = tpu.matmul %reshape3A_9, %get3A_12, %dot_general3A_13 {dimension_numbers = #tpu.dot_dimension_numbers<[1], [0], [0], [1], [0, 0, 1, 1], [], []>, transpose_lhs_hint = false} : vector<8192x256xf32>, vector<256x2xf32>, vector<8192x2xf32> -> vector<8192x2xf32>
    %reshape3A_15 = vector.shape_cast %dot_general3A_14 : vector<8192x2xf32> to vector<16x512x2xf32>
    %slice3A_16 = vector.extract_strided_slice %get3A_2 {offsets = [0, 1023, 0], sizes = [16, 1, 128], strides = [1, 1, 1]} : vector<16x1024x128xf32> to vector<16x1x128xf32>
    %squeeze3A = vector.shape_cast %slice3A_16 : vector<16x1x128xf32> to vector<16x128xf32>
    %get3A_17 = arith.constant 0 : index
    %get3A_18 = arith.constant 0 : index
    %get3A_19 = vector.load %arg3[%get3A_17, %get3A_18] : memref<128x1xf32, #tpu.memory_space<vmem>>, vector<128x1xf32>
    %dot_general3A_20 = arith.constant dense<0.000000e+00> : vector<16x1xf32>
    %dot_general3A_21 = tpu.matmul %squeeze3A, %get3A_19, %dot_general3A_20 {dimension_numbers = #tpu.dot_dimension_numbers<[1], [0], [0], [1], [0, 0, 1, 1], [], []>, transpose_lhs_hint = false} : vector<16x128xf32>, vector<128x1xf32>, vector<16x1xf32> -> vector<16x1xf32>
    %broadcast_in_dim3A_22 = arith.constant 0.000000e+00 : f32
    %broadcast_in_dim3A_23 = vector.broadcast %broadcast_in_dim3A_22 : f32 to vector<16x1xf32>
    %get3A_24 = arith.constant 0 : index
    %get3A_25 = arith.constant 0 : index
    %get3A_26 = vector.load %arg4[%get3A_24, %get3A_25] : memref<1x1xf32, #tpu.memory_space<vmem>>, vector<1x1xf32>
    %get3A_27 = vector.extract %get3A_26[0, 0] : f32 from vector<1x1xf32>
    %slice3A_28 = vector.extract_strided_slice %reshape3A_8 {offsets = [0, 0, 0], sizes = [16, 512, 1], strides = [1, 1, 1]} : vector<16x512x2xf32> to vector<16x512x1xf32>
    %squeeze3A_29 = vector.shape_cast %slice3A_28 : vector<16x512x1xf32> to vector<16x512xf32>
    %slice3A_30 = vector.extract_strided_slice %reshape3A_8 {offsets = [0, 1, 1], sizes = [16, 511, 1], strides = [1, 1, 1]} : vector<16x512x2xf32> to vector<16x511x1xf32>
    %squeeze3A_31 = vector.shape_cast %slice3A_30 : vector<16x511x1xf32> to vector<16x511xf32>
    %concatenate3A_32 = tpu.concatenate %squeeze3A_31, %broadcast_in_dim3A_23 in 1 : vector<16x511xf32>, vector<16x1xf32> -> vector<16x512xf32>
    %add3A = arith.addf %squeeze3A_29, %concatenate3A_32 : vector<16x512xf32>
    %add3A_33 = vector.broadcast %get3A_27 : f32 to vector<16x512xf32>
    %add3A_34 = arith.addf %add3A, %add3A_33 : vector<16x512xf32>
    %slice3A_35 = vector.extract_strided_slice %reshape3A_15 {offsets = [0, 0, 0], sizes = [16, 512, 1], strides = [1, 1, 1]} : vector<16x512x2xf32> to vector<16x512x1xf32>
    %squeeze3A_36 = vector.shape_cast %slice3A_35 : vector<16x512x1xf32> to vector<16x512xf32>
    %slice3A_37 = vector.extract_strided_slice %reshape3A_15 {offsets = [0, 1, 1], sizes = [16, 511, 1], strides = [1, 1, 1]} : vector<16x512x2xf32> to vector<16x511x1xf32>
    %squeeze3A_38 = vector.shape_cast %slice3A_37 : vector<16x511x1xf32> to vector<16x511xf32>
    %concatenate3A_39 = tpu.concatenate %squeeze3A_38, %dot_general3A_21 in 1 : vector<16x511xf32>, vector<16x1xf32> -> vector<16x512xf32>
    %add3A_40 = arith.addf %squeeze3A_36, %concatenate3A_39 : vector<16x512xf32>
    %add3A_41 = vector.broadcast %get3A_27 : f32 to vector<16x512xf32>
    %add3A_42 = arith.addf %add3A_40, %add3A_41 : vector<16x512xf32>
    %stack3A = vector.shape_cast %add3A_42 : vector<16x512xf32> to vector<16x512x1xf32>
    %stack3A_43 = vector.shape_cast %add3A_34 : vector<16x512xf32> to vector<16x512x1xf32>
    %stack3A_44 = tpu.concatenate %stack3A, %stack3A_43 in 2 : vector<16x512x1xf32>, vector<16x512x1xf32> -> vector<16x512x2xf32>
    %reshape3A_45 = vector.shape_cast %stack3A_44 : vector<16x512x2xf32> to vector<16x1024xf32>
    %swap3A = arith.constant 0 : index
    %swap3A_46 = arith.constant 0 : index
    %swap3A_47 = vector.load %arg5[%swap3A, %swap3A_46] : memref<16x1024xf32, #tpu.memory_space<vmem>>, vector<16x1024xf32>
    tpu.vector_store %arg5[%swap3A, %swap3A_46], %reshape3A_45 {strides = array<i32>} : memref<16x1024xf32, #tpu.memory_space<vmem>>, vector<16x1024xf32>,
    return
  }
  func.func @transform_0(%arg0: i32) -> (i32, i32, i32) {
    %c0_i32 = arith.constant 0 : i32
    %c0_i32_0 = arith.constant 0 : i32
    %c0_i32_1 = arith.constant 0 : i32
    return %arg0, %c0_i32, %c0_i32_0 : i32, i32, i32
  }
  func.func @transform_1(%arg0: i32) -> (i32, i32) {
    %c0_i32 = arith.constant 0 : i32
    %c0_i32_0 = arith.constant 0 : i32
    %c0_i32_1 = arith.constant 0 : i32
    return %c0_i32, %c0_i32_0 : i32, i32
  }
  func.func @transform_2(%arg0: i32) -> (i32, i32) {
    %c0_i32 = arith.constant 0 : i32
    %c0_i32_0 = arith.constant 0 : i32
    %c0_i32_1 = arith.constant 0 : i32
    return %c0_i32, %c0_i32_0 : i32, i32
  }
  func.func @transform_3(%arg0: i32) -> (i32, i32) {
    %c0_i32 = arith.constant 0 : i32
    %c0_i32_0 = arith.constant 0 : i32
    %c0_i32_1 = arith.constant 0 : i32
    return %c0_i32, %c0_i32_0 : i32, i32
  }
  func.func @transform_4(%arg0: i32) -> (i32, i32) {
    %c0_i32 = arith.constant 0 : i32
    %c0_i32_0 = arith.constant 0 : i32
    return %arg0, %c0_i32 : i32, i32
  }
}

</mosaic_0001>

<sc_bundles>
// kernel: kernel.5.cloned.1.call-start
scs
__scs_entry_jumppad:
0x0: {  	(pc) =	sbr.rel $0x88, $3  }
0x1: {  	(tag) =	ssettag $0x0;
	lr =	simm.s32 $0x1  }
0x2: {  	[smem:$0x3F9A] =	sst lr;
	_ =	strace $0xD0000000  }
0x3: {  	_ = 	snop  }
0x4: {  	_ = 	snop  }
0x5: {  	_ = 	snop  }
0x6: {  	_ = 	snop  }
0x7: {  	_ = 	snop  }
__scs_overlays_trampoline_lowered:
0x8: {  	[smem:$0x3FA9] =	sst s0  }
0x9: {  	[smem:$0x3FAA] =	sst s1  }
0xa: {  	[smem:$0x3FAB] =	sst s2  }
0xb: {  	[smem:$0x3FAC] =	sst s3  }
0xc: {  	[smem:$0x3FAD] =	sst s4  }
0xd: {  	[smem:$0x3FAE] =	sst s5  }
0xe: {  	[smem:$0x3FAF] =	sst s6  }
0xf: {  	[smem:$0x3FB0] =	sst s7  }
0x10: {  	[smem:$0x3FB1] =	sst s8  }
0x11: {  	[smem:$0x3FB2] =	sst s9;
	s0 =	simm.s32 @!p0 $0x0  }
0x12: {  	s1 =	sld [smem:$0x3F98];
	s0 =	simm.s32 @p0 $0x1  }
0x13: {  	[smem:$0x3FB3] =	sst s0;
	s0 =	simm.s32 @!p1 $0x0  }
0x14: {  	s2 =	sld [smem:$0x3F97];
	s0 =	simm.s32 @p1 $0x1  }
0x15: {  	[smem:$0x3FB4] =	sst s0;
	s0 =	simm.s32 @!p2 $0x0  }
0x16: {  	s3 =	sld [smem:$0x3FDB];
	s0 =	simm.s32 @p2 $0x1  }
0x17: {  	s4 =	simm.s32 $0x1BF5;
	[smem:$0x3FB6] =	sst s0  }
0x18: {  	s0 =	sld [smem:$0x3F99];
	_ =	swait.ge [sflag:s4], $0x0  }
0x19: {  	s7 =	sld [smem:$0x3F9A]  }
0x1a: {  	s8 =	sadd.s32 $0xFFFFE003, lr  }
0x1b: {  	s9 =	sadd.s32 $0xFFFFFEF7, lr;
	s5 =	simm.s32 $0xFFFFFFFF;
	p2 =	slt.u32 s8, $0xFFFFF086  }
0x1c: {  	p1 =	slt.u32 s9, $0xF7A;
	s5 =	simm.s32 @!p2 $0x0  }
0x1d: {  	s5 =	simm.s32 @p1 $0x1;
	p0 =	seq.s32 s7, s2  }
0x1e: {  	s7 =	smul.u32 @!p0 $0xF7A, s2;
	p2 =	seq.s32 @!p0 s5, $0x0  }
0x1f: {  	s9 =	smul.u32 $0xF7A, s1;
	s8 =	simm.s32 @!p0 $0x1BF5;
	p2 =	por !p2, p0  }
0x20: {  	[sflag:s8] =	ssyncset.s32 @!p0 $0xFFFFF086;
	s6 =	sadd.s32 @!p0 s3, s7;
	s7 =	simm.s32 @!p0 $0x108  }
0x21: {  	s3 =	sadd.s32 s3, s9;
	s6 =	sadd.s32 @!p0 $0x88, s6;
	s7 =	simm.s32 @p2 $0x1082  }
0x22: {  	[simem:s7], [sflag:s8] =	dma.local @!p0 [hbm:s6], $0xF7A  }
0x23: {  	s9 =	sor.u32 $0xD0000000, s2;
	s6 =	simm.s32 $0x108;
	_ =	swait.ge @!p0 [sflag:s8], $0x0  }
0x24: {  	s3 =	sadd.s32 $0x88, s3;
	s6 =	simm.s32 @!p1 $0x1082;
	[sflag:s4] =	ssyncset.s32 $0xFFFFF086  }
0x25: {  	[simem:s6], [sflag:s4] =	dma.local [hbm:s3], $0xF7A  }
0x26: {  	[smem:$0x3F9A] =	sst s1;
	(tag) =	ssettag s2;
	_ =	strace s9  }
0x27: {  	s1 =	sld [smem:$0x3FAA]  }
0x28: {  	s2 =	sld [smem:$0x3FAB]  }
0x29: {  	s4 =	sld [smem:$0x3FAD]  }
0x2a: {  	p0 =	seq.s32 s5, $0x0;
	s5 =	sld [smem:$0x3FAE]  }
0x2b: {  	s6 =	sld [smem:$0x3FAF]  }
0x2c: {  	s7 =	sld [smem:$0x3FB0]  }
0x2d: {  	s3 =	simm.s32 $0x108;
	s8 =	sld [smem:$0x3FB1]  }
0x2e: {  	s3 =	simm.s32 @!p0 $0x1082;
	s9 =	sld [smem:$0x3FB2]  }
0x2f: {  	lr =	sadd.s32 s0, s3;
	s0 =	sld [smem:$0x3FA9]  }
0x30: {  	s3 =	sld [smem:$0x3FAC]  }
0x31: {  	[smem:$0x3FB5] =	sst s10  }
0x32: {  	s10 =	sld [smem:$0x3FB3];
	_ =	sdelay $0x3  }
0x33: {  	p0 =	seq.s32 s10, $0x1;
	s10 =	sld [smem:$0x3FB5];
	_ =	sdelay $0x3  }
0x34: {  	[smem:$0x3FB5] =	sst s10  }
0x35: {  	s10 =	sld [smem:$0x3FB4];
	_ =	sdelay $0x3  }
0x36: {  	p1 =	seq.s32 s10, $0x1;
	s10 =	sld [smem:$0x3FB5];
	_ =	sdelay $0x3  }
0x37: {  	[smem:$0x3FB5] =	sst s10  }
0x38: {  	s10 =	sld [smem:$0x3FB6]  }
0x39: {  	_ = 	snop;
	(pc) =	sbr.ind lr, $3  }
0x3a: {  	_ = 	snop  }
0x3b: {  	_ = 	snop  }
0x3c: {  	p2 =	seq.s32 s10, $0x1;
	s10 =	sld [smem:$0x3FB5]  }
0x3d: {  	_ =	shalt  }
0x3e: {  	_ =	shalt  }
0x3f: {  	_ =	shalt  }
0x40: {  	_ =	shalt  }
0x41: {  	_ =	shalt  }
0x42: {  	_ =	shalt  }
0x43: {  	_ =	shalt  }
0x44: {  	_ =	shalt  }
0x45: {  	_ =	shalt  }
0x46: {  	_ =	shalt  }
0x47: {  	_ =	shalt  }
0x48: {  	_ =	shalt  }
0x49: {  	_ =	shalt  }
0x4a: {  	_ =	shalt  }
0x4b: {  	_ =	shalt  }
0x4c: {  	_ =	shalt  }
0x4d: {  	_ =	shalt  }
0x4e: {  	_ =	shalt  }
0x4f: {  	_ =	shalt  }
0x50: {  	_ =	shalt  }
0x51: {  	_ =	shalt  }
0x52: {  	_ =	shalt  }
0x53: {  	_ =	shalt  }
0x54: {  	_ =	shalt  }
0x55: {  	_ =	shalt  }
0x56: {  	_ =	shalt  }
0x57: {  	_ =	shalt  }
0x58: {  	_ =	shalt  }
0x59: {  	_ =	shalt  }
0x5a: {  	_ =	shalt  }
0x5b: {  	_ =	shalt  }
0x5c: {  	_ =	shalt  }
0x5d: {  	_ =	shalt  }
0x5e: {  	_ =	shalt  }
0x5f: {  	_ =	shalt  }
0x60: {  	_ =	shalt  }
0x61: {  	_ =	shalt  }
0x62: {  	_ =	shalt  }
0x63: {  	_ =	shalt  }
0x64: {  	_ =	shalt  }
0x65: {  	_ =	shalt  }
0x66: {  	_ =	shalt  }
0x67: {  	_ =	shalt  }
0x68: {  	_ =	shalt  }
0x69: {  	_ =	shalt  }
0x6a: {  	_ =	shalt  }
0x6b: {  	_ =	shalt  }
0x6c: {  	_ =	shalt  }
0x6d: {  	_ =	shalt  }
0x6e: {  	_ =	shalt  }
0x6f: {  	_ =	shalt  }
0x70: {  	_ =	shalt  }
0x71: {  	_ =	shalt  }
0x72: {  	_ =	shalt  }
0x73: {  	_ =	shalt  }
0x74: {  	_ =	shalt  }
0x75: {  	_ =	shalt  }
0x76: {  	_ =	shalt  }
0x77: {  	_ =	shalt  }
0x78: {  	_ =	shalt  }
0x79: {  	_ =	shalt  }
0x7a: {  	_ =	shalt  }
0x7b: {  	_ =	shalt  }
0x7c: {  	_ =	shalt  }
0x7d: {  	_ =	shalt  }
0x7e: {  	_ =	shalt  }
0x7f: {  	_ =	shalt  }
0x80: {  	_ =	shalt  }
0x81: {  	_ =	shalt  }
0x82: {  	_ =	shalt  }
0x83: {  	_ =	shalt  }
0x84: {  	_ =	shalt  }
0x85: {  	_ =	shalt  }
0x86: {  	_ =	shalt  }
0x87: {  	_ =	shalt  }
.Lfunc_end0:
.L_simem_size_0:
called_computation_lowered:
.L_overlay_start_0:
0x88: {  	s2 =	sld [smem:$0x3FD9]  }
0x89: {  	s3 =	sld [smem:$0x3FFE];
	_ =	sdelay $0x1  }
0x8a: {  	s1 =	srdreg.scid  }
0x8b: {  	s0 =	sand.u32 $0x1, s1  }
0x8c: {  	s14 =	sshll.u32 s0, $0xA;
	s2 =	sadd.s32 s3, s2  }
0x8d: {  	s2 =	sadd.s32 s2, s14  }
0x8e: {  	[smem:$0x3FC1] =	sst s2  }
0x8f: {  	_ = 	snop  }
0x90: {  	s2 =	sld [smem:$0x3FD0];
	_ =	sdelay $0x2  }
0x91: {  	s15 =	simm.s32 $0xA;
	s4 =	simm.s32 $0x10  }
0x92: {  	[smem:s4], [sflag:s15] =	dma.local [hbm:s2], $0x1  }
0x93: {  	_ =	swait.eq [sflag:s15], $0x1  }
0x94: {  	[sflag:s15] =	ssyncset.done $0x0  }
0x95: {  	[sflag:s15] =	ssyncadd.s32 $0xFFFFFFFF  }
0x96: {  	s16 =	sld [smem:$0x11];
	(tm) =	ssettm $0x1  }
0x97: {  	s17 =	sld [smem:$0x3FFB];
	_ =	sdelay $0x3  }
0x98: {  	_ =	strace s17  }
0x99: {  	s3 =	sld [smem:$0x3FFC];
	_ =	sdelay $0x3  }
0x9a: {  	_ =	strace s3  }
0x9b: {  	s3 =	sld [smem:$0x3FFD];
	_ =	sdelay $0x3  }
0x9c: {  	_ =	strace s3  }
0x9d: {  	_ =	strace $0x8FFFFFFF  }
0x9e: {  	s18 =	sld [smem:$0x3FDB];
	_ =	sdelay $0x1  }
0x9f: {  	s19 =	simm.s32 $_scs_section_size  }
0xa0: {  	s5 =	simm.s32 $_size__tile_overlayer_lowered;
	s6 =	simm.s32 $_tile_overlayer_lowered  }
0xa1: {  	s22 =	simm.s32 $0x1BFF;
	s21 =	sshll.u32 s6, $0x1;
	s3 =	sadd.s32 s19, s18  }
0xa2: {  	s7 =	simm.s32 $0x0;
	s20 =	sshll.u32 s5, $0x1;
	s5 =	sadd.s32 s21, s3  }
0xa3: {  	[timem:s7], [sflag:s22] =	dma.local [hbm:s5], s20  }
0xa4: {  	_ =	swait.ge [sflag:s22], s20  }
0xa5: {  	s4 =	ssub.s32 $0x0, s20;
	[sflag:s22] =	ssyncset.done $0x0  }
0xa6: {  	[sflag:s22] =	ssyncadd.s32 s4;
	_ =	sdelay $0x1  }
0xa7: {  	s23 =	simm.s32 $0x1B8B  }
0xa8: {  	_ =	swait.ge [sflag:s23], $0x1  }
0xa9: {  	[sflag:s23] =	ssyncset.done $0x0  }
0xaa: {  	s25 =	simm.s32 $0x1B8E;
	s24 =	sld [smem:$0x3FFE];
	[sflag:s23] =	ssyncadd.s32 $0xFFFFFFFF  }
0xab: {  	s26 =	simm.s32 $execute0_lowered;
	[smem:$0x3FD2] =	sst s25  }
0xac: {  	s5 =	sshll.u32 s26, $0x1;
	_ =	strace $0x80000046;
	[dreg:$0x1] =	wrdreg $0xFFFFFFFF  }
0xad: {  	s28 =	simm.s32 $_size_execute0_lowered;
	s3 =	sadd.s32 s3, s5;
	[dreg:$0x0] =	wrdreg $0x0  }
0xae: {  	s5 =	sshll.u32 s28, $0x1;
	[dreg:$0x2] =	wrdreg s3  }
0xaf: {  	[dreg:$0x3] =	wrdreg s5  }
0xb0: {  	[dreg:$0x4] =	wrdreg $0xC0  }
0xb1: {  	_ =	task [dreg:s7], $0x5FFFF  }
0xb2: {  	[dreg:$0x1] =	wrdreg $0xFFFFFFFF  }
0xb3: {  	[dreg:$0x0] =	wrdreg $0x60  }
0xb4: {  	[dreg:$0x2] =	wrdreg s24  }
0xb5: {  	[dreg:$0x3] =	wrdreg s16  }
0xb6: {  	[dreg:$0x4] =	wrdreg $0x9  }
0xb7: {  	_ =	task.clear_ibuf [dreg:s7], $0x5FFFF;
	_ =	strace $0x90000046  }
0xb8: {  	s29 =	simm.s32 $0x9;
	_ =	strace $0x80000048  }
0xb9: {  	_ =	swait.ge [sflag:s29], $0x1  }
0xba: {  	[sflag:s29] =	ssyncadd.s32 $0xFFFFFFFF  }
0xbb: {  	_ =	strace $0x90000048  }
0xbc: {  	_ =	sfence  }
0xbd: {  	s30 =	sld [smem:$0x0];
	_ =	sdelay $0x2  }
0xbe: {  	s31 =	sshll.u32 s1, $0xD;
	s1 =	sshrl.u32 s1, $0x2  }
0xbf: {  	s3 =	sand.u32 $0x4000, s31;
	s1 =	sadd.s32 s1, s30  }
0xc0: {  	s0 =	sor.u32 s3, s0;
	s1 =	sshll.u32 s1, $0x11  }
0xc1: {  	s0 =	sor.u32 s1, s0  }
0xc2: {  	s0 =	sadd.s32 $0x8F2B, s0  }
0xc3: {  	[sflag:s0] =	ssyncadd.remote.s32 $0x1  }
0xc4: {  	_ =	sfence.sel $0xFFFF  }
0xc5: {  	[dreg:$0x0] =	wrdreg $0xFFFFFFFF;
	(pc) =	sbr.abs _section_cstart, $3  }
0xc6: {  	[dreg:$0x1] =	wrdreg $0xFFFFFFFF  }
0xc7: {  	_ =	task.clear_ibuf [dreg:s7], $0x2FFFF;
	_ =	strace $0x9FFFFFFF  }
0xc8: {  	(tm) =	ssettm $0x7FFFFFFF  }
0xc9: {  	_ =	shalt  }
tec
execute0_lowered:
.L_overlay_start_1:
0x0: {  	(tag) =	ssettag $0x1  }
0x1: {  	v0 =	vimm.s32 $0xFEDCBA98;
	v1 =	vimm.s32 $0x76543210;
	v2 =	vimm.s32 $0xBA98FEDC  }
0x2: {  	v3 =	vimm.s32 $0x32107654;
	v4 =	vimm.s32 $0xDCFE98BA;
	v5 =	vimm.s32 $0x54761032  }
0x3: {  	v6 =	vimm.s32 $0xEFCDAB89;
	v7 =	vimm.s32 $0x67452301;
	vm2 =	vmmov $0x1  }
0x4: {  	vm3 =	vmmov $0x3;
	vm4 =	vmmov $0x7;
	vm5 =	vmmov $0xf  }
0x5: {  	vm6 =	vmmov $0x1f;
	vm7 =	vmmov $0x3f;
	vm8 =	vmmov $0x7f  }
0x6: {  	vm9 =	vmmov $0xff;
	vm10 =	vmmov $0x1ff;
	vm11 =	vmmov $0x3ff  }
0x7: {  	vm12 =	vmmov $0x7ff;
	vm13 =	vmmov $0xfff;
	vm14 =	vmmov $0x1fff  }
0x8: {  	s3 =	rddreg [dreg:$0x0];
	vm15 =	vmmov $0x3fff;
	vm0 =	vmmov $0x7fff;
	v9 =	vimm.s32 $0x0  }
0x9: {  	s4 =	rddreg [dreg:$0x1];
	v0 =	vunpack.c.l.s4.s8 v0;
	v1 =	vunpack.c.l.s4.s8 v1;
	v2 =	vunpack.c.l.s4.s8 v2  }
0xa: {  	s0 =	rddreg [dreg:$0x2];
	s2 =	simm.s32 $0x0;
	v3 =	vunpack.c.l.s4.s8 v3;
	v4 =	vunpack.c.l.s4.s8 v4;
	v5 =	vunpack.c.l.s4.s8 v5  }
0xb: {  	v6 =	vunpack.c.l.s4.s8 v6;
	v7 =	vunpack.c.l.s4.s8 v7;
	[smem:$0x7FF] =	sst s2;
	v9 =	vsel vm2, $0xFFFFFFFF, v9  }
0xc: {  	s5 =	srdreg.scid;
	s1 =	stileid.u32;
	_ =	strace $0x80000047;
	[tilespmem:$0x1FFE0] =	vst v9;
	v9 =	vimm.s32 $0x0;
	v0 =	vunpack.c.0.s8.s32 v0;
	v2 =	vunpack.c.0.s8.s32 v2  }
0xd: {  	s5 =	sand.u32 $0x1, s5;
	s6 =	sshll.u32 s1, $0x1;
	v3 =	vunpack.c.0.s8.s32 v3;
	v4 =	vunpack.c.0.s8.s32 v4;
	v5 =	vunpack.c.0.s8.s32 v5  }
0xe: {  	s6 =	sor.u32 s5, s6;
	v1 =	vunpack.c.0.s8.s32 v1;
	v6 =	vunpack.c.0.s8.s32 v6;
	v7 =	vunpack.c.0.s8.s32 v7  }
0xf: {  	s10 =	simm.s32 $0x0;
	s5 =	ssub.s32 $0x2, s5;
	s7 =	sshll.u32 s6, $0xA;
	v0 =	vand.u32 $0xF, v0;
	v2 =	vcombine.low v3, v2;
	v3 =	vcombine.low v5, v4  }
0x10: {  	s6 =	sshll.u32 s6, $0x6;
	s31 =	sshrl.u32 s5, $0x1;
	v9 =	vsel vm0, $0xFFFFFFFF, v9;
	s7 =	sadd.s32 s7, s3;
	v4 =	vcombine.low v7, v6;
	v0 =	vcombine.low v0, v1  }
0x11: {  	s8 =	sadd.s32 s6, s3;
	s9 =	ssub.s32 s5, s31;
	s4 =	sadd.s32 s4, s6;
	v1 =	vand.u32 $0xF, v2;
	v2 =	vand.u32 $0xF, v3;
	v3 =	vlaneseq.u32  }
0x12: {  	s3 =	sadd.s32 $0x1200, s7;
	s5 =	sadd.s32 $0x9200, s8;
	s6 =	smax.u32 s9, $0x1;
	v4 =	vand.u32 $0xF, v4;
	v5 =	vor.u32 $0x30, v3;
	v8 =	vshrl.u32 v3, $0x3  }
0x13: {  	[tilespmem:$0x1FFF0] =	vst v9;
	s7 =	simm.s32 $0x1;
	s8 =	simm.s32 $0x2000;
	s9 =	simm.s32 $0x2200;
	v6 =	vor.u32 $0x20, v3;
	v7 =	vor.u32 $0x10, v3;
	v8 =	vmul.u32 $0x8, v8  }
.LBB2_1:
0x14: {  	[tilespmem:s2], [sflag:$0x1] =	stream.linear.gather [hbm4b:s3+s2], $0x2000, $0x38;
	[tilespmem:$0x2400] =	vst v63  }
0x15: {  	_ =	swait.ge [sflag:s7], $0x2000  }
0x16: {  	[sflag:s7] =	ssyncset.done $0x0  }
0x17: {  	s11 =	simm.s32 $0x80;
	s12 =	simm.s32 $0x0;
	[sflag:s7] =	ssyncadd.s32 $0xFFFFE000  }
.LBB2_2:
0x18: {  	v10 =	vld [tilespmem:s11+$0xFFFFFF80]  }
0x19: {  	v13 =	vld [tilespmem:s11+$0xFFFFFF90]  }
0x1a: {  	v14 =	vld [tilespmem:s11+$0xFFFFFFA0]  }
0x1b: {  	v15 =	vld [tilespmem:s11+$0xFFFFFFB0];
	_ =	sdelay $0x4  }
0x1c: {  	v9 =	vmax.f32 v10, v13;
	v11 =	vmax.f32 v14, v15  }
0x1d: {  	v9 =	vmax.f32 v9, v11  }
0x1e: {  	v11 =	vperm.xlane v9, v0;
	_ =	sdelay $0x1  }
0x1f: {  	v9 =	vmax.f32 v9, v11  }
0x20: {  	v11 =	vperm.xlane v9, v1;
	_ =	sdelay $0x1  }
0x21: {  	v9 =	vmax.f32 v9, v11  }
0x22: {  	v11 =	vperm.xlane v9, v2;
	_ =	sdelay $0x1  }
0x23: {  	v16 =	vld [tilespmem:s11+$0x0];
	v9 =	vmax.f32 v9, v11  }
0x24: {  	v17 =	vld [tilespmem:s11+$0x10];
	v11 =	vperm.xlane v9, v4  }
0x25: {  	v18 =	vld [tilespmem:s11+$0x20]  }
0x26: {  	v19 =	vld [tilespmem:s11+$0x30];
	v11 =	vmax.f32 v9, v11  }
0x27: {  	vm2 =	vmmov vm15;
	vm15 =	veq.f32 v15, v11  }
0x28: {  	vm0 =	veq.f32 v14, v11;
	v9 =	vnsel vm15, $0x40, v5  }
0x29: {  	vm15 =	veq.f32 v13, v11;
	v9 =	vsel vm0, v6, v9  }
0x2a: {  	vm0 =	veq.f32 v10, v11;
	v9 =	vsel vm15, v7, v9  }
0x2b: {  	v12 =	vmax.f32 v16, v17;
	v20 =	vmax.f32 v18, v19;
	v9 =	vsel vm0, v3, v9  }
0x2c: {  	v12 =	vmax.f32 v12, v20;
	v21 =	vperm.xlane v9, v0  }
0x2d: {  	v20 =	vperm.xlane v12, v0  }
0x2e: {  	vm0 =	vlt.s32 v9, v21  }
0x2f: {  	v12 =	vmax.f32 v12, v20;
	v9 =	vsel vm0, v9, v21  }
0x30: {  	v57 =	vperm.xlane v12, v1;
	v56 =	vperm.xlane v9, v1;
	_ =	sdelay $0x1  }
0x31: {  	v12 =	vmax.f32 v12, v57;
	vm0 =	vlt.s32 v9, v56  }
0x32: {  	v58 =	vperm.xlane v12, v2;
	v9 =	vsel vm0, v9, v56  }
0x33: {  	v59 =	vperm.xlane v9, v2  }
0x34: {  	v12 =	vmax.f32 v12, v58  }
0x35: {  	v20 =	vperm.xlane v12, v4;
	vm0 =	vlt.s32 v9, v59  }
0x36: {  	v9 =	vsel vm0, v9, v59  }
0x37: {  	v12 =	vmax.f32 v12, v20;
	v21 =	vperm.xlane v9, v4  }
0x38: {  	vm0 =	veq.f32 v19, v12  }
0x39: {  	vm1 =	veq.f32 v18, v12;
	v60 =	vnsel vm0, $0x40, v5;
	vm15 =	vlt.s32 v9, v21  }
0x3a: {  	vm0 =	veq.f32 v17, v12;
	v20 =	vsel vm1, v6, v60;
	v9 =	vsel vm15, v9, v21  }
0x3b: {  	v20 =	vsel vm0, v7, v20;
	vm15 =	veq.f32 v16, v12;
	vm1 =	veq.s32 v9, v3  }
0x3c: {  	vm0 =	veq.s32 v9, v7;
	v61 =	vsel vm1, $0xFF800000, v10;
	v10 =	vsel vm15, v3, v20  }
0x3d: {  	vm1 =	veq.s32 v9, v6;
	vm15 =	veq.s32 v9, v5;
	v22 =	vsel vm0, $0xFF800000, v13  }
0x3e: {  	v20 =	vperm.xlane v10, v0;
	v14 =	vsel vm1, $0xFF800000, v14;
	v23 =	vsel vm15, $0xFF800000, v15  }
0x3f: {  	v13 =	vmax.f32 v61, v22;
	v15 =	vmax.f32 v14, v23  }
0x40: {  	vm0 =	vlt.s32 v10, v20;
	v13 =	vmax.f32 v13, v15  }
0x41: {  	v10 =	vsel vm0, v10, v20;
	v15 =	vperm.xlane v13, v0  }
0x42: {  	v20 =	vperm.xlane v10, v1  }
0x43: {  	v13 =	vmax.f32 v13, v15  }
0x44: {  	vm0 =	vlt.s32 v10, v20;
	v15 =	vperm.xlane v13, v1  }
0x45: {  	v10 =	vsel vm0, v10, v20  }
0x46: {  	v20 =	vperm.xlane v10, v2;
	v13 =	vmax.f32 v13, v15  }
0x47: {  	v15 =	vperm.xlane v13, v2  }
0x48: {  	vm0 =	vlt.s32 v10, v20  }
0x49: {  	v10 =	vsel vm0, v10, v20;
	v13 =	vmax.f32 v13, v15  }
0x4a: {  	v20 =	vperm.xlane v10, v4;
	v15 =	vperm.xlane v13, v4;
	_ =	sdelay $0x1  }
0x4b: {  	vm0 =	vlt.s32 v10, v20;
	v15 =	vmax.f32 v13, v15  }
0x4c: {  	v10 =	vsel vm0, v10, v20;
	vm0 =	veq.f32 v22, v15;
	vm1 =	veq.f32 v23, v15  }
0x4d: {  	vm15 =	veq.s32 v10, v3;
	v62 =	vnsel vm1, $0x40, v5;
	vm1 =	veq.s32 v10, v7  }
0x4e: {  	v63 =	vsel vm15, $0xFF800000, v16;
	v17 =	vsel vm1, $0xFF800000, v17;
	vm1 =	veq.s32 v10, v6  }
0x4f: {  	vm15 =	veq.s32 v10, v5;
	v18 =	vsel vm1, $0xFF800000, v18;
	vm1 =	veq.f32 v14, v15  }
0x50: {  	v24 =	vsel vm15, $0xFF800000, v19;
	v16 =	vmax.f32 v63, v17;
	v13 =	vsel vm1, v6, v62  }
0x51: {  	v19 =	vmax.f32 v18, v24;
	vm1 =	veq.f32 v61, v15;
	v13 =	vsel vm0, v7, v13  }
0x52: {  	v16 =	vmax.f32 v16, v19;
	v13 =	vsel vm1, v3, v13  }
0x53: {  	v19 =	vperm.xlane v16, v0;
	v25 =	vperm.xlane v13, v0;
	_ =	sdelay $0x1  }
0x54: {  	v16 =	vmax.f32 v16, v19;
	vm0 =	vlt.s32 v13, v25  }
0x55: {  	v19 =	vperm.xlane v16, v1;
	v13 =	vsel vm0, v13, v25  }
0x56: {  	v25 =	vperm.xlane v13, v1  }
0x57: {  	v16 =	vmax.f32 v16, v19  }
0x58: {  	v19 =	vperm.xlane v16, v2;
	vm0 =	vlt.s32 v13, v25  }
0x59: {  	v13 =	vsel vm0, v13, v25  }
0x5a: {  	v16 =	vmax.f32 v16, v19;
	v29 =	vperm.xlane v13, v2  }
0x5b: {  	v30 =	vperm.xlane v16, v4  }
0x5c: {  	vm0 =	vlt.s32 v13, v29  }
0x5d: {  	v16 =	vmax.f32 v16, v30;
	v13 =	vsel vm0, v13, v29  }
0x5e: {  	vm0 =	veq.f32 v24, v16;
	v19 =	vperm.xlane v13, v4  }
0x5f: {  	vm1 =	veq.f32 v18, v16;
	v31 =	vnsel vm0, $0x40, v5  }
0x60: {  	vm0 =	veq.f32 v17, v16;
	v25 =	vsel vm1, v6, v31;
	vm1 =	vlt.s32 v13, v19  }
0x61: {  	vm15 =	veq.f32 v63, v16;
	v25 =	vsel vm0, v7, v25;
	v13 =	vsel vm1, v13, v19  }
0x62: {  	v32 =	vsel vm15, v3, v25;
	vm0 =	veq.s32 v13, v3  }
0x63: {  	vm1 =	veq.s32 v13, v7;
	v25 =	vperm.xlane v32, v0;
	v21 =	vsel vm0, $0xFF800000, v61  }
0x64: {  	v22 =	vsel vm1, $0xFF800000, v22;
	vm0 =	veq.s32 v13, v6;
	vm1 =	veq.s32 v13, v5  }
0x65: {  	vm15 =	vlt.s32 v32, v25;
	v26 =	vsel vm0, $0xFF800000, v14;
	v23 =	vsel vm1, $0xFF800000, v23  }
0x66: {  	v34 =	vmax.f32 v21, v22;
	v33 =	vsel vm15, v32, v25;
	v35 =	vmax.f32 v26, v23  }
0x67: {  	v27 =	vperm.xlane v33, v1;
	v19 =	vmax.f32 v34, v35  }
0x68: {  	v25 =	vperm.xlane v19, v0  }
0x69: {  	vm0 =	vlt.s32 v33, v27  }
0x6a: {  	v14 =	vsel vm0, v33, v27;
	v19 =	vmax.f32 v19, v25  }
0x6b: {  	v36 =	vperm.xlane v14, v2;
	v37 =	vperm.xlane v19, v1;
	_ =	sdelay $0x1  }
0x6c: {  	vm0 =	vlt.s32 v14, v36;
	v19 =	vmax.f32 v19, v37  }
0x6d: {  	v14 =	vsel vm0, v14, v36;
	v38 =	vperm.xlane v19, v2  }
0x6e: {  	v39 =	vperm.xlane v14, v4  }
0x6f: {  	v19 =	vmax.f32 v19, v38  }
0x70: {  	vm0 =	vlt.s32 v14, v39;
	v25 =	vperm.xlane v19, v4  }
0x71: {  	v14 =	vsel vm0, v14, v39  }
0x72: {  	vm0 =	veq.s32 v14, v3;
	v19 =	vmax.f32 v19, v25  }
0x73: {  	vm1 =	veq.s32 v14, v6;
	vm15 =	veq.s32 v14, v5;
	v40 =	vsel vm0, $0xFF800000, v63  }
0x74: {  	vm0 =	veq.s32 v14, v7;
	v28 =	vsel vm1, $0xFF800000, v18;
	v24 =	vsel vm15, $0xFF800000, v24  }
0x75: {  	vm1 =	veq.f32 v26, v19;
	v41 =	vsel vm0, $0xFF800000, v17;
	vm0 =	veq.f32 v23, v19  }
0x76: {  	v18 =	vmax.f32 v28, v24;
	v17 =	vmax.f32 v40, v41;
	v42 =	vnsel vm0, $0x40, v5  }
0x77: {  	vm0 =	veq.f32 v22, v19;
	v17 =	vmax.f32 v17, v18;
	v43 =	vsel vm1, v6, v42  }
0x78: {  	vm1 =	veq.f32 v21, v19;
	v44 =	vperm.xlane v17, v0;
	v18 =	vsel vm0, v7, v43  }
0x79: {  	v18 =	vsel vm1, v3, v18  }
0x7a: {  	v17 =	vmax.f32 v17, v44;
	v45 =	vperm.xlane v18, v0  }
0x7b: {  	v29 =	vperm.xlane v17, v1  }
0x7c: {  	vm0 =	vlt.s32 v18, v45  }
0x7d: {  	v17 =	vmax.f32 v17, v29;
	v18 =	vsel vm0, v18, v45  }
0x7e: {  	v46 =	vperm.xlane v17, v2;
	v47 =	vperm.xlane v18, v1;
	_ =	sdelay $0x1  }
0x7f: {  	v17 =	vmax.f32 v17, v46;
	vm0 =	vlt.s32 v18, v47  }
0x80: {  	v20 =	vperm.xlane v17, v4;
	v18 =	vsel vm0, v18, v47  }
0x81: {  	v29 =	vperm.xlane v18, v2  }
0x82: {  	v20 =	vmax.f32 v17, v20  }
0x83: {  	vm0 =	veq.f32 v24, v20;
	vm1 =	vlt.s32 v18, v29  }
0x84: {  	vm15 =	veq.f32 v28, v20;
	v48 =	vnsel vm0, $0x40, v5;
	v18 =	vsel vm1, v18, v29  }
0x85: {  	vm0 =	veq.f32 v41, v20;
	v17 =	vsel vm15, v6, v48;
	v29 =	vperm.xlane v18, v4  }
0x86: {  	vm1 =	veq.f32 v40, v20;
	v17 =	vsel vm0, v7, v17  }
0x87: {  	v30 =	vsel vm1, v3, v17;
	vm0 =	vlt.s32 v18, v29  }
0x88: {  	v31 =	vperm.xlane v30, v0;
	v17 =	vsel vm0, v18, v29  }
0x89: {  	vm0 =	veq.s32 v17, v3;
	vm15 =	veq.s32 v17, v5  }
0x8a: {  	vm1 =	vlt.s32 v30, v31;
	v49 =	vsel vm0, $0xFF800000, v21;
	vm0 =	veq.s32 v17, v7  }
0x8b: {  	v52 =	vsel vm15, $0xFF800000, v23;
	v50 =	vsel vm1, v30, v31;
	vm1 =	veq.s32 v17, v6  }
0x8c: {  	v22 =	vsel vm0, $0xFF800000, v22;
	v51 =	vperm.xlane v50, v1;
	v26 =	vsel vm1, $0xFF800000, v26  }
0x8d: {  	v53 =	vmax.f32 v49, v22;
	v54 =	vmax.f32 v26, v52  }
0x8e: {  	vm0 =	vlt.s32 v50, v51;
	v23 =	vmax.f32 v53, v54  }
0x8f: {  	v18 =	vsel vm0, v50, v51;
	v55 =	vperm.xlane v23, v0  }
0x90: {  	v56 =	vperm.xlane v18, v2  }
0x91: {  	v21 =	vmax.f32 v23, v55  }
0x92: {  	vm0 =	vlt.s32 v18, v56;
	v23 =	vperm.xlane v21, v1  }
0x93: {  	v18 =	vsel vm0, v18, v56  }
0x94: {  	v31 =	vperm.xlane v18, v4;
	v21 =	vmax.f32 v21, v23  }
0x95: {  	v23 =	vperm.xlane v21, v2  }
0x96: {  	vm0 =	vlt.s32 v18, v31  }
0x97: {  	v18 =	vsel vm0, v18, v31;
	v21 =	vmax.f32 v21, v23  }
0x98: {  	vm0 =	veq.s32 v18, v3;
	v23 =	vperm.xlane v21, v4;
	vm1 =	veq.s32 v18, v6  }
0x99: {  	vm15 =	veq.s32 v18, v5;
	v25 =	vsel vm0, $0xFF800000, v40;
	vm0 =	veq.s32 v18, v7  }
0x9a: {  	v28 =	vsel vm1, $0xFF800000, v28;
	v57 =	vsel vm15, $0xFF800000, v24;
	v27 =	vsel vm0, $0xFF800000, v41  }
0x9b: {  	v23 =	vmax.f32 v21, v23;
	v24 =	vmax.f32 v28, v57;
	v58 =	vmax.f32 v25, v27  }
0x9c: {  	vm0 =	veq.f32 v52, v23;
	v21 =	vmax.f32 v58, v24  }
0x9d: {  	vm1 =	veq.f32 v26, v23;
	v59 =	vnsel vm0, $0x40, v5;
	v32 =	vperm.xlane v21, v0  }
0x9e: {  	vm0 =	veq.f32 v22, v23;
	v24 =	vsel vm1, v6, v59  }
0x9f: {  	vm1 =	veq.f32 v49, v23;
	v24 =	vsel vm0, v7, v24;
	v21 =	vmax.f32 v21, v32  }
0xa0: {  	v24 =	vsel vm1, v3, v24;
	v32 =	vperm.xlane v21, v1  }
0xa1: {  	v33 =	vperm.xlane v24, v0  }
0xa2: {  	v21 =	vmax.f32 v21, v32  }
0xa3: {  	vm0 =	vlt.s32 v24, v33;
	v32 =	vperm.xlane v21, v2  }
0xa4: {  	v24 =	vsel vm0, v24, v33  }
0xa5: {  	v33 =	vperm.xlane v24, v1;
	v21 =	vmax.f32 v21, v32  }
0xa6: {  	v32 =	vperm.xlane v21, v4  }
0xa7: {  	vm0 =	vlt.s32 v24, v33  }
0xa8: {  	v33 =	vsel vm0, v24, v33;
	v24 =	vmax.f32 v21, v32  }
0xa9: {  	v60 =	vperm.xlane v33, v2;
	vm0 =	veq.f32 v57, v24  }
0xaa: {  	vm1 =	veq.f32 v28, v24;
	v61 =	vnsel vm0, $0x40, v5  }
0xab: {  	vm15 =	veq.f32 v27, v24;
	vm0 =	vlt.s32 v33, v60;
	v32 =	vsel vm1, v6, v61  }
0xac: {  	v21 =	vsel vm0, v33, v60;
	vm0 =	veq.f32 v25, v24;
	v32 =	vsel vm15, v7, v32  }
0xad: {  	v33 =	vperm.xlane v21, v4;
	v32 =	vsel vm0, v3, v32  }
0xae: {  	v34 =	vperm.xlane v32, v0  }
0xaf: {  	vm0 =	vlt.s32 v21, v33  }
0xb0: {  	v21 =	vsel vm0, v21, v33;
	vm0 =	vlt.s32 v32, v34  }
0xb1: {  	vm1 =	veq.s32 v21, v3;
	v32 =	vsel vm0, v32, v34  }
0xb2: {  	v29 =	vsel vm1, $0xFF800000, v49;
	vm0 =	veq.s32 v21, v7;
	vm1 =	veq.s32 v21, v5  }
0xb3: {  	v62 =	vperm.xlane v32, v1;
	v63 =	vsel vm0, $0xFF800000, v22;
	vm0 =	veq.s32 v21, v6  }
0xb4: {  	v30 =	vsel vm1, $0xFF800000, v52;
	v26 =	vsel vm0, $0xFF800000, v26  }
0xb5: {  	v22 =	vmax.f32 v29, v63;
	vm0 =	vlt.s32 v32, v62;
	v35 =	vmax.f32 v26, v30  }
0xb6: {  	v32 =	vsel vm0, v32, v62;
	v22 =	vmax.f32 v22, v35  }
0xb7: {  	v33 =	vperm.xlane v32, v2;
	v35 =	vperm.xlane v22, v0;
	_ =	sdelay $0x1  }
0xb8: {  	vm0 =	vlt.s32 v32, v33;
	v22 =	vmax.f32 v22, v35  }
0xb9: {  	v32 =	vsel vm0, v32, v33;
	v40 =	vperm.xlane v22, v1  }
0xba: {  	v41 =	vperm.xlane v32, v4  }
0xbb: {  	v33 =	vmax.f32 v22, v40  }
0xbc: {  	vm0 =	vlt.s32 v32, v41;
	v36 =	vperm.xlane v33, v2  }
0xbd: {  	v22 =	vsel vm0, v32, v41  }
0xbe: {  	vm0 =	veq.s32 v22, v3;
	v42 =	vmax.f32 v33, v36;
	vm1 =	veq.s32 v22, v6  }
0xbf: {  	vm15 =	veq.s32 v22, v5;
	v43 =	vsel vm0, $0xFF800000, v25;
	vm0 =	veq.s32 v22, v7  }
0xc0: {  	v45 =	vsel vm1, $0xFF800000, v28;
	v31 =	vsel vm15, $0xFF800000, v57;
	v44 =	vsel vm0, $0xFF800000, v27  }
0xc1: {  	v46 =	vperm.xlane v42, v4;
	v28 =	vmax.f32 v45, v31;
	v27 =	vmax.f32 v43, v44  }
0xc2: {  	v28 =	vmax.f32 v27, v28  }
0xc3: {  	v27 =	vmax.f32 v42, v46;
	v47 =	vperm.xlane v28, v0  }
0xc4: {  	vm0 =	veq.f32 v30, v27  }
0xc5: {  	vm1 =	veq.f32 v26, v27;
	v48 =	vnsel vm0, $0x40, v5;
	v25 =	vmax.f32 v28, v47  }
0xc6: {  	vm0 =	veq.f32 v63, v27;
	v49 =	vsel vm1, v6, v48;
	v50 =	vperm.xlane v25, v1  }
0xc7: {  	vm1 =	veq.f32 v29, v27;
	v28 =	vsel vm0, v7, v49  }
0xc8: {  	v28 =	vsel vm1, v3, v28;
	v25 =	vmax.f32 v25, v50  }
0xc9: {  	v51 =	vperm.xlane v28, v0;
	v37 =	vperm.xlane v25, v2;
	_ =	sdelay $0x1  }
0xca: {  	vm0 =	vlt.s32 v28, v51;
	v25 =	vmax.f32 v25, v37  }
0xcb: {  	v32 =	vsel vm0, v28, v51;
	v52 =	vperm.xlane v25, v4  }
0xcc: {  	v53 =	vperm.xlane v32, v1  }
0xcd: {  	v28 =	vmax.f32 v25, v52  }
0xce: {  	vm0 =	vlt.s32 v32, v53;
	vm1 =	veq.f32 v31, v28  }
0xcf: {  	v54 =	vsel vm0, v32, v53;
	vm0 =	veq.f32 v45, v28;
	v55 =	vnsel vm1, $0x40, v5  }
0xd0: {  	v37 =	vperm.xlane v54, v2;
	vm1 =	veq.f32 v44, v28;
	v32 =	vsel vm0, v6, v55  }
0xd1: {  	vm0 =	veq.f32 v43, v28;
	v32 =	vsel vm1, v7, v32  }
0xd2: {  	vm1 =	vlt.s32 v54, v37;
	v32 =	vsel vm0, v3, v32  }
0xd3: {  	v25 =	vsel vm1, v54, v37;
	v56 =	vperm.xlane v32, v0  }
0xd4: {  	v38 =	vperm.xlane v25, v4  }
0xd5: {  	vm0 =	vlt.s32 v32, v56  }
0xd6: {  	vm1 =	vlt.s32 v25, v38;
	v32 =	vsel vm0, v32, v56  }
0xd7: {  	v25 =	vsel vm1, v25, v38;
	v37 =	vperm.xlane v32, v1  }
0xd8: {  	vm0 =	veq.s32 v25, v3;
	vm1 =	veq.s32 v25, v7;
	vm15 =	veq.s32 v25, v5  }
0xd9: {  	v57 =	vsel vm0, $0xFF800000, v29;
	v34 =	vsel vm1, $0xFF800000, v63;
	vm1 =	veq.s32 v25, v6  }
0xda: {  	v30 =	vsel vm15, $0xFF800000, v30;
	vm0 =	vlt.s32 v32, v37;
	v59 =	vsel vm1, $0xFF800000, v26  }
0xdb: {  	v61 =	vmax.f32 v57, v34;
	v58 =	vsel vm0, v32, v37;
	v39 =	vmax.f32 v59, v30  }
0xdc: {  	v60 =	vperm.xlane v58, v2;
	v32 =	vmax.f32 v61, v39  }
0xdd: {  	v39 =	vperm.xlane v32, v0  }
0xde: {  	vm0 =	vlt.s32 v58, v60  }
0xdf: {  	v26 =	vsel vm0, v58, v60;
	v32 =	vmax.f32 v32, v39  }
0xe0: {  	v29 =	vperm.xlane v26, v4;
	v39 =	vperm.xlane v32, v1;
	_ =	sdelay $0x1  }
0xe1: {  	vm0 =	vlt.s32 v26, v29;
	v62 =	vmax.f32 v32, v39  }
0xe2: {  	v26 =	vsel vm0, v26, v29;
	v32 =	vperm.xlane v62, v2  }
0xe3: {  	vm0 =	veq.s32 v26, v3;
	vm1 =	veq.s32 v26, v6;
	vm15 =	veq.s32 v26, v5  }
0xe4: {  	v33 =	vsel vm0, $0xFF800000, v43;
	vm0 =	veq.s32 v26, v7;
	v36 =	vsel vm1, $0xFF800000, v45  }
0xe5: {  	v63 =	vsel vm15, $0xFF800000, v31;
	v29 =	vmax.f32 v62, v32;
	v35 =	vsel vm0, $0xFF800000, v44  }
0xe6: {  	v45 =	vmax.f32 v36, v63;
	v40 =	vperm.xlane v29, v4;
	v44 =	vmax.f32 v33, v35  }
0xe7: {  	v32 =	vmax.f32 v44, v45  }
0xe8: {  	v31 =	vmax.f32 v29, v40;
	v41 =	vperm.xlane v32, v0  }
0xe9: {  	vm0 =	veq.f32 v30, v31  }
0xea: {  	vm1 =	veq.f32 v59, v31;
	v47 =	vnsel vm0, $0x40, v5;
	v46 =	vmax.f32 v32, v41  }
0xeb: {  	vm0 =	veq.f32 v34, v31;
	v32 =	vsel vm1, v6, v47;
	v48 =	vperm.xlane v46, v1  }
0xec: {  	vm1 =	veq.f32 v57, v31;
	v32 =	vsel vm0, v7, v32  }
0xed: {  	v32 =	vsel vm1, v3, v32;
	v29 =	vmax.f32 v46, v48  }
0xee: {  	v49 =	vperm.xlane v32, v0;
	v40 =	vperm.xlane v29, v2;
	_ =	sdelay $0x1  }
0xef: {  	vm0 =	vlt.s32 v32, v49;
	v29 =	vmax.f32 v29, v40  }
0xf0: {  	v41 =	vsel vm0, v32, v49;
	v40 =	vperm.xlane v29, v4  }
0xf1: {  	v42 =	vperm.xlane v41, v1  }
0xf2: {  	v32 =	vmax.f32 v29, v40  }
0xf3: {  	vm1 =	vlt.s32 v41, v42;
	vm0 =	veq.f32 v63, v32  }
0xf4: {  	vm15 =	veq.f32 v36, v32;
	v51 =	vsel vm1, v41, v42;
	v50 =	vnsel vm0, $0x40, v5  }
0xf5: {  	vm0 =	veq.f32 v35, v32;
	v41 =	vperm.xlane v51, v2;
	v29 =	vsel vm15, v6, v50  }
0xf6: {  	vm1 =	veq.f32 v33, v32;
	v29 =	vsel vm0, v7, v29  }
0xf7: {  	vm0 =	vlt.s32 v51, v41;
	v29 =	vsel vm1, v3, v29  }
0xf8: {  	v40 =	vsel vm0, v51, v41;
	v52 =	vperm.xlane v29, v0  }
0xf9: {  	v41 =	vperm.xlane v40, v4  }
0xfa: {  	vm0 =	vlt.s32 v29, v52  }
0xfb: {  	v42 =	vsel vm0, v29, v52;
	vm0 =	vlt.s32 v40, v41  }
0xfc: {  	v43 =	vperm.xlane v42, v1;
	v29 =	vsel vm0, v40, v41  }
0xfd: {  	vm0 =	veq.s32 v29, v3;
	vm15 =	veq.s32 v29, v5  }
0xfe: {  	vm1 =	vlt.s32 v42, v43;
	v38 =	vsel vm0, $0xFF800000, v57;
	vm0 =	veq.s32 v29, v7  }
0xff: {  	v53 =	vsel vm1, v42, v43;
	vm1 =	veq.s32 v29, v6;
	v34 =	vsel vm0, $0xFF800000, v34  }
0x100: {  	v42 =	vsel vm15, $0xFF800000, v30;
	v54 =	vperm.xlane v53, v2;
	v37 =	vsel vm1, $0xFF800000, v59  }
0x101: {  	v55 =	vmax.f32 v38, v34;
	v56 =	vmax.f32 v37, v42  }
0x102: {  	vm0 =	vlt.s32 v53, v54;
	v30 =	vmax.f32 v55, v56  }
0x103: {  	v40 =	vsel vm0, v53, v54;
	v57 =	vperm.xlane v30, v0  }
0x104: {  	v58 =	vperm.xlane v40, v4  }
0x105: {  	v41 =	vmax.f32 v30, v57  }
0x106: {  	vm0 =	vlt.s32 v40, v58;
	v44 =	vperm.xlane v41, v1  }
0x107: {  	v30 =	vsel vm0, v40, v58  }
0x108: {  	vm0 =	veq.s32 v30, v3;
	v59 =	vmax.f32 v41, v44;
	vm1 =	veq.s32 v30, v6  }
0x109: {  	vm15 =	veq.s32 v30, v5;
	v33 =	vsel vm0, $0xFF800000, v33;
	vm0 =	veq.s32 v30, v7  }
0x10a: {  	v36 =	vsel vm1, $0xFF800000, v36;
	v39 =	vsel vm15, $0xFF800000, v63;
	v35 =	vsel vm0, $0xFF800000, v35  }
0x10b: {  	v41 =	vperm.xlane v59, v2;
	v61 =	vmax.f32 v36, v39;
	v60 =	vmax.f32 v33, v35  }
0x10c: {  	v43 =	vmax.f32 v60, v61  }
0x10d: {  	v40 =	vmax.f32 v59, v41;
	v62 =	vperm.xlane v43, v0  }
0x10e: {  	v63 =	vperm.xlane v40, v4  }
0x10f: {  	v41 =	vmax.f32 v43, v62  }
0x110: {  	v40 =	vmax.f32 v40, v63;
	v43 =	vperm.xlane v41, v1  }
0x111: {  	vm0 =	veq.f32 v42, v40  }
0x112: {  	vm1 =	veq.f32 v37, v40;
	v48 =	vnsel vm0, $0x40, v5;
	v41 =	vmax.f32 v41, v43  }
0x113: {  	vm0 =	veq.f32 v34, v40;
	v49 =	vsel vm1, v6, v48;
	v50 =	vperm.xlane v41, v2  }
0x114: {  	vm1 =	veq.f32 v38, v40;
	v43 =	vsel vm0, v7, v49  }
0x115: {  	v43 =	vsel vm1, v3, v43;
	v41 =	vmax.f32 v41, v50  }
0x116: {  	v51 =	vperm.xlane v43, v0;
	v45 =	vperm.xlane v41, v4;
	_ =	sdelay $0x1  }
0x117: {  	vm0 =	vlt.s32 v43, v51;
	v41 =	vmax.f32 v41, v45  }
0x118: {  	v43 =	vsel vm0, v43, v51;
	vm0 =	veq.f32 v39, v41  }
0x119: {  	v44 =	vperm.xlane v43, v1;
	vm1 =	veq.f32 v36, v41;
	v52 =	vnsel vm0, $0x40, v5  }
0x11a: {  	vm0 =	veq.f32 v35, v41;
	v45 =	vsel vm1, v6, v52  }
0x11b: {  	vm15 =	veq.f32 v33, v41;
	vm1 =	vlt.s32 v43, v44;
	v45 =	vsel vm0, v7, v45  }
0x11c: {  	v43 =	vsel vm1, v43, v44;
	v53 =	vsel vm15, v3, v45  }
0x11d: {  	v54 =	vperm.xlane v43, v2;
	v46 =	vperm.xlane v53, v0;
	_ =	sdelay $0x1  }
0x11e: {  	vm0 =	vlt.s32 v43, v54;
	vm1 =	vlt.s32 v53, v46  }
0x11f: {  	v43 =	vsel vm0, v43, v54;
	v44 =	vsel vm1, v53, v46  }
0x120: {  	v45 =	vperm.xlane v43, v4;
	v46 =	vperm.xlane v44, v1;
	_ =	sdelay $0x1  }
0x121: {  	vm0 =	vlt.s32 v43, v45;
	vm1 =	vlt.s32 v44, v46  }
0x122: {  	v43 =	vsel vm0, v43, v45;
	v44 =	vsel vm1, v44, v46  }
0x123: {  	vm0 =	veq.s32 v43, v3;
	vm1 =	veq.s32 v43, v7;
	v55 =	vperm.xlane v44, v2  }
0x124: {  	v38 =	vsel vm0, $0xFF800000, v38;
	v34 =	vsel vm1, $0xFF800000, v34  }
0x125: {  	v56 =	vld [tilespmem:$0x1FFE0];
	vm0 =	veq.s32 v43, v6;
	vm1 =	veq.s32 v43, v5;
	vm15 =	vlt.s32 v44, v55  }
0x126: {  	v37 =	vsel vm0, $0xFF800000, v37;
	v42 =	vsel vm1, $0xFF800000, v42;
	v44 =	vsel vm15, v44, v55  }
0x127: {  	v57 =	vmax.f32 v38, v34;
	v58 =	vmax.f32 v37, v42;
	v47 =	vperm.xlane v44, v4  }
0x128: {  	v45 =	vmax.f32 v57, v58  }
0x129: {  	v46 =	vperm.xlane v45, v0;
	vm0 =	vlt.s32 v44, v47  }
0x12a: {  	vm15 =	vmmov vm2;
	vm2 =	vnez.u8 v56;
	v44 =	vsel vm0, v44, v47  }
0x12b: {  	v11 =	vsel vm2, v11, v15;
	v59 =	vmax.f32 v45, v46;
	vm0 =	veq.s32 v44, v3  }
0x12c: {  	v45 =	vperm.xlane v59, v1;
	v33 =	vsel vm0, $0xFF800000, v33;
	vm0 =	veq.s32 v44, v7  }
0x12d: {  	vm1 =	veq.s32 v44, v5;
	v35 =	vsel vm0, $0xFF800000, v35;
	vm0 =	veq.s32 v44, v6  }
0x12e: {  	v15 =	vmax.f32 v59, v45;
	v39 =	vsel vm1, $0xFF800000, v39;
	v36 =	vsel vm0, $0xFF800000, v36  }
0x12f: {  	v45 =	vperm.xlane v15, v2;
	v60 =	vmax.f32 v33, v35;
	v61 =	vmax.f32 v36, v39  }
0x130: {  	v11 =	vsel vm3, v11, v19;
	v62 =	vmax.f32 v60, v61  }
0x131: {  	v11 =	vsel vm4, v11, v23;
	v15 =	vmax.f32 v15, v45;
	v63 =	vperm.xlane v62, v0  }
0x132: {  	v11 =	vsel vm5, v11, v27;
	v45 =	vperm.xlane v15, v4  }
0x133: {  	v11 =	vsel vm6, v11, v31;
	v19 =	vmax.f32 v62, v63  }
0x134: {  	v11 =	vsel vm7, v11, v40;
	v15 =	vmax.f32 v15, v45;
	v23 =	vperm.xlane v19, v1  }
0x135: {  	v11 =	vsel vm8, v11, v15  }
0x136: {  	v11 =	vsel vm9, v11, v12;
	v46 =	vmax.f32 v19, v23  }
0x137: {  	v48 =	vld [tilespmem:$0x1FFF0];
	v11 =	vsel vm10, v11, v16;
	v47 =	vperm.xlane v46, v2  }
0x138: {  	v11 =	vsel vm11, v11, v20  }
0x139: {  	v11 =	vsel vm12, v11, v24;
	v12 =	vmax.f32 v46, v47  }
0x13a: {  	v11 =	vsel vm13, v11, v28;
	v16 =	vperm.xlane v12, v4  }
0x13b: {  	v11 =	vsel vm14, v11, v32  }
0x13c: {  	vm0 =	vnez.u8 v48;
	v11 =	vsel vm15, v11, v41;
	v12 =	vmax.f32 v12, v16  }
0x13d: {  	v11 =	vsel vm0, v11, v12  }
0x13e: {  	v49 =	vperm.xlane v11, v8;
	_ =	sdelay $0x1  }
0x13f: {  	v11 =	vsub.f32 v11, v49;
	_ =	sdelay $0x1  }
0x140: {  	v11 =	vmul.f32 $1.442695020e+00, v11  }
0x141: {  	vm0 =	veq.f32 v42, v15  }
0x142: {  	vm1 =	veq.f32 v37, v15;
	(erf) = vpow2.f32 v11;
	v11 =	vnsel vm0, $0x40, v5  }
0x143: {  	vm0 =	veq.f32 v34, v15;
	v11 =	vsel vm1, v6, v11  }
0x144: {  	vm1 =	veq.f32 v38, v15;
	v11 =	vsel vm0, v7, v11  }
0x145: {  	v11 =	vsel vm1, v3, v11  }
0x146: {  	v50 =	vperm.xlane v11, v0;
	_ =	sdelay $0x1  }
0x147: {  	vm0 =	vlt.s32 v11, v50  }
0x148: {  	v11 =	vsel vm0, v11, v50  }
0x149: {  	vm1 =	veq.f32 v39, v12;
	v53 =	vperm.xlane v11, v1  }
0x14a: {  	v54 =	vnsel vm1, $0x40, v5;
	vm1 =	veq.f32 v36, v12  }
0x14b: {  	v56 =	vsel vm1, v6, v54;
	v51 =	vpop (erf);
	vm0 =	vlt.s32 v11, v53  }
0x14c: {  	v52 =	vperm.xlane v51, v1;
	v11 =	vsel vm0, v11, v53;
	vm0 =	veq.f32 v35, v12  }
0x14d: {  	vm1 =	veq.f32 v33, v12;
	v57 =	vsel vm0, v7, v56  }
0x14e: {  	v15 =	vadd.f32 v51, v52;
	v58 =	vperm.xlane v11, v2;
	v12 =	vsel vm1, v3, v57  }
0x14f: {  	v59 =	vperm.xlane v12, v0  }
0x150: {  	v9 =	vsel vm2, v9, v13;
	v55 =	vperm.xlane v15, v2;
	vm0 =	vlt.s32 v11, v58  }
0x151: {  	v9 =	vsel vm3, v9, v17;
	v11 =	vsel vm0, v11, v58;
	vm0 =	vlt.s32 v12, v59  }
0x152: {  	v9 =	vsel vm4, v9, v21;
	v15 =	vadd.f32 v15, v55;
	v12 =	vsel vm0, v12, v59  }
0x153: {  	v9 =	vsel vm5, v9, v25;
	v61 =	vperm.xlane v11, v4;
	v62 =	vperm.xlane v12, v1  }
0x154: {  	v9 =	vsel vm6, v9, v29;
	v23 =	vperm.xlane v15, v4  }
0x155: {  	v9 =	vsel vm7, v9, v43;
	vm0 =	vlt.s32 v11, v61;
	vm1 =	vlt.s32 v12, v62  }
0x156: {  	v11 =	vsel vm0, v11, v61;
	v60 =	vadd.f32 v15, v23;
	v12 =	vsel vm1, v12, v62  }
0x157: {  	v9 =	vsel vm8, v9, v11;
	v11 =	vperm.xlane v12, v2  }
0x158: {  	(erf) = vrcp.f32 v60  }
0x159: {  	vm0 =	vlt.s32 v12, v11  }
0x15a: {  	v9 =	vsel vm9, v9, v10;
	v10 =	vsel vm0, v12, v11  }
0x15b: {  	v11 =	vperm.xlane v10, v4;
	_ =	sdelay $0x1  }
0x15c: {  	vm0 =	vlt.s32 v10, v11  }
0x15d: {  	v9 =	vsel vm10, v9, v14;
	v10 =	vsel vm0, v10, v11;
	v11 =	vld [tilespmem:$0x1FFF0]  }
0x15e: {  	v9 =	vsel vm11, v9, v18  }
0x15f: {  	p0 =	sne.s32 s12, $0x7C0;
	v9 =	vsel vm12, v9, v22  }
.Ltmp0:
0x160: {  	v9 =	vsel vm13, v9, v26;
	v63 =	vpop (erf);
	(pc) =	sbr.rel @p0 .LBB2_2-.Ltmp0, $4  }
0x161: {  	v9 =	vsel vm14, v9, v30;
	v12 =	vmul.f32 v63, v51  }
0x162: {  	s13 =	sshra.s32 s12, $0x2;
	v9 =	vsel vm15, v9, v44;
	vm0 =	vnez.u8 v11  }
0x163: {  	[tilespmem:s13+$0x2000] =	vst v12;
	v9 =	vsel vm0, v9, v10  }
0x164: {  	s11 =	sadd.s32 $0x100, s11;
	s12 =	sadd.s32 $0x40, s12;
	[tilespmem:s13+$0x2200] =	vst v9  }
0x165: {  	[hbm4b:s4+s2] =	stream.linear.scatter [tilespmem:s8], [sflag:$0x1], $0x200, $0x38;
	[tilespmem:$0x2400] =	vst v63  }
0x166: {  	s10 =	sadd.s32 $0x1, s10;
	_ =	swait.ge [sflag:s7], $0x200  }
0x167: {  	p0 =	sne.s32 s10, s6;
	[sflag:s7] =	ssyncset.done $0x0  }
.Ltmp1:
0x168: {  	[sflag:s7] =	ssyncadd.s32 $0xFFFFFE00;
	(pc) =	sbr.rel @p0 .LBB2_1-.Ltmp1, $4  }
0x169: {  	[hbm4b:s5+s2] =	stream.linear.scatter [tilespmem:s9], [sflag:$0x1], $0x200, $0x38;
	[tilespmem:$0x2400] =	vst v63  }
0x16a: {  	_ =	swait.ge [sflag:s7], $0x200  }
0x16b: {  	[sflag:s7] =	ssyncset.done $0x0  }
0x16c: {  	[sflag:s7] =	ssyncadd.s32 $0xFFFFFE00  }
0x16d: {  	_ =	sfence.sel $0x180000  }
0x16e: {  	[bflag:$0x0] =	sbarrier.arrive $0xFFFF  }
0x16f: {  	p0 =	sne.s32 s1, $0x0;
	_ =	strace $0x90000047  }
0x170: {  	s0 =	sadd.s32 @!p0 $0x100000, s0;
	[bflag:$0x2] =	sbarrier.arrive $0xFFFF  }
0x171: {  	[sflag:s0] =	ssyncadd.tile.s32 @!p0 $0x1;
	_ =	shalt  }
.Lfunc_end2:
_tile_overlayer_lowered:
.L_overlay_start_2:
0x172: {  	(tag) =	ssettag $0x2  }
0x173: {  	s0 =	rddreg [dreg:$0x0];
	s2 =	stileid.u32  }
0x174: {  	s1 =	rddreg [dreg:$0x1];
	p0 =	sne.s32 s2, $0x0  }
0x175: {  	s3 =	rddreg [dreg:$0x2];
	[bflag:$0x3] =	sbarrier.arrive $0xFFFF;
	s2 =	simm.s32 @!p0 $0x1C01  }
0x176: {  	[timem:s3], [sflag:s2] =	dma.local @!p0 [hbm:s0], s1  }
0x177: {  	s0 =	simm.s32 @!p0 $0x1  }
0x178: {  	_ =	swait.ge @!p0 [sflag:s0], s1  }
0x179: {  	s1 =	ssub.s32 @!p0 $0x0, s1;
	[sflag:s0] =	ssyncset.done @!p0 $0x0  }
0x17a: {  	[sflag:s0] =	ssyncadd.s32 @!p0 s1  }
0x17b: {  	[bflag:$0x3] =	sbarrier.arrive $0xFFFF  }
0x17c: {  	_ =	shalt  }

</sc_bundles>
